<compile_context>
chip_gen: v7x
topology: tpu7x:2x2x1
jax: 0.10.2.dev20260603
libtpu: 0.0.44.dev20260713+nightly
codegen_flags: <defaults>
</compile_context>

<pallas_src>
import jax
import jax.numpy as jnp
from jax import lax
from jax.experimental import pallas as pl
from jax.experimental.pallas import tpu as pltpu
from jax.experimental.pallas import tpu_sc as plsc

_NC, _NS = 2, 16
_NW = _NC * _NS
_K = 128
_ZR = 8
_RING = 2
_GRP = 4
_IH = 2


def _zero_fill(ref, rows, width, value=0.0):
  v16 = jnp.full((16,), value, jnp.float32)

  def zrow(i, _):
    for j in range(width // 16):
      ref[i, pl.ds(j * 16, 16)] = v16
    return 0

  lax.fori_loop(0, rows, zrow, 0, unroll=False)


def _make_spmm(N, NB, D, with_count):
  NPB = NB // _NW
  assert NB % _NW == 0 and NPB % _GRP == 0
  Np = -(-N // (8 * _NS)) * (8 * _NS)
  RPT = Np // _NS
  assert RPT % _ZR == 0

  mesh = plsc.VectorSubcoreMesh(core_axis_name="c", subcore_axis_name="s")
  out_type = [jax.ShapeDtypeStruct((_NC, Np, D), jnp.float32)]
  if with_count:
    out_type.append(jax.ShapeDtypeStruct((_NC, Np, D), jnp.float32))
  HPB = NPB // _IH
  assert HPB % _GRP == 0
  scratch = [
      pltpu.VMEM((_ZR, D), jnp.float32),
      pltpu.VMEM_SHARED((Np, D), jnp.float32),
      pltpu.VMEM((HPB, 2, _K), jnp.int32),
      pltpu.VMEM((_RING, _K, D), jnp.float32),
      pltpu.SemaphoreType.DMA,
      pltpu.SemaphoreType.DMA,
      pltpu.SemaphoreType.DMA,
      pltpu.SemaphoreType.DMA,
      pltpu.SemaphoreType.DMA,
  ]

  def body(x_hbm, idx_hbm, *rest):
    if with_count:
      (out_hbm, cnt_hbm, zb, aggs, idxv, rowsv, isem, gsem0, gsem1,
       ssem0, ssem1) = rest
    else:
      out_hbm, zb, aggs, idxv, rowsv, isem, gsem0, gsem1, ssem0, ssem1 = rest
      cnt_hbm = None
    c = lax.axis_index("c")
    s = lax.axis_index("s")
    base = s * RPT
    gsems = (gsem0, gsem1)
    ssems = (ssem0, ssem1)
    w = c * _NS + s

    pltpu.async_copy(idx_hbm.at[pl.ds(w * NPB, HPB)], idxv, isem)

    _zero_fill(zb, _ZR, D)
    if with_count:
      _zero_fill(rowsv.at[1], _K, D, value=1.0)

    def zchunk(i, _):
      pltpu.sync_copy(zb, aggs.at[pl.ds(base + i * _ZR, _ZR)])
      return 0

    lax.fori_loop(0, RPT // _ZR, zchunk, 0, unroll=False)

    pltpu.make_async_copy(idx_hbm.at[pl.ds(0, HPB)], idxv, isem).wait()
    plsc.subcore_barrier()

    if with_count:
      for h in range(_IH):
        if h > 0:
          pltpu.sync_copy(idx_hbm.at[pl.ds(w * NPB + h * HPB, HPB)], idxv)

        def blk(b, _):
          pltpu.sync_copy(rowsv.at[1], aggs.at[idxv.at[b, 1]], add=True)
          return 0

        lax.fori_loop(0, HPB, blk, 0, unroll=False)

      plsc.subcore_barrier()
      pltpu.sync_copy(aggs.at[pl.ds(base, RPT)],
                      cnt_hbm.at[c, pl.ds(base, RPT)])

      lax.fori_loop(0, RPT // _ZR, zchunk, 0, unroll=False)
      plsc.subcore_barrier()

    for h in range(_IH):
      if h > 0 or with_count:
        pltpu.sync_copy(idx_hbm.at[pl.ds(w * NPB + h * HPB, HPB)], idxv)
      for p in range(_RING - 1):
        pltpu.async_copy(x_hbm.at[idxv.at[p, 0]], rowsv.at[p], gsems[p])

      def grp(g, _):
        b0 = g * _GRP
        for u in range(_GRP):
          b = b0 + u
          nxt = (u + _RING - 1) % _RING

          @pl.when(b + _RING - 1 < HPB)
          def _():
            pltpu.async_copy(x_hbm.at[idxv.at[b + _RING - 1, 0]],
                             rowsv.at[nxt], gsems[nxt])

          pltpu.make_async_copy(x_hbm.at[pl.ds(0, _K)], rowsv.at[u % _RING],
                                gsems[u % _RING]).wait()
          pltpu.sync_copy(rowsv.at[u % _RING], aggs.at[idxv.at[b, 1]],
                          add=True)
        return 0

      lax.fori_loop(0, HPB // _GRP, grp, 0, unroll=False)

    plsc.subcore_barrier()

    pltpu.sync_copy(aggs.at[pl.ds(base, RPT)], out_hbm.at[c, pl.ds(base, RPT)])

  return pl.kernel(body, out_type=out_type, mesh=mesh, scratch_types=scratch)


def _tc_linear(aggp, cntp, x, WlT, bl, WrT, relu):
  N, D = x.shape
  BR = 1000
  assert N % BR == 0

  def body(aggp_ref, cntp_ref, x_ref, wl_ref, bl_ref, wr_ref, o_ref):
    agg = aggp_ref[0] + aggp_ref[1]
    cnt = cntp_ref[0, :, 0:1] + cntp_ref[1, :, 0:1]
    m = agg * (1.0 / jnp.maximum(cnt, 1.0))
    h = (jnp.dot(m, wl_ref[...], preferred_element_type=jnp.float32)
         + bl_ref[...]
         + jnp.dot(x_ref[...], wr_ref[...], preferred_element_type=jnp.float32))
    if relu:
      h = jnp.maximum(h, 0.0)
    o_ref[...] = h

  return pl.pallas_call(
      body,
      grid=(N // BR,),
      in_specs=[
          pl.BlockSpec((2, BR, D), lambda i: (0, i, 0)),
          pl.BlockSpec((2, BR, D), lambda i: (0, i, 0)),
          pl.BlockSpec((BR, D), lambda i: (i, 0)),
          pl.BlockSpec((D, D), lambda i: (0, 0)),
          pl.BlockSpec((1, D), lambda i: (0, 0)),
          pl.BlockSpec((D, D), lambda i: (0, 0)),
      ],
      out_specs=pl.BlockSpec((BR, D), lambda i: (i, 0)),
      out_shape=jax.ShapeDtypeStruct((N, D), jnp.float32),
  )(aggp, cntp, x, WlT, bl, WrT)


def kernel(x, edge_index, W1l, b1, W1r, W2l, b2, W2r):
  N, D = x.shape
  E = edge_index.shape[1]

  Np = -(-N // (8 * _NS)) * (8 * _NS)
  unit = _NW * 8 * _K
  Ep = -(-E // unit) * unit
  NB = Ep // _K
  pad = Ep - E
  if pad:
    pad_src = (jnp.arange(pad, dtype=jnp.int32) * 97) % N
    pad_dst = N + (jnp.arange(pad, dtype=jnp.int32) % (Np - N))
    src = jnp.concatenate([edge_index[0], pad_src])
    dst = jnp.concatenate([edge_index[1], pad_dst])
  else:
    src = edge_index[0]
    dst = edge_index[1]
  idx = jnp.stack([src.reshape(NB, _K), dst.reshape(NB, _K)], axis=1)

  spmm_count = _make_spmm(N, NB, D, with_count=True)
  spmm = _make_spmm(N, NB, D, with_count=False)

  agg1, cntp = spmm_count(x, idx)
  h = _tc_linear(agg1, cntp, x, W1l.T, b1.reshape(1, D), W1r.T, relu=True)
  (agg2,) = spmm(h, idx)
  out = _tc_linear(agg2, cntp, h, W2l.T, b2.reshape(1, D), W2r.T, relu=False)
  return out

# --- scband reference (transcript-rebuilt; emitter-appended) ---
"""Pipeline reference for scband-sage-120259084569 (READ-ONLY COPY).

The authoritative reference and input builder live on the scoring server;
editing this copy changes nothing except your own understanding.
"""

import jax, jax.numpy as jnp
import numpy as np

N = 10000
E = 320000
D = 128


def setup_inputs(seed: int = 0) -> dict:
    key = jax.random.key(seed)
    ks = jax.random.split(key, 9)
    scale = 1.0 / np.sqrt(D)
    x = jax.random.normal(ks[0], (N, D), dtype=jnp.float32)
    edge_index = jax.random.randint(ks[1], (2, E), 0, N, dtype=jnp.int32)
    W1l = jax.random.normal(ks[2], (D, D), dtype=jnp.float32) * scale
    b1 = jnp.zeros((D,), dtype=jnp.float32)
    W1r = jax.random.normal(ks[3], (D, D), dtype=jnp.float32) * scale
    W2l = jax.random.normal(ks[4], (D, D), dtype=jnp.float32) * scale
    b2 = jnp.zeros((D,), dtype=jnp.float32)
    W2r = jax.random.normal(ks[5], (D, D), dtype=jnp.float32) * scale
    return {"x": x, "edge_index": edge_index, "W1l": W1l, "b1": b1, "W1r": W1r,
            "W2l": W2l, "b2": b2, "W2r": W2r}


def _sage_conv(x, edge_index, Wl, bl, Wr):
    # PyG SAGEConv with mean aggregation:
    #   out = lin_l(mean_{j in N(i)} x_j) + lin_r(x_i)
    src = edge_index[0]
    dst = edge_index[1]
    msg = jnp.take(x, src, axis=0)                      # gather over source nodes
    agg = jax.ops.segment_sum(msg, dst, num_segments=N)  # scatter-add by dst
    cnt = jax.ops.segment_sum(jnp.ones((edge_index.shape[1],), x.dtype), dst, num_segments=N)
    agg = agg / jnp.maximum(cnt, 1.0)[:, None]           # mean aggregation
    return agg @ Wl.T + bl + x @ Wr.T


def reference(x, edge_index, W1l, b1, W1r, W2l, b2, W2r):
    # Layer 1 + relu (dropout is identity in eval mode)
    h = _sage_conv(x, edge_index, W1l, b1, W1r)
    h = jax.nn.relu(h)
    # Layer 2 (output layer, no activation)
    out = _sage_conv(h, edge_index, W2l, b2, W2r)
    return out

if __name__ == "__main__":
    import jax
    _d = setup_inputs()
    print(jax.jit(kernel)(*tuple(_d.values())))

</pallas_src>

<mosaic_0001>
#map = affine_map<(d0, d1) -> (0, 0)>
#map1 = affine_map<(d0, d1) -> (0, 0, 0)>
module attributes {stable_mosaic.version = 14 : i64} {
  func.func @body(%arg0: i32, %arg1: i32, %arg2: memref<10000x128xf32, #tpu.memory_space<hbm>>, %arg3: memref<2560x2x128xi32, #tpu.memory_space<hbm>>, %arg4: memref<2x10112x128xf32, #tpu.memory_space<hbm>>, %arg5: memref<2x10112x128xf32, #tpu.memory_space<hbm>>, %arg6: memref<8x128xf32, #tpu.memory_space<vmem>>, %arg7: memref<10112x128xf32, #tpu.memory_space<vmem_shared>>, %arg8: memref<40x2x128xi32, #tpu.memory_space<vmem>>, %arg9: memref<2x128x128xf32, #tpu.memory_space<vmem>>, %arg10: memref<!tpu.dma_semaphore, #tpu.memory_space<semaphore_mem>>, %arg11: memref<!tpu.dma_semaphore, #tpu.memory_space<semaphore_mem>>, %arg12: memref<!tpu.dma_semaphore, #tpu.memory_space<semaphore_mem>>, %arg13: memref<!tpu.dma_semaphore, #tpu.memory_space<semaphore_mem>>, %arg14: memref<!tpu.dma_semaphore, #tpu.memory_space<semaphore_mem>>) attributes {dimension_semantics = [#tpu.dimension_semantics<core_parallel>, #tpu.dimension_semantics<subcore_parallel>], iteration_bounds = array<i64: 2, 16>, scalar_prefetch = 0 : i64, scratch_operands = 9 : i64, tpu.core_type = #tpu.core_type<sc_vector_subcore>, window_params = [{transform_indices = #map}, {transform_indices = #map1}, {transform_indices = #map1}, {transform_indices = #map1}]} {
    %mul3A = arith.constant 632 : i32
    %mul3A_0 = arith.muli %arg1, %mul3A : i32
    %mul3A_1 = arith.constant 16 : i32
    %mul3A_2 = arith.muli %arg0, %mul3A_1 : i32
    %add3A = arith.addi %mul3A_2, %arg1 : i32
    %mul3A_3 = arith.constant 80 : i32
    %mul3A_4 = arith.muli %add3A, %mul3A_3 : i32
    %dma_start3A = arith.constant 0 : i32
    %dma_start3A_5 = arith.constant 0 : i32
    %dma_start3A_6 = tpu.memref_slice %arg3[%mul3A_4, %dma_start3A, %dma_start3A_5] : memref<2560x2x128xi32, #tpu.memory_space<hbm>> -> memref<40x2x128xi32, #tpu.memory_space<hbm>>
    %dma_start3A_7 = arith.constant 0 : i32
    %dma_start3A_8 = arith.constant 0 : i32
    %dma_start3A_9 = tpu.memref_slice %arg3[%mul3A_4, %dma_start3A_7, %dma_start3A_8] : memref<2560x2x128xi32, #tpu.memory_space<hbm>> -> memref<40x2x128xi32, #tpu.memory_space<hbm>>
    tpu.enqueue_dma source(%dma_start3A_9 : memref<40x2x128xi32, #tpu.memory_space<hbm>>) target(%arg8 : memref<40x2x128xi32, #tpu.memory_space<vmem>>) target_semaphore(%arg10 : memref<!tpu.dma_semaphore, #tpu.memory_space<semaphore_mem>>)
    %broadcast_in_dim3A = arith.constant 0.000000e+00 : f32
    %broadcast_in_dim3A_10 = vector.broadcast %broadcast_in_dim3A : f32 to vector<16xf32>
    %scan3A = arith.constant 0 : i32
    %scan3A_11 = arith.constant 0 : i32
    %scan3A_12 = arith.constant 8 : i32
    %scan3A_13 = arith.addi %scan3A_11, %scan3A_12 : i32
    %scan3A_14 = arith.constant 1 : i32
    %scan3A_15 = scf.for %scan3A_117 = %scan3A_11 to %scan3A_13 step %scan3A_14 iter_args(%scan3A_118 = %scan3A) -> (i32)  : i32 {
      %swap3A = arith.index_cast %scan3A_117 : i32 to index
      %swap3A_119 = arith.constant 0 : index
      %swap3A_120 = tpu.vector_load %arg6[%swap3A, %swap3A_119] {strides = array<i32>} : memref<8x128xf32, #tpu.memory_space<vmem>>, vector<1x16xf32>,
      %swap3A_121 = vector.shape_cast %swap3A_120 : vector<1x16xf32> to vector<16xf32>
      %swap3A_122 = vector.shape_cast %broadcast_in_dim3A_10 : vector<16xf32> to vector<1x16xf32>
      tpu.vector_store %arg6[%swap3A, %swap3A_119], %swap3A_122 {strides = array<i32>} : memref<8x128xf32, #tpu.memory_space<vmem>>, vector<1x16xf32>,
      %swap3A_123 = arith.index_cast %scan3A_117 : i32 to index
      %swap3A_124 = arith.constant 16 : index
      %swap3A_125 = tpu.vector_load %arg6[%swap3A_123, %swap3A_124] {strides = array<i32>} : memref<8x128xf32, #tpu.memory_space<vmem>>, vector<1x16xf32>,
      %swap3A_126 = vector.shape_cast %swap3A_125 : vector<1x16xf32> to vector<16xf32>
      %swap3A_127 = vector.shape_cast %broadcast_in_dim3A_10 : vector<16xf32> to vector<1x16xf32>
      tpu.vector_store %arg6[%swap3A_123, %swap3A_124], %swap3A_127 {strides = array<i32>} : memref<8x128xf32, #tpu.memory_space<vmem>>, vector<1x16xf32>,
      %swap3A_128 = arith.index_cast %scan3A_117 : i32 to index
      %swap3A_129 = arith.constant 32 : index
      %swap3A_130 = tpu.vector_load %arg6[%swap3A_128, %swap3A_129] {strides = array<i32>} : memref<8x128xf32, #tpu.memory_space<vmem>>, vector<1x16xf32>,
      %swap3A_131 = vector.shape_cast %swap3A_130 : vector<1x16xf32> to vector<16xf32>
      %swap3A_132 = vector.shape_cast %broadcast_in_dim3A_10 : vector<16xf32> to vector<1x16xf32>
      tpu.vector_store %arg6[%swap3A_128, %swap3A_129], %swap3A_132 {strides = array<i32>} : memref<8x128xf32, #tpu.memory_space<vmem>>, vector<1x16xf32>,
      %swap3A_133 = arith.index_cast %scan3A_117 : i32 to index
      %swap3A_134 = arith.constant 48 : index
      %swap3A_135 = tpu.vector_load %arg6[%swap3A_133, %swap3A_134] {strides = array<i32>} : memref<8x128xf32, #tpu.memory_space<vmem>>, vector<1x16xf32>,
      %swap3A_136 = vector.shape_cast %swap3A_135 : vector<1x16xf32> to vector<16xf32>
      %swap3A_137 = vector.shape_cast %broadcast_in_dim3A_10 : vector<16xf32> to vector<1x16xf32>
      tpu.vector_store %arg6[%swap3A_133, %swap3A_134], %swap3A_137 {strides = array<i32>} : memref<8x128xf32, #tpu.memory_space<vmem>>, vector<1x16xf32>,
      %swap3A_138 = arith.index_cast %scan3A_117 : i32 to index
      %swap3A_139 = arith.constant 64 : index
      %swap3A_140 = tpu.vector_load %arg6[%swap3A_138, %swap3A_139] {strides = array<i32>} : memref<8x128xf32, #tpu.memory_space<vmem>>, vector<1x16xf32>,
      %swap3A_141 = vector.shape_cast %swap3A_140 : vector<1x16xf32> to vector<16xf32>
      %swap3A_142 = vector.shape_cast %broadcast_in_dim3A_10 : vector<16xf32> to vector<1x16xf32>
      tpu.vector_store %arg6[%swap3A_138, %swap3A_139], %swap3A_142 {strides = array<i32>} : memref<8x128xf32, #tpu.memory_space<vmem>>, vector<1x16xf32>,
      %swap3A_143 = arith.index_cast %scan3A_117 : i32 to index
      %swap3A_144 = arith.constant 80 : index
      %swap3A_145 = tpu.vector_load %arg6[%swap3A_143, %swap3A_144] {strides = array<i32>} : memref<8x128xf32, #tpu.memory_space<vmem>>, vector<1x16xf32>,
      %swap3A_146 = vector.shape_cast %swap3A_145 : vector<1x16xf32> to vector<16xf32>
      %swap3A_147 = vector.shape_cast %broadcast_in_dim3A_10 : vector<16xf32> to vector<1x16xf32>
      tpu.vector_store %arg6[%swap3A_143, %swap3A_144], %swap3A_147 {strides = array<i32>} : memref<8x128xf32, #tpu.memory_space<vmem>>, vector<1x16xf32>,
      %swap3A_148 = arith.index_cast %scan3A_117 : i32 to index
      %swap3A_149 = arith.constant 96 : index
      %swap3A_150 = tpu.vector_load %arg6[%swap3A_148, %swap3A_149] {strides = array<i32>} : memref<8x128xf32, #tpu.memory_space<vmem>>, vector<1x16xf32>,
      %swap3A_151 = vector.shape_cast %swap3A_150 : vector<1x16xf32> to vector<16xf32>
      %swap3A_152 = vector.shape_cast %broadcast_in_dim3A_10 : vector<16xf32> to vector<1x16xf32>
      tpu.vector_store %arg6[%swap3A_148, %swap3A_149], %swap3A_152 {strides = array<i32>} : memref<8x128xf32, #tpu.memory_space<vmem>>, vector<1x16xf32>,
      %swap3A_153 = arith.index_cast %scan3A_117 : i32 to index
      %swap3A_154 = arith.constant 112 : index
      %swap3A_155 = tpu.vector_load %arg6[%swap3A_153, %swap3A_154] {strides = array<i32>} : memref<8x128xf32, #tpu.memory_space<vmem>>, vector<1x16xf32>,
      %swap3A_156 = vector.shape_cast %swap3A_155 : vector<1x16xf32> to vector<16xf32>
      %swap3A_157 = vector.shape_cast %broadcast_in_dim3A_10 : vector<16xf32> to vector<1x16xf32>
      tpu.vector_store %arg6[%swap3A_153, %swap3A_154], %swap3A_157 {strides = array<i32>} : memref<8x128xf32, #tpu.memory_space<vmem>>, vector<1x16xf32>,
      %scan3A_158 = arith.constant 0 : i32
      scf.yield %scan3A_158 : i32
    }
    %scan3A_16 = arith.constant 8 : i32
    %broadcast_in_dim3A_17 = arith.constant 1.000000e+00 : f32
    %broadcast_in_dim3A_18 = vector.broadcast %broadcast_in_dim3A_17 : f32 to vector<16xf32>
    %scan3A_19 = arith.constant 1 : i32
    %scan3A_20 = arith.constant 0 : i32
    %scan3A_21 = arith.constant 0 : i32
    %scan3A_22 = arith.constant 128 : i32
    %scan3A_23 = arith.addi %scan3A_21, %scan3A_22 : i32
    %scan3A_24 = arith.constant 1 : i32
    %scan3A_25 = scf.for %scan3A_117 = %scan3A_21 to %scan3A_23 step %scan3A_24 iter_args(%scan3A_118 = %scan3A_20) -> (i32)  : i32 {
      %swap3A = arith.constant 0 : i32
      %swap3A_119 = arith.constant 0 : i32
      %swap3A_120 = tpu.memref_slice %arg9[%scan3A_19, %swap3A, %swap3A_119] : memref<2x128x128xf32, #tpu.memory_space<vmem>> -> memref<1x128x128xf32, #tpu.memory_space<vmem>>
      %swap3A_121 = tpu.memref_squeeze %swap3A_120 : memref<1x128x128xf32, #tpu.memory_space<vmem>> -> memref<128x128xf32, #tpu.memory_space<vmem>>
      %swap3A_122 = arith.index_cast %scan3A_117 : i32 to index
      %swap3A_123 = arith.constant 0 : index
      %swap3A_124 = tpu.vector_load %swap3A_121[%swap3A_122, %swap3A_123] {strides = array<i32>} : memref<128x128xf32, #tpu.memory_space<vmem>>, vector<1x16xf32>,
      %swap3A_125 = vector.shape_cast %swap3A_124 : vector<1x16xf32> to vector<16xf32>
      %swap3A_126 = vector.shape_cast %broadcast_in_dim3A_18 : vector<16xf32> to vector<1x16xf32>
      tpu.vector_store %swap3A_121[%swap3A_122, %swap3A_123], %swap3A_126 {strides = array<i32>} : memref<128x128xf32, #tpu.memory_space<vmem>>, vector<1x16xf32>,
      %swap3A_127 = arith.constant 0 : i32
      %swap3A_128 = arith.constant 0 : i32
      %swap3A_129 = tpu.memref_slice %arg9[%scan3A_19, %swap3A_127, %swap3A_128] : memref<2x128x128xf32, #tpu.memory_space<vmem>> -> memref<1x128x128xf32, #tpu.memory_space<vmem>>
      %swap3A_130 = tpu.memref_squeeze %swap3A_129 : memref<1x128x128xf32, #tpu.memory_space<vmem>> -> memref<128x128xf32, #tpu.memory_space<vmem>>
      %swap3A_131 = arith.index_cast %scan3A_117 : i32 to index
      %swap3A_132 = arith.constant 16 : index
      %swap3A_133 = tpu.vector_load %swap3A_130[%swap3A_131, %swap3A_132] {strides = array<i32>} : memref<128x128xf32, #tpu.memory_space<vmem>>, vector<1x16xf32>,
      %swap3A_134 = vector.shape_cast %swap3A_133 : vector<1x16xf32> to vector<16xf32>
      %swap3A_135 = vector.shape_cast %broadcast_in_dim3A_18 : vector<16xf32> to vector<1x16xf32>
      tpu.vector_store %swap3A_130[%swap3A_131, %swap3A_132], %swap3A_135 {strides = array<i32>} : memref<128x128xf32, #tpu.memory_space<vmem>>, vector<1x16xf32>,
      %swap3A_136 = arith.constant 0 : i32
      %swap3A_137 = arith.constant 0 : i32
      %swap3A_138 = tpu.memref_slice %arg9[%scan3A_19, %swap3A_136, %swap3A_137] : memref<2x128x128xf32, #tpu.memory_space<vmem>> -> memref<1x128x128xf32, #tpu.memory_space<vmem>>
      %swap3A_139 = tpu.memref_squeeze %swap3A_138 : memref<1x128x128xf32, #tpu.memory_space<vmem>> -> memref<128x128xf32, #tpu.memory_space<vmem>>
      %swap3A_140 = arith.index_cast %scan3A_117 : i32 to index
      %swap3A_141 = arith.constant 32 : index
      %swap3A_142 = tpu.vector_load %swap3A_139[%swap3A_140, %swap3A_141] {strides = array<i32>} : memref<128x128xf32, #tpu.memory_space<vmem>>, vector<1x16xf32>,
      %swap3A_143 = vector.shape_cast %swap3A_142 : vector<1x16xf32> to vector<16xf32>
      %swap3A_144 = vector.shape_cast %broadcast_in_dim3A_18 : vector<16xf32> to vector<1x16xf32>
      tpu.vector_store %swap3A_139[%swap3A_140, %swap3A_141], %swap3A_144 {strides = array<i32>} : memref<128x128xf32, #tpu.memory_space<vmem>>, vector<1x16xf32>,
      %swap3A_145 = arith.constant 0 : i32
      %swap3A_146 = arith.constant 0 : i32
      %swap3A_147 = tpu.memref_slice %arg9[%scan3A_19, %swap3A_145, %swap3A_146] : memref<2x128x128xf32, #tpu.memory_space<vmem>> -> memref<1x128x128xf32, #tpu.memory_space<vmem>>
      %swap3A_148 = tpu.memref_squeeze %swap3A_147 : memref<1x128x128xf32, #tpu.memory_space<vmem>> -> memref<128x128xf32, #tpu.memory_space<vmem>>
      %swap3A_149 = arith.index_cast %scan3A_117 : i32 to index
      %swap3A_150 = arith.constant 48 : index
      %swap3A_151 = tpu.vector_load %swap3A_148[%swap3A_149, %swap3A_150] {strides = array<i32>} : memref<128x128xf32, #tpu.memory_space<vmem>>, vector<1x16xf32>,
      %swap3A_152 = vector.shape_cast %swap3A_151 : vector<1x16xf32> to vector<16xf32>
      %swap3A_153 = vector.shape_cast %broadcast_in_dim3A_18 : vector<16xf32> to vector<1x16xf32>
      tpu.vector_store %swap3A_148[%swap3A_149, %swap3A_150], %swap3A_153 {strides = array<i32>} : memref<128x128xf32, #tpu.memory_space<vmem>>, vector<1x16xf32>,
      %swap3A_154 = arith.constant 0 : i32
      %swap3A_155 = arith.constant 0 : i32
      %swap3A_156 = tpu.memref_slice %arg9[%scan3A_19, %swap3A_154, %swap3A_155] : memref<2x128x128xf32, #tpu.memory_space<vmem>> -> memref<1x128x128xf32, #tpu.memory_space<vmem>>
      %swap3A_157 = tpu.memref_squeeze %swap3A_156 : memref<1x128x128xf32, #tpu.memory_space<vmem>> -> memref<128x128xf32, #tpu.memory_space<vmem>>
      %swap3A_158 = arith.index_cast %scan3A_117 : i32 to index
      %swap3A_159 = arith.constant 64 : index
      %swap3A_160 = tpu.vector_load %swap3A_157[%swap3A_158, %swap3A_159] {strides = array<i32>} : memref<128x128xf32, #tpu.memory_space<vmem>>, vector<1x16xf32>,
      %swap3A_161 = vector.shape_cast %swap3A_160 : vector<1x16xf32> to vector<16xf32>
      %swap3A_162 = vector.shape_cast %broadcast_in_dim3A_18 : vector<16xf32> to vector<1x16xf32>
      tpu.vector_store %swap3A_157[%swap3A_158, %swap3A_159], %swap3A_162 {strides = array<i32>} : memref<128x128xf32, #tpu.memory_space<vmem>>, vector<1x16xf32>,
      %swap3A_163 = arith.constant 0 : i32
      %swap3A_164 = arith.constant 0 : i32
      %swap3A_165 = tpu.memref_slice %arg9[%scan3A_19, %swap3A_163, %swap3A_164] : memref<2x128x128xf32, #tpu.memory_space<vmem>> -> memref<1x128x128xf32, #tpu.memory_space<vmem>>
      %swap3A_166 = tpu.memref_squeeze %swap3A_165 : memref<1x128x128xf32, #tpu.memory_space<vmem>> -> memref<128x128xf32, #tpu.memory_space<vmem>>
      %swap3A_167 = arith.index_cast %scan3A_117 : i32 to index
      %swap3A_168 = arith.constant 80 : index
      %swap3A_169 = tpu.vector_load %swap3A_166[%swap3A_167, %swap3A_168] {strides = array<i32>} : memref<128x128xf32, #tpu.memory_space<vmem>>, vector<1x16xf32>,
      %swap3A_170 = vector.shape_cast %swap3A_169 : vector<1x16xf32> to vector<16xf32>
      %swap3A_171 = vector.shape_cast %broadcast_in_dim3A_18 : vector<16xf32> to vector<1x16xf32>
      tpu.vector_store %swap3A_166[%swap3A_167, %swap3A_168], %swap3A_171 {strides = array<i32>} : memref<128x128xf32, #tpu.memory_space<vmem>>, vector<1x16xf32>,
      %swap3A_172 = arith.constant 0 : i32
      %swap3A_173 = arith.constant 0 : i32
      %swap3A_174 = tpu.memref_slice %arg9[%scan3A_19, %swap3A_172, %swap3A_173] : memref<2x128x128xf32, #tpu.memory_space<vmem>> -> memref<1x128x128xf32, #tpu.memory_space<vmem>>
      %swap3A_175 = tpu.memref_squeeze %swap3A_174 : memref<1x128x128xf32, #tpu.memory_space<vmem>> -> memref<128x128xf32, #tpu.memory_space<vmem>>
      %swap3A_176 = arith.index_cast %scan3A_117 : i32 to index
      %swap3A_177 = arith.constant 96 : index
      %swap3A_178 = tpu.vector_load %swap3A_175[%swap3A_176, %swap3A_177] {strides = array<i32>} : memref<128x128xf32, #tpu.memory_space<vmem>>, vector<1x16xf32>,
      %swap3A_179 = vector.shape_cast %swap3A_178 : vector<1x16xf32> to vector<16xf32>
      %swap3A_180 = vector.shape_cast %broadcast_in_dim3A_18 : vector<16xf32> to vector<1x16xf32>
      tpu.vector_store %swap3A_175[%swap3A_176, %swap3A_177], %swap3A_180 {strides = array<i32>} : memref<128x128xf32, #tpu.memory_space<vmem>>, vector<1x16xf32>,
      %swap3A_181 = arith.constant 0 : i32
      %swap3A_182 = arith.constant 0 : i32
      %swap3A_183 = tpu.memref_slice %arg9[%scan3A_19, %swap3A_181, %swap3A_182] : memref<2x128x128xf32, #tpu.memory_space<vmem>> -> memref<1x128x128xf32, #tpu.memory_space<vmem>>
      %swap3A_184 = tpu.memref_squeeze %swap3A_183 : memref<1x128x128xf32, #tpu.memory_space<vmem>> -> memref<128x128xf32, #tpu.memory_space<vmem>>
      %swap3A_185 = arith.index_cast %scan3A_117 : i32 to index
      %swap3A_186 = arith.constant 112 : index
      %swap3A_187 = tpu.vector_load %swap3A_184[%swap3A_185, %swap3A_186] {strides = array<i32>} : memref<128x128xf32, #tpu.memory_space<vmem>>, vector<1x16xf32>,
      %swap3A_188 = vector.shape_cast %swap3A_187 : vector<1x16xf32> to vector<16xf32>
      %swap3A_189 = vector.shape_cast %broadcast_in_dim3A_18 : vector<16xf32> to vector<1x16xf32>
      tpu.vector_store %swap3A_184[%swap3A_185, %swap3A_186], %swap3A_189 {strides = array<i32>} : memref<128x128xf32, #tpu.memory_space<vmem>>, vector<1x16xf32>,
      %scan3A_190 = arith.constant 0 : i32
      scf.yield %scan3A_190 : i32
    }
    %scan3A_26 = arith.constant 128 : i32
    %scan3A_27 = arith.constant 0 : i32
    %scan3A_28 = arith.constant 0 : i32
    %scan3A_29 = arith.constant 79 : i32
    %scan3A_30 = arith.addi %scan3A_28, %scan3A_29 : i32
    %scan3A_31 = arith.constant 1 : i32
    %scan3A_32 = scf.for %scan3A_117 = %scan3A_28 to %scan3A_30 step %scan3A_31 iter_args(%scan3A_118 = %scan3A_27) -> (i32)  : i32 {
      %mul3A_119 = arith.constant 8 : i32
      %mul3A_120 = arith.muli %scan3A_117, %mul3A_119 : i32
      %add3A_121 = arith.addi %mul3A_0, %mul3A_120 : i32
      "tpu.region"() ({
        %run_scoped3A = tpu.sem_alloc : memref<!tpu.dma_semaphore, #tpu.memory_space<semaphore_mem>>
        %dma_start3A_123 = arith.constant 0 : i32
        %dma_start3A_124 = tpu.memref_slice %arg7[%add3A_121, %dma_start3A_123] : memref<10112x128xf32, #tpu.memory_space<vmem_shared>> -> memref<8x128xf32, #tpu.memory_space<vmem_shared>>
        %dma_start3A_125 = arith.constant 0 : i32
        %dma_start3A_126 = tpu.memref_slice %arg7[%add3A_121, %dma_start3A_125] : memref<10112x128xf32, #tpu.memory_space<vmem_shared>> -> memref<8x128xf32, #tpu.memory_space<vmem_shared>>
        tpu.enqueue_dma source(%arg6 : memref<8x128xf32, #tpu.memory_space<vmem>>) target(%dma_start3A_126 : memref<8x128xf32, #tpu.memory_space<vmem_shared>>) target_semaphore(%run_scoped3A : memref<!tpu.dma_semaphore, #tpu.memory_space<semaphore_mem>>)
        %dma_wait3A_127 = arith.constant 0 : i32
        %dma_wait3A_128 = tpu.memref_slice %arg7[%add3A_121, %dma_wait3A_127] : memref<10112x128xf32, #tpu.memory_space<vmem_shared>> -> memref<8x128xf32, #tpu.memory_space<vmem_shared>>
        %dma_wait3A_129 = arith.constant 0 : i32
        %dma_wait3A_130 = tpu.memref_slice %arg7[%add3A_121, %dma_wait3A_129] : memref<10112x128xf32, #tpu.memory_space<vmem_shared>> -> memref<8x128xf32, #tpu.memory_space<vmem_shared>>
        tpu.wait_dma2 semaphore(%run_scoped3A : memref<!tpu.dma_semaphore, #tpu.memory_space<semaphore_mem>>) src(%arg6 : memref<8x128xf32, #tpu.memory_space<vmem>>) dst(%dma_wait3A_130 : memref<8x128xf32, #tpu.memory_space<vmem_shared>>)
        tpu.yield
      }) : () -> ()
      %scan3A_122 = arith.constant 0 : i32
      scf.yield %scan3A_122 : i32
    }
    %scan3A_33 = arith.constant 79 : i32
    %dma_wait3A = arith.constant 0 : i32
    %dma_wait3A_34 = arith.constant 0 : i32
    %dma_wait3A_35 = arith.constant 0 : i32
    %dma_wait3A_36 = tpu.memref_slice %arg3[%dma_wait3A, %dma_wait3A_34, %dma_wait3A_35] : memref<2560x2x128xi32, #tpu.memory_space<hbm>> -> memref<40x2x128xi32, #tpu.memory_space<hbm>>
    %dma_wait3A_37 = arith.constant 0 : i32
    %dma_wait3A_38 = arith.constant 0 : i32
    %dma_wait3A_39 = arith.constant 0 : i32
    %dma_wait3A_40 = tpu.memref_slice %arg3[%dma_wait3A_37, %dma_wait3A_38, %dma_wait3A_39] : memref<2560x2x128xi32, #tpu.memory_space<hbm>> -> memref<40x2x128xi32, #tpu.memory_space<hbm>>
    tpu.wait_dma2 semaphore(%arg10 : memref<!tpu.dma_semaphore, #tpu.memory_space<semaphore_mem>>) src(%dma_wait3A_40 : memref<40x2x128xi32, #tpu.memory_space<hbm>>) dst(%arg8 : memref<40x2x128xi32, #tpu.memory_space<vmem>>)
    %barrier3A = arith.constant 0 : index
    tpu.barrier barrier_id(%barrier3A)
    %scan3A_41 = arith.constant 0 : i32
    %scan3A_42 = arith.constant 0 : i32
    %scan3A_43 = arith.constant 40 : i32
    %scan3A_44 = arith.addi %scan3A_42, %scan3A_43 : i32
    %scan3A_45 = arith.constant 1 : i32
    %scan3A_46 = scf.for %scan3A_117 = %scan3A_42 to %scan3A_44 step %scan3A_45 iter_args(%scan3A_118 = %scan3A_41) -> (i32)  : i32 {
      %run_scoped3A = arith.constant 1 : i32
      %run_scoped3A_119 = arith.constant 1 : i32
      "tpu.region"() ({
        %run_scoped3A_121 = tpu.sem_alloc : memref<!tpu.dma_semaphore, #tpu.memory_space<semaphore_mem>>
        %dma_start3A_122 = arith.constant 0 : i32
        %dma_start3A_123 = arith.constant 0 : i32
        %dma_start3A_124 = tpu.memref_slice %arg9[%run_scoped3A, %dma_start3A_122, %dma_start3A_123] : memref<2x128x128xf32, #tpu.memory_space<vmem>> -> memref<1x128x128xf32, #tpu.memory_space<vmem>>
        %dma_start3A_125 = tpu.memref_squeeze %dma_start3A_124 : memref<1x128x128xf32, #tpu.memory_space<vmem>> -> memref<128x128xf32, #tpu.memory_space<vmem>>
        %dma_start3A_126 = arith.constant 0 : i32
        %dma_start3A_127 = tpu.memref_slice %arg8[%scan3A_117, %run_scoped3A_119, %dma_start3A_126] : memref<40x2x128xi32, #tpu.memory_space<vmem>> -> memref<1x1x128xi32, #tpu.memory_space<vmem>>
        %dma_start3A_128 = tpu.memref_squeeze %dma_start3A_127 : memref<1x1x128xi32, #tpu.memory_space<vmem>> -> memref<128xi32, #tpu.memory_space<vmem>>
        %dma_start3A_129 = arith.constant 0 : i32
        %dma_start3A_130 = arith.constant 0 : i32
        %dma_start3A_131 = tpu.memref_slice %arg7[%dma_start3A_129, %dma_start3A_130] : memref<10112x128xf32, #tpu.memory_space<vmem_shared>> -> memref<10112x128xf32, #tpu.memory_space<vmem_shared>>
        tpu.enqueue_indirect_dma source(%dma_start3A_125 : memref<128x128xf32, #tpu.memory_space<vmem>>) target(%dma_start3A_131 : memref<10112x128xf32, #tpu.memory_space<vmem_shared>>) offsets(%dma_start3A_128 : memref<128xi32, #tpu.memory_space<vmem>>) semaphore(%run_scoped3A_121 : memref<!tpu.dma_semaphore, #tpu.memory_space<semaphore_mem>>) {add = true}
        %dma_wait3A_132 = arith.constant 0 : i32
        %dma_wait3A_133 = arith.constant 0 : i32
        %dma_wait3A_134 = tpu.memref_slice %arg9[%run_scoped3A, %dma_wait3A_132, %dma_wait3A_133] : memref<2x128x128xf32, #tpu.memory_space<vmem>> -> memref<1x128x128xf32, #tpu.memory_space<vmem>>
        %dma_wait3A_135 = tpu.memref_squeeze %dma_wait3A_134 : memref<1x128x128xf32, #tpu.memory_space<vmem>> -> memref<128x128xf32, #tpu.memory_space<vmem>>
        %dma_wait3A_136 = arith.constant 0 : i32
        %dma_wait3A_137 = tpu.memref_slice %arg8[%scan3A_117, %run_scoped3A_119, %dma_wait3A_136] : memref<40x2x128xi32, #tpu.memory_space<vmem>> -> memref<1x1x128xi32, #tpu.memory_space<vmem>>
        %dma_wait3A_138 = tpu.memref_squeeze %dma_wait3A_137 : memref<1x1x128xi32, #tpu.memory_space<vmem>> -> memref<128xi32, #tpu.memory_space<vmem>>
        %dma_wait3A_139 = arith.constant 0 : i32
        %dma_wait3A_140 = arith.constant 0 : i32
        %dma_wait3A_141 = tpu.memref_slice %arg7[%dma_wait3A_139, %dma_wait3A_140] : memref<10112x128xf32, #tpu.memory_space<vmem_shared>> -> memref<10112x128xf32, #tpu.memory_space<vmem_shared>>
        tpu.wait_indirect_dma semaphore(%run_scoped3A_121 : memref<!tpu.dma_semaphore, #tpu.memory_space<semaphore_mem>>) src(%dma_wait3A_135 : memref<128x128xf32, #tpu.memory_space<vmem>>) dst(%dma_wait3A_141 : memref<10112x128xf32, #tpu.memory_space<vmem_shared>>)
        tpu.yield
      }) : () -> ()
      %scan3A_120 = arith.constant 0 : i32
      scf.yield %scan3A_120 : i32
    }
    %scan3A_47 = arith.constant 40 : i32
    %mul3A_48 = arith.constant 80 : i32
    %mul3A_49 = arith.muli %add3A, %mul3A_48 : i32
    %add3A_50 = arith.constant 40 : i32
    %add3A_51 = arith.addi %mul3A_49, %add3A_50 : i32
    "tpu.region"() ({
      %run_scoped3A = tpu.sem_alloc : memref<!tpu.dma_semaphore, #tpu.memory_space<semaphore_mem>>
      %dma_start3A_117 = arith.constant 0 : i32
      %dma_start3A_118 = arith.constant 0 : i32
      %dma_start3A_119 = tpu.memref_slice %arg3[%add3A_51, %dma_start3A_117, %dma_start3A_118] : memref<2560x2x128xi32, #tpu.memory_space<hbm>> -> memref<40x2x128xi32, #tpu.memory_space<hbm>>
      %dma_start3A_120 = arith.constant 0 : i32
      %dma_start3A_121 = arith.constant 0 : i32
      %dma_start3A_122 = tpu.memref_slice %arg3[%add3A_51, %dma_start3A_120, %dma_start3A_121] : memref<2560x2x128xi32, #tpu.memory_space<hbm>> -> memref<40x2x128xi32, #tpu.memory_space<hbm>>
      tpu.enqueue_dma source(%dma_start3A_122 : memref<40x2x128xi32, #tpu.memory_space<hbm>>) target(%arg8 : memref<40x2x128xi32, #tpu.memory_space<vmem>>) target_semaphore(%run_scoped3A : memref<!tpu.dma_semaphore, #tpu.memory_space<semaphore_mem>>)
      %dma_wait3A_123 = arith.constant 0 : i32
      %dma_wait3A_124 = arith.constant 0 : i32
      %dma_wait3A_125 = tpu.memref_slice %arg3[%add3A_51, %dma_wait3A_123, %dma_wait3A_124] : memref<2560x2x128xi32, #tpu.memory_space<hbm>> -> memref<40x2x128xi32, #tpu.memory_space<hbm>>
      %dma_wait3A_126 = arith.constant 0 : i32
      %dma_wait3A_127 = arith.constant 0 : i32
      %dma_wait3A_128 = tpu.memref_slice %arg3[%add3A_51, %dma_wait3A_126, %dma_wait3A_127] : memref<2560x2x128xi32, #tpu.memory_space<hbm>> -> memref<40x2x128xi32, #tpu.memory_space<hbm>>
      tpu.wait_dma2 semaphore(%run_scoped3A : memref<!tpu.dma_semaphore, #tpu.memory_space<semaphore_mem>>) src(%dma_wait3A_128 : memref<40x2x128xi32, #tpu.memory_space<hbm>>) dst(%arg8 : memref<40x2x128xi32, #tpu.memory_space<vmem>>)
      tpu.yield
    }) : () -> ()
    %scan3A_52 = arith.constant 0 : i32
    %scan3A_53 = arith.constant 0 : i32
    %scan3A_54 = arith.constant 40 : i32
    %scan3A_55 = arith.addi %scan3A_53, %scan3A_54 : i32
    %scan3A_56 = arith.constant 1 : i32
    %scan3A_57 = scf.for %scan3A_117 = %scan3A_53 to %scan3A_55 step %scan3A_56 iter_args(%scan3A_118 = %scan3A_52) -> (i32)  : i32 {
      %run_scoped3A = arith.constant 1 : i32
      %run_scoped3A_119 = arith.constant 1 : i32
      "tpu.region"() ({
        %run_scoped3A_121 = tpu.sem_alloc : memref<!tpu.dma_semaphore, #tpu.memory_space<semaphore_mem>>
        %dma_start3A_122 = arith.constant 0 : i32
        %dma_start3A_123 = arith.constant 0 : i32
        %dma_start3A_124 = tpu.memref_slice %arg9[%run_scoped3A, %dma_start3A_122, %dma_start3A_123] : memref<2x128x128xf32, #tpu.memory_space<vmem>> -> memref<1x128x128xf32, #tpu.memory_space<vmem>>
        %dma_start3A_125 = tpu.memref_squeeze %dma_start3A_124 : memref<1x128x128xf32, #tpu.memory_space<vmem>> -> memref<128x128xf32, #tpu.memory_space<vmem>>
        %dma_start3A_126 = arith.constant 0 : i32
        %dma_start3A_127 = tpu.memref_slice %arg8[%scan3A_117, %run_scoped3A_119, %dma_start3A_126] : memref<40x2x128xi32, #tpu.memory_space<vmem>> -> memref<1x1x128xi32, #tpu.memory_space<vmem>>
        %dma_start3A_128 = tpu.memref_squeeze %dma_start3A_127 : memref<1x1x128xi32, #tpu.memory_space<vmem>> -> memref<128xi32, #tpu.memory_space<vmem>>
        %dma_start3A_129 = arith.constant 0 : i32
        %dma_start3A_130 = arith.constant 0 : i32
        %dma_start3A_131 = tpu.memref_slice %arg7[%dma_start3A_129, %dma_start3A_130] : memref<10112x128xf32, #tpu.memory_space<vmem_shared>> -> memref<10112x128xf32, #tpu.memory_space<vmem_shared>>
        tpu.enqueue_indirect_dma source(%dma_start3A_125 : memref<128x128xf32, #tpu.memory_space<vmem>>) target(%dma_start3A_131 : memref<10112x128xf32, #tpu.memory_space<vmem_shared>>) offsets(%dma_start3A_128 : memref<128xi32, #tpu.memory_space<vmem>>) semaphore(%run_scoped3A_121 : memref<!tpu.dma_semaphore, #tpu.memory_space<semaphore_mem>>) {add = true}
        %dma_wait3A_132 = arith.constant 0 : i32
        %dma_wait3A_133 = arith.constant 0 : i32
        %dma_wait3A_134 = tpu.memref_slice %arg9[%run_scoped3A, %dma_wait3A_132, %dma_wait3A_133] : memref<2x128x128xf32, #tpu.memory_space<vmem>> -> memref<1x128x128xf32, #tpu.memory_space<vmem>>
        %dma_wait3A_135 = tpu.memref_squeeze %dma_wait3A_134 : memref<1x128x128xf32, #tpu.memory_space<vmem>> -> memref<128x128xf32, #tpu.memory_space<vmem>>
        %dma_wait3A_136 = arith.constant 0 : i32
        %dma_wait3A_137 = tpu.memref_slice %arg8[%scan3A_117, %run_scoped3A_119, %dma_wait3A_136] : memref<40x2x128xi32, #tpu.memory_space<vmem>> -> memref<1x1x128xi32, #tpu.memory_space<vmem>>
        %dma_wait3A_138 = tpu.memref_squeeze %dma_wait3A_137 : memref<1x1x128xi32, #tpu.memory_space<vmem>> -> memref<128xi32, #tpu.memory_space<vmem>>
        %dma_wait3A_139 = arith.constant 0 : i32
        %dma_wait3A_140 = arith.constant 0 : i32
        %dma_wait3A_141 = tpu.memref_slice %arg7[%dma_wait3A_139, %dma_wait3A_140] : memref<10112x128xf32, #tpu.memory_space<vmem_shared>> -> memref<10112x128xf32, #tpu.memory_space<vmem_shared>>
        tpu.wait_indirect_dma semaphore(%run_scoped3A_121 : memref<!tpu.dma_semaphore, #tpu.memory_space<semaphore_mem>>) src(%dma_wait3A_135 : memref<128x128xf32, #tpu.memory_space<vmem>>) dst(%dma_wait3A_141 : memref<10112x128xf32, #tpu.memory_space<vmem_shared>>)
        tpu.yield
      }) : () -> ()
      %scan3A_120 = arith.constant 0 : i32
      scf.yield %scan3A_120 : i32
    }
    %scan3A_58 = arith.constant 40 : i32
    %barrier3A_59 = arith.constant 0 : index
    tpu.barrier barrier_id(%barrier3A_59)
    "tpu.region"() ({
      %run_scoped3A = tpu.sem_alloc : memref<!tpu.dma_semaphore, #tpu.memory_space<semaphore_mem>>
      %dma_start3A_117 = arith.constant 0 : i32
      %dma_start3A_118 = tpu.memref_slice %arg5[%arg0, %mul3A_0, %dma_start3A_117] : memref<2x10112x128xf32, #tpu.memory_space<hbm>> -> memref<1x632x128xf32, #tpu.memory_space<hbm>>
      %dma_start3A_119 = tpu.memref_squeeze %dma_start3A_118 : memref<1x632x128xf32, #tpu.memory_space<hbm>> -> memref<632x128xf32, #tpu.memory_space<hbm>>
      %dma_start3A_120 = arith.constant 0 : i32
      %dma_start3A_121 = tpu.memref_slice %arg7[%mul3A_0, %dma_start3A_120] : memref<10112x128xf32, #tpu.memory_space<vmem_shared>> -> memref<632x128xf32, #tpu.memory_space<vmem_shared>>
      tpu.enqueue_dma source(%dma_start3A_121 : memref<632x128xf32, #tpu.memory_space<vmem_shared>>) target(%dma_start3A_119 : memref<632x128xf32, #tpu.memory_space<hbm>>) target_semaphore(%run_scoped3A : memref<!tpu.dma_semaphore, #tpu.memory_space<semaphore_mem>>)
      %dma_wait3A_122 = arith.constant 0 : i32
      %dma_wait3A_123 = tpu.memref_slice %arg5[%arg0, %mul3A_0, %dma_wait3A_122] : memref<2x10112x128xf32, #tpu.memory_space<hbm>> -> memref<1x632x128xf32, #tpu.memory_space<hbm>>
      %dma_wait3A_124 = tpu.memref_squeeze %dma_wait3A_123 : memref<1x632x128xf32, #tpu.memory_space<hbm>> -> memref<632x128xf32, #tpu.memory_space<hbm>>
      %dma_wait3A_125 = arith.constant 0 : i32
      %dma_wait3A_126 = tpu.memref_slice %arg7[%mul3A_0, %dma_wait3A_125] : memref<10112x128xf32, #tpu.memory_space<vmem_shared>> -> memref<632x128xf32, #tpu.memory_space<vmem_shared>>
      tpu.wait_dma2 semaphore(%run_scoped3A : memref<!tpu.dma_semaphore, #tpu.memory_space<semaphore_mem>>) src(%dma_wait3A_126 : memref<632x128xf32, #tpu.memory_space<vmem_shared>>) dst(%dma_wait3A_124 : memref<632x128xf32, #tpu.memory_space<hbm>>)
      tpu.yield
    }) : () -> ()
    %scan3A_60 = arith.constant 0 : i32
    %scan3A_61 = arith.constant 0 : i32
    %scan3A_62 = arith.constant 79 : i32
    %scan3A_63 = arith.addi %scan3A_61, %scan3A_62 : i32
    %scan3A_64 = arith.constant 1 : i32
    %scan3A_65 = scf.for %scan3A_117 = %scan3A_61 to %scan3A_63 step %scan3A_64 iter_args(%scan3A_118 = %scan3A_60) -> (i32)  : i32 {
      %mul3A_119 = arith.constant 8 : i32
      %mul3A_120 = arith.muli %scan3A_117, %mul3A_119 : i32
      %add3A_121 = arith.addi %mul3A_0, %mul3A_120 : i32
      "tpu.region"() ({
        %run_scoped3A = tpu.sem_alloc : memref<!tpu.dma_semaphore, #tpu.memory_space<semaphore_mem>>
        %dma_start3A_123 = arith.constant 0 : i32
        %dma_start3A_124 = tpu.memref_slice %arg7[%add3A_121, %dma_start3A_123] : memref<10112x128xf32, #tpu.memory_space<vmem_shared>> -> memref<8x128xf32, #tpu.memory_space<vmem_shared>>
        %dma_start3A_125 = arith.constant 0 : i32
        %dma_start3A_126 = tpu.memref_slice %arg7[%add3A_121, %dma_start3A_125] : memref<10112x128xf32, #tpu.memory_space<vmem_shared>> -> memref<8x128xf32, #tpu.memory_space<vmem_shared>>
        tpu.enqueue_dma source(%arg6 : memref<8x128xf32, #tpu.memory_space<vmem>>) target(%dma_start3A_126 : memref<8x128xf32, #tpu.memory_space<vmem_shared>>) target_semaphore(%run_scoped3A : memref<!tpu.dma_semaphore, #tpu.memory_space<semaphore_mem>>)
        %dma_wait3A_127 = arith.constant 0 : i32
        %dma_wait3A_128 = tpu.memref_slice %arg7[%add3A_121, %dma_wait3A_127] : memref<10112x128xf32, #tpu.memory_space<vmem_shared>> -> memref<8x128xf32, #tpu.memory_space<vmem_shared>>
        %dma_wait3A_129 = arith.constant 0 : i32
        %dma_wait3A_130 = tpu.memref_slice %arg7[%add3A_121, %dma_wait3A_129] : memref<10112x128xf32, #tpu.memory_space<vmem_shared>> -> memref<8x128xf32, #tpu.memory_space<vmem_shared>>
        tpu.wait_dma2 semaphore(%run_scoped3A : memref<!tpu.dma_semaphore, #tpu.memory_space<semaphore_mem>>) src(%arg6 : memref<8x128xf32, #tpu.memory_space<vmem>>) dst(%dma_wait3A_130 : memref<8x128xf32, #tpu.memory_space<vmem_shared>>)
        tpu.yield
      }) : () -> ()
      %scan3A_122 = arith.constant 0 : i32
      scf.yield %scan3A_122 : i32
    }
    %scan3A_66 = arith.constant 79 : i32
    %barrier3A_67 = arith.constant 0 : index
    tpu.barrier barrier_id(%barrier3A_67)
    %mul3A_68 = arith.constant 80 : i32
    %mul3A_69 = arith.muli %add3A, %mul3A_68 : i32
    %add3A_70 = arith.constant 0 : i32
    %add3A_71 = arith.addi %mul3A_69, %add3A_70 : i32
    "tpu.region"() ({
      %run_scoped3A = tpu.sem_alloc : memref<!tpu.dma_semaphore, #tpu.memory_space<semaphore_mem>>
      %dma_start3A_117 = arith.constant 0 : i32
      %dma_start3A_118 = arith.constant 0 : i32
      %dma_start3A_119 = tpu.memref_slice %arg3[%add3A_71, %dma_start3A_117, %dma_start3A_118] : memref<2560x2x128xi32, #tpu.memory_space<hbm>> -> memref<40x2x128xi32, #tpu.memory_space<hbm>>
      %dma_start3A_120 = arith.constant 0 : i32
      %dma_start3A_121 = arith.constant 0 : i32
      %dma_start3A_122 = tpu.memref_slice %arg3[%add3A_71, %dma_start3A_120, %dma_start3A_121] : memref<2560x2x128xi32, #tpu.memory_space<hbm>> -> memref<40x2x128xi32, #tpu.memory_space<hbm>>
      tpu.enqueue_dma source(%dma_start3A_122 : memref<40x2x128xi32, #tpu.memory_space<hbm>>) target(%arg8 : memref<40x2x128xi32, #tpu.memory_space<vmem>>) target_semaphore(%run_scoped3A : memref<!tpu.dma_semaphore, #tpu.memory_space<semaphore_mem>>)
      %dma_wait3A_123 = arith.constant 0 : i32
      %dma_wait3A_124 = arith.constant 0 : i32
      %dma_wait3A_125 = tpu.memref_slice %arg3[%add3A_71, %dma_wait3A_123, %dma_wait3A_124] : memref<2560x2x128xi32, #tpu.memory_space<hbm>> -> memref<40x2x128xi32, #tpu.memory_space<hbm>>
      %dma_wait3A_126 = arith.constant 0 : i32
      %dma_wait3A_127 = arith.constant 0 : i32
      %dma_wait3A_128 = tpu.memref_slice %arg3[%add3A_71, %dma_wait3A_126, %dma_wait3A_127] : memref<2560x2x128xi32, #tpu.memory_space<hbm>> -> memref<40x2x128xi32, #tpu.memory_space<hbm>>
      tpu.wait_dma2 semaphore(%run_scoped3A : memref<!tpu.dma_semaphore, #tpu.memory_space<semaphore_mem>>) src(%dma_wait3A_128 : memref<40x2x128xi32, #tpu.memory_space<hbm>>) dst(%arg8 : memref<40x2x128xi32, #tpu.memory_space<vmem>>)
      tpu.yield
    }) : () -> ()
    %dma_start3A_72 = arith.constant 0 : i32
    %dma_start3A_73 = arith.constant 0 : i32
    %dma_start3A_74 = arith.constant 0 : i32
    %dma_start3A_75 = arith.constant 0 : i32
    %dma_start3A_76 = arith.constant 0 : i32
    %dma_start3A_77 = tpu.memref_slice %arg9[%dma_start3A_74, %dma_start3A_75, %dma_start3A_76] : memref<2x128x128xf32, #tpu.memory_space<vmem>> -> memref<1x128x128xf32, #tpu.memory_space<vmem>>
    %dma_start3A_78 = tpu.memref_squeeze %dma_start3A_77 : memref<1x128x128xf32, #tpu.memory_space<vmem>> -> memref<128x128xf32, #tpu.memory_space<vmem>>
    %dma_start3A_79 = arith.constant 0 : i32
    %dma_start3A_80 = tpu.memref_slice %arg8[%dma_start3A_72, %dma_start3A_73, %dma_start3A_79] : memref<40x2x128xi32, #tpu.memory_space<vmem>> -> memref<1x1x128xi32, #tpu.memory_space<vmem>>
    %dma_start3A_81 = tpu.memref_squeeze %dma_start3A_80 : memref<1x1x128xi32, #tpu.memory_space<vmem>> -> memref<128xi32, #tpu.memory_space<vmem>>
    %dma_start3A_82 = arith.constant 0 : i32
    %dma_start3A_83 = arith.constant 0 : i32
    %dma_start3A_84 = tpu.memref_slice %arg2[%dma_start3A_82, %dma_start3A_83] : memref<10000x128xf32, #tpu.memory_space<hbm>> -> memref<10000x128xf32, #tpu.memory_space<hbm>>
    tpu.enqueue_indirect_dma source(%dma_start3A_84 : memref<10000x128xf32, #tpu.memory_space<hbm>>) target(%dma_start3A_78 : memref<128x128xf32, #tpu.memory_space<vmem>>) offsets(%dma_start3A_81 : memref<128xi32, #tpu.memory_space<vmem>>) semaphore(%arg11 : memref<!tpu.dma_semaphore, #tpu.memory_space<semaphore_mem>>)
    %scan3A_85 = arith.constant 0 : i32
    %scan3A_86 = arith.constant 0 : i32
    %scan3A_87 = arith.constant 10 : i32
    %scan3A_88 = arith.addi %scan3A_86, %scan3A_87 : i32
    %scan3A_89 = arith.constant 1 : i32
    %scan3A_90 = scf.for %scan3A_117 = %scan3A_86 to %scan3A_88 step %scan3A_89 iter_args(%scan3A_118 = %scan3A_85) -> (i32)  : i32 {
      %mul3A_119 = arith.constant 4 : i32
      %mul3A_120 = arith.muli %scan3A_117, %mul3A_119 : i32
      %add3A_121 = arith.constant 0 : i32
      %add3A_122 = arith.addi %mul3A_120, %add3A_121 : i32
      %add3A_123 = arith.constant 2 : i32
      %add3A_124 = arith.addi %add3A_122, %add3A_123 : i32
      %sub3A = arith.constant 1 : i32
      %sub3A_125 = arith.subi %add3A_124, %sub3A : i32
      %lt3A = arith.constant 40 : i32
      %lt3A_126 = arith.cmpi slt, %sub3A_125, %lt3A : i32
      %convert_element_type3A = arith.extui %lt3A_126 : i1 to i32
      %cond3A = arith.constant 0 : i32
      %cond3A_127 = arith.cmpi ne, %convert_element_type3A, %cond3A : i32
      scf.if %cond3A_127 {
        %add3A_229 = arith.constant 2 : i32
        %add3A_230 = arith.addi %add3A_122, %add3A_229 : i32
        %sub3A_231 = arith.constant 1 : i32
        %sub3A_232 = arith.subi %add3A_230, %sub3A_231 : i32
        %dma_start3A_233 = arith.constant 0 : i32
        %dma_start3A_234 = arith.constant 1 : i32
        %dma_start3A_235 = arith.constant 0 : i32
        %dma_start3A_236 = arith.constant 0 : i32
        %dma_start3A_237 = tpu.memref_slice %arg9[%dma_start3A_234, %dma_start3A_235, %dma_start3A_236] : memref<2x128x128xf32, #tpu.memory_space<vmem>> -> memref<1x128x128xf32, #tpu.memory_space<vmem>>
        %dma_start3A_238 = tpu.memref_squeeze %dma_start3A_237 : memref<1x128x128xf32, #tpu.memory_space<vmem>> -> memref<128x128xf32, #tpu.memory_space<vmem>>
        %dma_start3A_239 = arith.constant 0 : i32
        %dma_start3A_240 = tpu.memref_slice %arg8[%sub3A_232, %dma_start3A_233, %dma_start3A_239] : memref<40x2x128xi32, #tpu.memory_space<vmem>> -> memref<1x1x128xi32, #tpu.memory_space<vmem>>
        %dma_start3A_241 = tpu.memref_squeeze %dma_start3A_240 : memref<1x1x128xi32, #tpu.memory_space<vmem>> -> memref<128xi32, #tpu.memory_space<vmem>>
        %dma_start3A_242 = arith.constant 0 : i32
        %dma_start3A_243 = arith.constant 0 : i32
        %dma_start3A_244 = tpu.memref_slice %arg2[%dma_start3A_242, %dma_start3A_243] : memref<10000x128xf32, #tpu.memory_space<hbm>> -> memref<10000x128xf32, #tpu.memory_space<hbm>>
        tpu.enqueue_indirect_dma source(%dma_start3A_244 : memref<10000x128xf32, #tpu.memory_space<hbm>>) target(%dma_start3A_238 : memref<128x128xf32, #tpu.memory_space<vmem>>) offsets(%dma_start3A_241 : memref<128xi32, #tpu.memory_space<vmem>>) semaphore(%arg12 : memref<!tpu.dma_semaphore, #tpu.memory_space<semaphore_mem>>)
      } else {
      }
      %dma_wait3A_128 = arith.constant 0 : i32
      %dma_wait3A_129 = arith.constant 0 : i32
      %dma_wait3A_130 = arith.constant 0 : i32
      %dma_wait3A_131 = tpu.memref_slice %arg9[%dma_wait3A_128, %dma_wait3A_129, %dma_wait3A_130] : memref<2x128x128xf32, #tpu.memory_space<vmem>> -> memref<1x128x128xf32, #tpu.memory_space<vmem>>
      %dma_wait3A_132 = tpu.memref_squeeze %dma_wait3A_131 : memref<1x128x128xf32, #tpu.memory_space<vmem>> -> memref<128x128xf32, #tpu.memory_space<vmem>>
      %dma_wait3A_133 = arith.constant 0 : i32
      %dma_wait3A_134 = arith.constant 0 : i32
      %dma_wait3A_135 = tpu.memref_slice %arg2[%dma_wait3A_133, %dma_wait3A_134] : memref<10000x128xf32, #tpu.memory_space<hbm>> -> memref<128x128xf32, #tpu.memory_space<hbm>>
      %dma_wait3A_136 = arith.constant 0 : i32
      %dma_wait3A_137 = arith.constant 0 : i32
      %dma_wait3A_138 = tpu.memref_slice %arg9[%dma_wait3A_128, %dma_wait3A_136, %dma_wait3A_137] : memref<2x128x128xf32, #tpu.memory_space<vmem>> -> memref<1x128x128xf32, #tpu.memory_space<vmem>>
      %dma_wait3A_139 = tpu.memref_squeeze %dma_wait3A_138 : memref<1x128x128xf32, #tpu.memory_space<vmem>> -> memref<128x128xf32, #tpu.memory_space<vmem>>
      %dma_wait3A_140 = arith.constant 0 : i32
      %dma_wait3A_141 = arith.constant 0 : i32
      %dma_wait3A_142 = tpu.memref_slice %arg2[%dma_wait3A_140, %dma_wait3A_141] : memref<10000x128xf32, #tpu.memory_space<hbm>> -> memref<128x128xf32, #tpu.memory_space<hbm>>
      tpu.wait_dma2 semaphore(%arg11 : memref<!tpu.dma_semaphore, #tpu.memory_space<semaphore_mem>>) src(%dma_wait3A_142 : memref<128x128xf32, #tpu.memory_space<hbm>>) dst(%dma_wait3A_139 : memref<128x128xf32, #tpu.memory_space<vmem>>)
      %run_scoped3A = arith.constant 0 : i32
      %run_scoped3A_143 = arith.constant 1 : i32
      "tpu.region"() ({
        %run_scoped3A_229 = tpu.sem_alloc : memref<!tpu.dma_semaphore, #tpu.memory_space<semaphore_mem>>
        %dma_start3A_230 = arith.constant 0 : i32
        %dma_start3A_231 = arith.constant 0 : i32
        %dma_start3A_232 = tpu.memref_slice %arg9[%run_scoped3A, %dma_start3A_230, %dma_start3A_231] : memref<2x128x128xf32, #tpu.memory_space<vmem>> -> memref<1x128x128xf32, #tpu.memory_space<vmem>>
        %dma_start3A_233 = tpu.memref_squeeze %dma_start3A_232 : memref<1x128x128xf32, #tpu.memory_space<vmem>> -> memref<128x128xf32, #tpu.memory_space<vmem>>
        %dma_start3A_234 = arith.constant 0 : i32
        %dma_start3A_235 = tpu.memref_slice %arg8[%add3A_122, %run_scoped3A_143, %dma_start3A_234] : memref<40x2x128xi32, #tpu.memory_space<vmem>> -> memref<1x1x128xi32, #tpu.memory_space<vmem>>
        %dma_start3A_236 = tpu.memref_squeeze %dma_start3A_235 : memref<1x1x128xi32, #tpu.memory_space<vmem>> -> memref<128xi32, #tpu.memory_space<vmem>>
        %dma_start3A_237 = arith.constant 0 : i32
        %dma_start3A_238 = arith.constant 0 : i32
        %dma_start3A_239 = tpu.memref_slice %arg7[%dma_start3A_237, %dma_start3A_238] : memref<10112x128xf32, #tpu.memory_space<vmem_shared>> -> memref<10112x128xf32, #tpu.memory_space<vmem_shared>>
        tpu.enqueue_indirect_dma source(%dma_start3A_233 : memref<128x128xf32, #tpu.memory_space<vmem>>) target(%dma_start3A_239 : memref<10112x128xf32, #tpu.memory_space<vmem_shared>>) offsets(%dma_start3A_236 : memref<128xi32, #tpu.memory_space<vmem>>) semaphore(%run_scoped3A_229 : memref<!tpu.dma_semaphore, #tpu.memory_space<semaphore_mem>>) {add = true}
        %dma_wait3A_240 = arith.constant 0 : i32
        %dma_wait3A_241 = arith.constant 0 : i32
        %dma_wait3A_242 = tpu.memref_slice %arg9[%run_scoped3A, %dma_wait3A_240, %dma_wait3A_241] : memref<2x128x128xf32, #tpu.memory_space<vmem>> -> memref<1x128x128xf32, #tpu.memory_space<vmem>>
        %dma_wait3A_243 = tpu.memref_squeeze %dma_wait3A_242 : memref<1x128x128xf32, #tpu.memory_space<vmem>> -> memref<128x128xf32, #tpu.memory_space<vmem>>
        %dma_wait3A_244 = arith.constant 0 : i32
        %dma_wait3A_245 = tpu.memref_slice %arg8[%add3A_122, %run_scoped3A_143, %dma_wait3A_244] : memref<40x2x128xi32, #tpu.memory_space<vmem>> -> memref<1x1x128xi32, #tpu.memory_space<vmem>>
        %dma_wait3A_246 = tpu.memref_squeeze %dma_wait3A_245 : memref<1x1x128xi32, #tpu.memory_space<vmem>> -> memref<128xi32, #tpu.memory_space<vmem>>
        %dma_wait3A_247 = arith.constant 0 : i32
        %dma_wait3A_248 = arith.constant 0 : i32
        %dma_wait3A_249 = tpu.memref_slice %arg7[%dma_wait3A_247, %dma_wait3A_248] : memref<10112x128xf32, #tpu.memory_space<vmem_shared>> -> memref<10112x128xf32, #tpu.memory_space<vmem_shared>>
        tpu.wait_indirect_dma semaphore(%run_scoped3A_229 : memref<!tpu.dma_semaphore, #tpu.memory_space<semaphore_mem>>) src(%dma_wait3A_243 : memref<128x128xf32, #tpu.memory_space<vmem>>) dst(%dma_wait3A_249 : memref<10112x128xf32, #tpu.memory_space<vmem_shared>>)
        tpu.yield
      }) : () -> ()
      %add3A_144 = arith.constant 1 : i32
      %add3A_145 = arith.addi %mul3A_120, %add3A_144 : i32
      %add3A_146 = arith.constant 2 : i32
      %add3A_147 = arith.addi %add3A_145, %add3A_146 : i32
      %sub3A_148 = arith.constant 1 : i32
      %sub3A_149 = arith.subi %add3A_147, %sub3A_148 : i32
      %lt3A_150 = arith.constant 40 : i32
      %lt3A_151 = arith.cmpi slt, %sub3A_149, %lt3A_150 : i32
      %convert_element_type3A_152 = arith.extui %lt3A_151 : i1 to i32
      %cond3A_153 = arith.constant 0 : i32
      %cond3A_154 = arith.cmpi ne, %convert_element_type3A_152, %cond3A_153 : i32
      scf.if %cond3A_154 {
        %add3A_229 = arith.constant 2 : i32
        %add3A_230 = arith.addi %add3A_145, %add3A_229 : i32
        %sub3A_231 = arith.constant 1 : i32
        %sub3A_232 = arith.subi %add3A_230, %sub3A_231 : i32
        %dma_start3A_233 = arith.constant 0 : i32
        %dma_start3A_234 = arith.constant 0 : i32
        %dma_start3A_235 = arith.constant 0 : i32
        %dma_start3A_236 = arith.constant 0 : i32
        %dma_start3A_237 = tpu.memref_slice %arg9[%dma_start3A_234, %dma_start3A_235, %dma_start3A_236] : memref<2x128x128xf32, #tpu.memory_space<vmem>> -> memref<1x128x128xf32, #tpu.memory_space<vmem>>
        %dma_start3A_238 = tpu.memref_squeeze %dma_start3A_237 : memref<1x128x128xf32, #tpu.memory_space<vmem>> -> memref<128x128xf32, #tpu.memory_space<vmem>>
        %dma_start3A_239 = arith.constant 0 : i32
        %dma_start3A_240 = tpu.memref_slice %arg8[%sub3A_232, %dma_start3A_233, %dma_start3A_239] : memref<40x2x128xi32, #tpu.memory_space<vmem>> -> memref<1x1x128xi32, #tpu.memory_space<vmem>>
        %dma_start3A_241 = tpu.memref_squeeze %dma_start3A_240 : memref<1x1x128xi32, #tpu.memory_space<vmem>> -> memref<128xi32, #tpu.memory_space<vmem>>
        %dma_start3A_242 = arith.constant 0 : i32
        %dma_start3A_243 = arith.constant 0 : i32
        %dma_start3A_244 = tpu.memref_slice %arg2[%dma_start3A_242, %dma_start3A_243] : memref<10000x128xf32, #tpu.memory_space<hbm>> -> memref<10000x128xf32, #tpu.memory_space<hbm>>
        tpu.enqueue_indirect_dma source(%dma_start3A_244 : memref<10000x128xf32, #tpu.memory_space<hbm>>) target(%dma_start3A_238 : memref<128x128xf32, #tpu.memory_space<vmem>>) offsets(%dma_start3A_241 : memref<128xi32, #tpu.memory_space<vmem>>) semaphore(%arg11 : memref<!tpu.dma_semaphore, #tpu.memory_space<semaphore_mem>>)
      } else {
      }
      %dma_wait3A_155 = arith.constant 1 : i32
      %dma_wait3A_156 = arith.constant 0 : i32
      %dma_wait3A_157 = arith.constant 0 : i32
      %dma_wait3A_158 = tpu.memref_slice %arg9[%dma_wait3A_155, %dma_wait3A_156, %dma_wait3A_157] : memref<2x128x128xf32, #tpu.memory_space<vmem>> -> memref<1x128x128xf32, #tpu.memory_space<vmem>>
      %dma_wait3A_159 = tpu.memref_squeeze %dma_wait3A_158 : memref<1x128x128xf32, #tpu.memory_space<vmem>> -> memref<128x128xf32, #tpu.memory_space<vmem>>
      %dma_wait3A_160 = arith.constant 0 : i32
      %dma_wait3A_161 = arith.constant 0 : i32
      %dma_wait3A_162 = tpu.memref_slice %arg2[%dma_wait3A_160, %dma_wait3A_161] : memref<10000x128xf32, #tpu.memory_space<hbm>> -> memref<128x128xf32, #tpu.memory_space<hbm>>
      %dma_wait3A_163 = arith.constant 0 : i32
      %dma_wait3A_164 = arith.constant 0 : i32
      %dma_wait3A_165 = tpu.memref_slice %arg9[%dma_wait3A_155, %dma_wait3A_163, %dma_wait3A_164] : memref<2x128x128xf32, #tpu.memory_space<vmem>> -> memref<1x128x128xf32, #tpu.memory_space<vmem>>
      %dma_wait3A_166 = tpu.memref_squeeze %dma_wait3A_165 : memref<1x128x128xf32, #tpu.memory_space<vmem>> -> memref<128x128xf32, #tpu.memory_space<vmem>>
      %dma_wait3A_167 = arith.constant 0 : i32
      %dma_wait3A_168 = arith.constant 0 : i32
      %dma_wait3A_169 = tpu.memref_slice %arg2[%dma_wait3A_167, %dma_wait3A_168] : memref<10000x128xf32, #tpu.memory_space<hbm>> -> memref<128x128xf32, #tpu.memory_space<hbm>>
      tpu.wait_dma2 semaphore(%arg12 : memref<!tpu.dma_semaphore, #tpu.memory_space<semaphore_mem>>) src(%dma_wait3A_169 : memref<128x128xf32, #tpu.memory_space<hbm>>) dst(%dma_wait3A_166 : memref<128x128xf32, #tpu.memory_space<vmem>>)
      %run_scoped3A_170 = arith.constant 1 : i32
      %run_scoped3A_171 = arith.constant 1 : i32
      "tpu.region"() ({
        %run_scoped3A_229 = tpu.sem_alloc : memref<!tpu.dma_semaphore, #tpu.memory_space<semaphore_mem>>
        %dma_start3A_230 = arith.constant 0 : i32
        %dma_start3A_231 = arith.constant 0 : i32
        %dma_start3A_232 = tpu.memref_slice %arg9[%run_scoped3A_170, %dma_start3A_230, %dma_start3A_231] : memref<2x128x128xf32, #tpu.memory_space<vmem>> -> memref<1x128x128xf32, #tpu.memory_space<vmem>>
        %dma_start3A_233 = tpu.memref_squeeze %dma_start3A_232 : memref<1x128x128xf32, #tpu.memory_space<vmem>> -> memref<128x128xf32, #tpu.memory_space<vmem>>
        %dma_start3A_234 = arith.constant 0 : i32
        %dma_start3A_235 = tpu.memref_slice %arg8[%add3A_145, %run_scoped3A_171, %dma_start3A_234] : memref<40x2x128xi32, #tpu.memory_space<vmem>> -> memref<1x1x128xi32, #tpu.memory_space<vmem>>
        %dma_start3A_236 = tpu.memref_squeeze %dma_start3A_235 : memref<1x1x128xi32, #tpu.memory_space<vmem>> -> memref<128xi32, #tpu.memory_space<vmem>>
        %dma_start3A_237 = arith.constant 0 : i32
        %dma_start3A_238 = arith.constant 0 : i32
        %dma_start3A_239 = tpu.memref_slice %arg7[%dma_start3A_237, %dma_start3A_238] : memref<10112x128xf32, #tpu.memory_space<vmem_shared>> -> memref<10112x128xf32, #tpu.memory_space<vmem_shared>>
        tpu.enqueue_indirect_dma source(%dma_start3A_233 : memref<128x128xf32, #tpu.memory_space<vmem>>) target(%dma_start3A_239 : memref<10112x128xf32, #tpu.memory_space<vmem_shared>>) offsets(%dma_start3A_236 : memref<128xi32, #tpu.memory_space<vmem>>) semaphore(%run_scoped3A_229 : memref<!tpu.dma_semaphore, #tpu.memory_space<semaphore_mem>>) {add = true}
        %dma_wait3A_240 = arith.constant 0 : i32
        %dma_wait3A_241 = arith.constant 0 : i32
        %dma_wait3A_242 = tpu.memref_slice %arg9[%run_scoped3A_170, %dma_wait3A_240, %dma_wait3A_241] : memref<2x128x128xf32, #tpu.memory_space<vmem>> -> memref<1x128x128xf32, #tpu.memory_space<vmem>>
        %dma_wait3A_243 = tpu.memref_squeeze %dma_wait3A_242 : memref<1x128x128xf32, #tpu.memory_space<vmem>> -> memref<128x128xf32, #tpu.memory_space<vmem>>
        %dma_wait3A_244 = arith.constant 0 : i32
        %dma_wait3A_245 = tpu.memref_slice %arg8[%add3A_145, %run_scoped3A_171, %dma_wait3A_244] : memref<40x2x128xi32, #tpu.memory_space<vmem>> -> memref<1x1x128xi32, #tpu.memory_space<vmem>>
        %dma_wait3A_246 = tpu.memref_squeeze %dma_wait3A_245 : memref<1x1x128xi32, #tpu.memory_space<vmem>> -> memref<128xi32, #tpu.memory_space<vmem>>
        %dma_wait3A_247 = arith.constant 0 : i32
        %dma_wait3A_248 = arith.constant 0 : i32
        %dma_wait3A_249 = tpu.memref_slice %arg7[%dma_wait3A_247, %dma_wait3A_248] : memref<10112x128xf32, #tpu.memory_space<vmem_shared>> -> memref<10112x128xf32, #tpu.memory_space<vmem_shared>>
        tpu.wait_indirect_dma semaphore(%run_scoped3A_229 : memref<!tpu.dma_semaphore, #tpu.memory_space<semaphore_mem>>) src(%dma_wait3A_243 : memref<128x128xf32, #tpu.memory_space<vmem>>) dst(%dma_wait3A_249 : memref<10112x128xf32, #tpu.memory_space<vmem_shared>>)
        tpu.yield
      }) : () -> ()
      %add3A_172 = arith.constant 2 : i32
      %add3A_173 = arith.addi %mul3A_120, %add3A_172 : i32
      %add3A_174 = arith.constant 2 : i32
      %add3A_175 = arith.addi %add3A_173, %add3A_174 : i32
      %sub3A_176 = arith.constant 1 : i32
      %sub3A_177 = arith.subi %add3A_175, %sub3A_176 : i32
      %lt3A_178 = arith.constant 40 : i32
      %lt3A_179 = arith.cmpi slt, %sub3A_177, %lt3A_178 : i32
      %convert_element_type3A_180 = arith.extui %lt3A_179 : i1 to i32
      %cond3A_181 = arith.constant 0 : i32
      %cond3A_182 = arith.cmpi ne, %convert_element_type3A_180, %cond3A_181 : i32
      scf.if %cond3A_182 {
        %add3A_229 = arith.constant 2 : i32
        %add3A_230 = arith.addi %add3A_173, %add3A_229 : i32
        %sub3A_231 = arith.constant 1 : i32
        %sub3A_232 = arith.subi %add3A_230, %sub3A_231 : i32
        %dma_start3A_233 = arith.constant 0 : i32
        %dma_start3A_234 = arith.constant 1 : i32
        %dma_start3A_235 = arith.constant 0 : i32
        %dma_start3A_236 = arith.constant 0 : i32
        %dma_start3A_237 = tpu.memref_slice %arg9[%dma_start3A_234, %dma_start3A_235, %dma_start3A_236] : memref<2x128x128xf32, #tpu.memory_space<vmem>> -> memref<1x128x128xf32, #tpu.memory_space<vmem>>
        %dma_start3A_238 = tpu.memref_squeeze %dma_start3A_237 : memref<1x128x128xf32, #tpu.memory_space<vmem>> -> memref<128x128xf32, #tpu.memory_space<vmem>>
        %dma_start3A_239 = arith.constant 0 : i32
        %dma_start3A_240 = tpu.memref_slice %arg8[%sub3A_232, %dma_start3A_233, %dma_start3A_239] : memref<40x2x128xi32, #tpu.memory_space<vmem>> -> memref<1x1x128xi32, #tpu.memory_space<vmem>>
        %dma_start3A_241 = tpu.memref_squeeze %dma_start3A_240 : memref<1x1x128xi32, #tpu.memory_space<vmem>> -> memref<128xi32, #tpu.memory_space<vmem>>
        %dma_start3A_242 = arith.constant 0 : i32
        %dma_start3A_243 = arith.constant 0 : i32
        %dma_start3A_244 = tpu.memref_slice %arg2[%dma_start3A_242, %dma_start3A_243] : memref<10000x128xf32, #tpu.memory_space<hbm>> -> memref<10000x128xf32, #tpu.memory_space<hbm>>
        tpu.enqueue_indirect_dma source(%dma_start3A_244 : memref<10000x128xf32, #tpu.memory_space<hbm>>) target(%dma_start3A_238 : memref<128x128xf32, #tpu.memory_space<vmem>>) offsets(%dma_start3A_241 : memref<128xi32, #tpu.memory_space<vmem>>) semaphore(%arg12 : memref<!tpu.dma_semaphore, #tpu.memory_space<semaphore_mem>>)
      } else {
      }
      %dma_wait3A_183 = arith.constant 0 : i32
      %dma_wait3A_184 = arith.constant 0 : i32
      %dma_wait3A_185 = arith.constant 0 : i32
      %dma_wait3A_186 = tpu.memref_slice %arg9[%dma_wait3A_183, %dma_wait3A_184, %dma_wait3A_185] : memref<2x128x128xf32, #tpu.memory_space<vmem>> -> memref<1x128x128xf32, #tpu.memory_space<vmem>>
      %dma_wait3A_187 = tpu.memref_squeeze %dma_wait3A_186 : memref<1x128x128xf32, #tpu.memory_space<vmem>> -> memref<128x128xf32, #tpu.memory_space<vmem>>
      %dma_wait3A_188 = arith.constant 0 : i32
      %dma_wait3A_189 = arith.constant 0 : i32
      %dma_wait3A_190 = tpu.memref_slice %arg2[%dma_wait3A_188, %dma_wait3A_189] : memref<10000x128xf32, #tpu.memory_space<hbm>> -> memref<128x128xf32, #tpu.memory_space<hbm>>
      %dma_wait3A_191 = arith.constant 0 : i32
      %dma_wait3A_192 = arith.constant 0 : i32
      %dma_wait3A_193 = tpu.memref_slice %arg9[%dma_wait3A_183, %dma_wait3A_191, %dma_wait3A_192] : memref<2x128x128xf32, #tpu.memory_space<vmem>> -> memref<1x128x128xf32, #tpu.memory_space<vmem>>
      %dma_wait3A_194 = tpu.memref_squeeze %dma_wait3A_193 : memref<1x128x128xf32, #tpu.memory_space<vmem>> -> memref<128x128xf32, #tpu.memory_space<vmem>>
      %dma_wait3A_195 = arith.constant 0 : i32
      %dma_wait3A_196 = arith.constant 0 : i32
      %dma_wait3A_197 = tpu.memref_slice %arg2[%dma_wait3A_195, %dma_wait3A_196] : memref<10000x128xf32, #tpu.memory_space<hbm>> -> memref<128x128xf32, #tpu.memory_space<hbm>>
      tpu.wait_dma2 semaphore(%arg11 : memref<!tpu.dma_semaphore, #tpu.memory_space<semaphore_mem>>) src(%dma_wait3A_197 : memref<128x128xf32, #tpu.memory_space<hbm>>) dst(%dma_wait3A_194 : memref<128x128xf32, #tpu.memory_space<vmem>>)
      %run_scoped3A_198 = arith.constant 0 : i32
      %run_scoped3A_199 = arith.constant 1 : i32
      "tpu.region"() ({
        %run_scoped3A_229 = tpu.sem_alloc : memref<!tpu.dma_semaphore, #tpu.memory_space<semaphore_mem>>
        %dma_start3A_230 = arith.constant 0 : i32
        %dma_start3A_231 = arith.constant 0 : i32
        %dma_start3A_232 = tpu.memref_slice %arg9[%run_scoped3A_198, %dma_start3A_230, %dma_start3A_231] : memref<2x128x128xf32, #tpu.memory_space<vmem>> -> memref<1x128x128xf32, #tpu.memory_space<vmem>>
        %dma_start3A_233 = tpu.memref_squeeze %dma_start3A_232 : memref<1x128x128xf32, #tpu.memory_space<vmem>> -> memref<128x128xf32, #tpu.memory_space<vmem>>
        %dma_start3A_234 = arith.constant 0 : i32
        %dma_start3A_235 = tpu.memref_slice %arg8[%add3A_173, %run_scoped3A_199, %dma_start3A_234] : memref<40x2x128xi32, #tpu.memory_space<vmem>> -> memref<1x1x128xi32, #tpu.memory_space<vmem>>
        %dma_start3A_236 = tpu.memref_squeeze %dma_start3A_235 : memref<1x1x128xi32, #tpu.memory_space<vmem>> -> memref<128xi32, #tpu.memory_space<vmem>>
        %dma_start3A_237 = arith.constant 0 : i32
        %dma_start3A_238 = arith.constant 0 : i32
        %dma_start3A_239 = tpu.memref_slice %arg7[%dma_start3A_237, %dma_start3A_238] : memref<10112x128xf32, #tpu.memory_space<vmem_shared>> -> memref<10112x128xf32, #tpu.memory_space<vmem_shared>>
        tpu.enqueue_indirect_dma source(%dma_start3A_233 : memref<128x128xf32, #tpu.memory_space<vmem>>) target(%dma_start3A_239 : memref<10112x128xf32, #tpu.memory_space<vmem_shared>>) offsets(%dma_start3A_236 : memref<128xi32, #tpu.memory_space<vmem>>) semaphore(%run_scoped3A_229 : memref<!tpu.dma_semaphore, #tpu.memory_space<semaphore_mem>>) {add = true}
        %dma_wait3A_240 = arith.constant 0 : i32
        %dma_wait3A_241 = arith.constant 0 : i32
        %dma_wait3A_242 = tpu.memref_slice %arg9[%run_scoped3A_198, %dma_wait3A_240, %dma_wait3A_241] : memref<2x128x128xf32, #tpu.memory_space<vmem>> -> memref<1x128x128xf32, #tpu.memory_space<vmem>>
        %dma_wait3A_243 = tpu.memref_squeeze %dma_wait3A_242 : memref<1x128x128xf32, #tpu.memory_space<vmem>> -> memref<128x128xf32, #tpu.memory_space<vmem>>
        %dma_wait3A_244 = arith.constant 0 : i32
        %dma_wait3A_245 = tpu.memref_slice %arg8[%add3A_173, %run_scoped3A_199, %dma_wait3A_244] : memref<40x2x128xi32, #tpu.memory_space<vmem>> -> memref<1x1x128xi32, #tpu.memory_space<vmem>>
        %dma_wait3A_246 = tpu.memref_squeeze %dma_wait3A_245 : memref<1x1x128xi32, #tpu.memory_space<vmem>> -> memref<128xi32, #tpu.memory_space<vmem>>
        %dma_wait3A_247 = arith.constant 0 : i32
        %dma_wait3A_248 = arith.constant 0 : i32
        %dma_wait3A_249 = tpu.memref_slice %arg7[%dma_wait3A_247, %dma_wait3A_248] : memref<10112x128xf32, #tpu.memory_space<vmem_shared>> -> memref<10112x128xf32, #tpu.memory_space<vmem_shared>>
        tpu.wait_indirect_dma semaphore(%run_scoped3A_229 : memref<!tpu.dma_semaphore, #tpu.memory_space<semaphore_mem>>) src(%dma_wait3A_243 : memref<128x128xf32, #tpu.memory_space<vmem>>) dst(%dma_wait3A_249 : memref<10112x128xf32, #tpu.memory_space<vmem_shared>>)
        tpu.yield
      }) : () -> ()
      %add3A_200 = arith.constant 3 : i32
      %add3A_201 = arith.addi %mul3A_120, %add3A_200 : i32
      %add3A_202 = arith.constant 2 : i32
      %add3A_203 = arith.addi %add3A_201, %add3A_202 : i32
      %sub3A_204 = arith.constant 1 : i32
      %sub3A_205 = arith.subi %add3A_203, %sub3A_204 : i32
      %lt3A_206 = arith.constant 40 : i32
      %lt3A_207 = arith.cmpi slt, %sub3A_205, %lt3A_206 : i32
      %convert_element_type3A_208 = arith.extui %lt3A_207 : i1 to i32
      %cond3A_209 = arith.constant 0 : i32
      %cond3A_210 = arith.cmpi ne, %convert_element_type3A_208, %cond3A_209 : i32
      scf.if %cond3A_210 {
        %add3A_229 = arith.constant 2 : i32
        %add3A_230 = arith.addi %add3A_201, %add3A_229 : i32
        %sub3A_231 = arith.constant 1 : i32
        %sub3A_232 = arith.subi %add3A_230, %sub3A_231 : i32
        %dma_start3A_233 = arith.constant 0 : i32
        %dma_start3A_234 = arith.constant 0 : i32
        %dma_start3A_235 = arith.constant 0 : i32
        %dma_start3A_236 = arith.constant 0 : i32
        %dma_start3A_237 = tpu.memref_slice %arg9[%dma_start3A_234, %dma_start3A_235, %dma_start3A_236] : memref<2x128x128xf32, #tpu.memory_space<vmem>> -> memref<1x128x128xf32, #tpu.memory_space<vmem>>
        %dma_start3A_238 = tpu.memref_squeeze %dma_start3A_237 : memref<1x128x128xf32, #tpu.memory_space<vmem>> -> memref<128x128xf32, #tpu.memory_space<vmem>>
        %dma_start3A_239 = arith.constant 0 : i32
        %dma_start3A_240 = tpu.memref_slice %arg8[%sub3A_232, %dma_start3A_233, %dma_start3A_239] : memref<40x2x128xi32, #tpu.memory_space<vmem>> -> memref<1x1x128xi32, #tpu.memory_space<vmem>>
        %dma_start3A_241 = tpu.memref_squeeze %dma_start3A_240 : memref<1x1x128xi32, #tpu.memory_space<vmem>> -> memref<128xi32, #tpu.memory_space<vmem>>
        %dma_start3A_242 = arith.constant 0 : i32
        %dma_start3A_243 = arith.constant 0 : i32
        %dma_start3A_244 = tpu.memref_slice %arg2[%dma_start3A_242, %dma_start3A_243] : memref<10000x128xf32, #tpu.memory_space<hbm>> -> memref<10000x128xf32, #tpu.memory_space<hbm>>
        tpu.enqueue_indirect_dma source(%dma_start3A_244 : memref<10000x128xf32, #tpu.memory_space<hbm>>) target(%dma_start3A_238 : memref<128x128xf32, #tpu.memory_space<vmem>>) offsets(%dma_start3A_241 : memref<128xi32, #tpu.memory_space<vmem>>) semaphore(%arg11 : memref<!tpu.dma_semaphore, #tpu.memory_space<semaphore_mem>>)
      } else {
      }
      %dma_wait3A_211 = arith.constant 1 : i32
      %dma_wait3A_212 = arith.constant 0 : i32
      %dma_wait3A_213 = arith.constant 0 : i32
      %dma_wait3A_214 = tpu.memref_slice %arg9[%dma_wait3A_211, %dma_wait3A_212, %dma_wait3A_213] : memref<2x128x128xf32, #tpu.memory_space<vmem>> -> memref<1x128x128xf32, #tpu.memory_space<vmem>>
      %dma_wait3A_215 = tpu.memref_squeeze %dma_wait3A_214 : memref<1x128x128xf32, #tpu.memory_space<vmem>> -> memref<128x128xf32, #tpu.memory_space<vmem>>
      %dma_wait3A_216 = arith.constant 0 : i32
      %dma_wait3A_217 = arith.constant 0 : i32
      %dma_wait3A_218 = tpu.memref_slice %arg2[%dma_wait3A_216, %dma_wait3A_217] : memref<10000x128xf32, #tpu.memory_space<hbm>> -> memref<128x128xf32, #tpu.memory_space<hbm>>
      %dma_wait3A_219 = arith.constant 0 : i32
      %dma_wait3A_220 = arith.constant 0 : i32
      %dma_wait3A_221 = tpu.memref_slice %arg9[%dma_wait3A_211, %dma_wait3A_219, %dma_wait3A_220] : memref<2x128x128xf32, #tpu.memory_space<vmem>> -> memref<1x128x128xf32, #tpu.memory_space<vmem>>
      %dma_wait3A_222 = tpu.memref_squeeze %dma_wait3A_221 : memref<1x128x128xf32, #tpu.memory_space<vmem>> -> memref<128x128xf32, #tpu.memory_space<vmem>>
      %dma_wait3A_223 = arith.constant 0 : i32
      %dma_wait3A_224 = arith.constant 0 : i32
      %dma_wait3A_225 = tpu.memref_slice %arg2[%dma_wait3A_223, %dma_wait3A_224] : memref<10000x128xf32, #tpu.memory_space<hbm>> -> memref<128x128xf32, #tpu.memory_space<hbm>>
      tpu.wait_dma2 semaphore(%arg12 : memref<!tpu.dma_semaphore, #tpu.memory_space<semaphore_mem>>) src(%dma_wait3A_225 : memref<128x128xf32, #tpu.memory_space<hbm>>) dst(%dma_wait3A_222 : memref<128x128xf32, #tpu.memory_space<vmem>>)
      %run_scoped3A_226 = arith.constant 1 : i32
      %run_scoped3A_227 = arith.constant 1 : i32
      "tpu.region"() ({
        %run_scoped3A_229 = tpu.sem_alloc : memref<!tpu.dma_semaphore, #tpu.memory_space<semaphore_mem>>
        %dma_start3A_230 = arith.constant 0 : i32
        %dma_start3A_231 = arith.constant 0 : i32
        %dma_start3A_232 = tpu.memref_slice %arg9[%run_scoped3A_226, %dma_start3A_230, %dma_start3A_231] : memref<2x128x128xf32, #tpu.memory_space<vmem>> -> memref<1x128x128xf32, #tpu.memory_space<vmem>>
        %dma_start3A_233 = tpu.memref_squeeze %dma_start3A_232 : memref<1x128x128xf32, #tpu.memory_space<vmem>> -> memref<128x128xf32, #tpu.memory_space<vmem>>
        %dma_start3A_234 = arith.constant 0 : i32
        %dma_start3A_235 = tpu.memref_slice %arg8[%add3A_201, %run_scoped3A_227, %dma_start3A_234] : memref<40x2x128xi32, #tpu.memory_space<vmem>> -> memref<1x1x128xi32, #tpu.memory_space<vmem>>
        %dma_start3A_236 = tpu.memref_squeeze %dma_start3A_235 : memref<1x1x128xi32, #tpu.memory_space<vmem>> -> memref<128xi32, #tpu.memory_space<vmem>>
        %dma_start3A_237 = arith.constant 0 : i32
        %dma_start3A_238 = arith.constant 0 : i32
        %dma_start3A_239 = tpu.memref_slice %arg7[%dma_start3A_237, %dma_start3A_238] : memref<10112x128xf32, #tpu.memory_space<vmem_shared>> -> memref<10112x128xf32, #tpu.memory_space<vmem_shared>>
        tpu.enqueue_indirect_dma source(%dma_start3A_233 : memref<128x128xf32, #tpu.memory_space<vmem>>) target(%dma_start3A_239 : memref<10112x128xf32, #tpu.memory_space<vmem_shared>>) offsets(%dma_start3A_236 : memref<128xi32, #tpu.memory_space<vmem>>) semaphore(%run_scoped3A_229 : memref<!tpu.dma_semaphore, #tpu.memory_space<semaphore_mem>>) {add = true}
        %dma_wait3A_240 = arith.constant 0 : i32
        %dma_wait3A_241 = arith.constant 0 : i32
        %dma_wait3A_242 = tpu.memref_slice %arg9[%run_scoped3A_226, %dma_wait3A_240, %dma_wait3A_241] : memref<2x128x128xf32, #tpu.memory_space<vmem>> -> memref<1x128x128xf32, #tpu.memory_space<vmem>>
        %dma_wait3A_243 = tpu.memref_squeeze %dma_wait3A_242 : memref<1x128x128xf32, #tpu.memory_space<vmem>> -> memref<128x128xf32, #tpu.memory_space<vmem>>
        %dma_wait3A_244 = arith.constant 0 : i32
        %dma_wait3A_245 = tpu.memref_slice %arg8[%add3A_201, %run_scoped3A_227, %dma_wait3A_244] : memref<40x2x128xi32, #tpu.memory_space<vmem>> -> memref<1x1x128xi32, #tpu.memory_space<vmem>>
        %dma_wait3A_246 = tpu.memref_squeeze %dma_wait3A_245 : memref<1x1x128xi32, #tpu.memory_space<vmem>> -> memref<128xi32, #tpu.memory_space<vmem>>
        %dma_wait3A_247 = arith.constant 0 : i32
        %dma_wait3A_248 = arith.constant 0 : i32
        %dma_wait3A_249 = tpu.memref_slice %arg7[%dma_wait3A_247, %dma_wait3A_248] : memref<10112x128xf32, #tpu.memory_space<vmem_shared>> -> memref<10112x128xf32, #tpu.memory_space<vmem_shared>>
        tpu.wait_indirect_dma semaphore(%run_scoped3A_229 : memref<!tpu.dma_semaphore, #tpu.memory_space<semaphore_mem>>) src(%dma_wait3A_243 : memref<128x128xf32, #tpu.memory_space<vmem>>) dst(%dma_wait3A_249 : memref<10112x128xf32, #tpu.memory_space<vmem_shared>>)
        tpu.yield
      }) : () -> ()
      %scan3A_228 = arith.constant 0 : i32
      scf.yield %scan3A_228 : i32
    }
    %scan3A_91 = arith.constant 10 : i32
    %mul3A_92 = arith.constant 80 : i32
    %mul3A_93 = arith.muli %add3A, %mul3A_92 : i32
    %add3A_94 = arith.constant 40 : i32
    %add3A_95 = arith.addi %mul3A_93, %add3A_94 : i32
    "tpu.region"() ({
      %run_scoped3A = tpu.sem_alloc : memref<!tpu.dma_semaphore, #tpu.memory_space<semaphore_mem>>
      %dma_start3A_117 = arith.constant 0 : i32
      %dma_start3A_118 = arith.constant 0 : i32
      %dma_start3A_119 = tpu.memref_slice %arg3[%add3A_95, %dma_start3A_117, %dma_start3A_118] : memref<2560x2x128xi32, #tpu.memory_space<hbm>> -> memref<40x2x128xi32, #tpu.memory_space<hbm>>
      %dma_start3A_120 = arith.constant 0 : i32
      %dma_start3A_121 = arith.constant 0 : i32
      %dma_start3A_122 = tpu.memref_slice %arg3[%add3A_95, %dma_start3A_120, %dma_start3A_121] : memref<2560x2x128xi32, #tpu.memory_space<hbm>> -> memref<40x2x128xi32, #tpu.memory_space<hbm>>
      tpu.enqueue_dma source(%dma_start3A_122 : memref<40x2x128xi32, #tpu.memory_space<hbm>>) target(%arg8 : memref<40x2x128xi32, #tpu.memory_space<vmem>>) target_semaphore(%run_scoped3A : memref<!tpu.dma_semaphore, #tpu.memory_space<semaphore_mem>>)
      %dma_wait3A_123 = arith.constant 0 : i32
      %dma_wait3A_124 = arith.constant 0 : i32
      %dma_wait3A_125 = tpu.memref_slice %arg3[%add3A_95, %dma_wait3A_123, %dma_wait3A_124] : memref<2560x2x128xi32, #tpu.memory_space<hbm>> -> memref<40x2x128xi32, #tpu.memory_space<hbm>>
      %dma_wait3A_126 = arith.constant 0 : i32
      %dma_wait3A_127 = arith.constant 0 : i32
      %dma_wait3A_128 = tpu.memref_slice %arg3[%add3A_95, %dma_wait3A_126, %dma_wait3A_127] : memref<2560x2x128xi32, #tpu.memory_space<hbm>> -> memref<40x2x128xi32, #tpu.memory_space<hbm>>
      tpu.wait_dma2 semaphore(%run_scoped3A : memref<!tpu.dma_semaphore, #tpu.memory_space<semaphore_mem>>) src(%dma_wait3A_128 : memref<40x2x128xi32, #tpu.memory_space<hbm>>) dst(%arg8 : memref<40x2x128xi32, #tpu.memory_space<vmem>>)
      tpu.yield
    }) : () -> ()
    %dma_start3A_96 = arith.constant 0 : i32
    %dma_start3A_97 = arith.constant 0 : i32
    %dma_start3A_98 = arith.constant 0 : i32
    %dma_start3A_99 = arith.constant 0 : i32
    %dma_start3A_100 = arith.constant 0 : i32
    %dma_start3A_101 = tpu.memref_slice %arg9[%dma_start3A_98, %dma_start3A_99, %dma_start3A_100] : memref<2x128x128xf32, #tpu.memory_space<vmem>> -> memref<1x128x128xf32, #tpu.memory_space<vmem>>
    %dma_start3A_102 = tpu.memref_squeeze %dma_start3A_101 : memref<1x128x128xf32, #tpu.memory_space<vmem>> -> memref<128x128xf32, #tpu.memory_space<vmem>>
    %dma_start3A_103 = arith.constant 0 : i32
    %dma_start3A_104 = tpu.memref_slice %arg8[%dma_start3A_96, %dma_start3A_97, %dma_start3A_103] : memref<40x2x128xi32, #tpu.memory_space<vmem>> -> memref<1x1x128xi32, #tpu.memory_space<vmem>>
    %dma_start3A_105 = tpu.memref_squeeze %dma_start3A_104 : memref<1x1x128xi32, #tpu.memory_space<vmem>> -> memref<128xi32, #tpu.memory_space<vmem>>
    %dma_start3A_106 = arith.constant 0 : i32
    %dma_start3A_107 = arith.constant 0 : i32
    %dma_start3A_108 = tpu.memref_slice %arg2[%dma_start3A_106, %dma_start3A_107] : memref<10000x128xf32, #tpu.memory_space<hbm>> -> memref<10000x128xf32, #tpu.memory_space<hbm>>
    tpu.enqueue_indirect_dma source(%dma_start3A_108 : memref<10000x128xf32, #tpu.memory_space<hbm>>) target(%dma_start3A_102 : memref<128x128xf32, #tpu.memory_space<vmem>>) offsets(%dma_start3A_105 : memref<128xi32, #tpu.memory_space<vmem>>) semaphore(%arg11 : memref<!tpu.dma_semaphore, #tpu.memory_space<semaphore_mem>>)
    %scan3A_109 = arith.constant 0 : i32
    %scan3A_110 = arith.constant 0 : i32
    %scan3A_111 = arith.constant 10 : i32
    %scan3A_112 = arith.addi %scan3A_110, %scan3A_111 : i32
    %scan3A_113 = arith.constant 1 : i32
    %scan3A_114 = scf.for %scan3A_117 = %scan3A_110 to %scan3A_112 step %scan3A_113 iter_args(%scan3A_118 = %scan3A_109) -> (i32)  : i32 {
      %mul3A_119 = arith.constant 4 : i32
      %mul3A_120 = arith.muli %scan3A_117, %mul3A_119 : i32
      %add3A_121 = arith.constant 0 : i32
      %add3A_122 = arith.addi %mul3A_120, %add3A_121 : i32
      %add3A_123 = arith.constant 2 : i32
      %add3A_124 = arith.addi %add3A_122, %add3A_123 : i32
      %sub3A = arith.constant 1 : i32
      %sub3A_125 = arith.subi %add3A_124, %sub3A : i32
      %lt3A = arith.constant 40 : i32
      %lt3A_126 = arith.cmpi slt, %sub3A_125, %lt3A : i32
      %convert_element_type3A = arith.extui %lt3A_126 : i1 to i32
      %cond3A = arith.constant 0 : i32
      %cond3A_127 = arith.cmpi ne, %convert_element_type3A, %cond3A : i32
      scf.if %cond3A_127 {
        %add3A_229 = arith.constant 2 : i32
        %add3A_230 = arith.addi %add3A_122, %add3A_229 : i32
        %sub3A_231 = arith.constant 1 : i32
        %sub3A_232 = arith.subi %add3A_230, %sub3A_231 : i32
        %dma_start3A_233 = arith.constant 0 : i32
        %dma_start3A_234 = arith.constant 1 : i32
        %dma_start3A_235 = arith.constant 0 : i32
        %dma_start3A_236 = arith.constant 0 : i32
        %dma_start3A_237 = tpu.memref_slice %arg9[%dma_start3A_234, %dma_start3A_235, %dma_start3A_236] : memref<2x128x128xf32, #tpu.memory_space<vmem>> -> memref<1x128x128xf32, #tpu.memory_space<vmem>>
        %dma_start3A_238 = tpu.memref_squeeze %dma_start3A_237 : memref<1x128x128xf32, #tpu.memory_space<vmem>> -> memref<128x128xf32, #tpu.memory_space<vmem>>
        %dma_start3A_239 = arith.constant 0 : i32
        %dma_start3A_240 = tpu.memref_slice %arg8[%sub3A_232, %dma_start3A_233, %dma_start3A_239] : memref<40x2x128xi32, #tpu.memory_space<vmem>> -> memref<1x1x128xi32, #tpu.memory_space<vmem>>
        %dma_start3A_241 = tpu.memref_squeeze %dma_start3A_240 : memref<1x1x128xi32, #tpu.memory_space<vmem>> -> memref<128xi32, #tpu.memory_space<vmem>>
        %dma_start3A_242 = arith.constant 0 : i32
        %dma_start3A_243 = arith.constant 0 : i32
        %dma_start3A_244 = tpu.memref_slice %arg2[%dma_start3A_242, %dma_start3A_243] : memref<10000x128xf32, #tpu.memory_space<hbm>> -> memref<10000x128xf32, #tpu.memory_space<hbm>>
        tpu.enqueue_indirect_dma source(%dma_start3A_244 : memref<10000x128xf32, #tpu.memory_space<hbm>>) target(%dma_start3A_238 : memref<128x128xf32, #tpu.memory_space<vmem>>) offsets(%dma_start3A_241 : memref<128xi32, #tpu.memory_space<vmem>>) semaphore(%arg12 : memref<!tpu.dma_semaphore, #tpu.memory_space<semaphore_mem>>)
      } else {
      }
      %dma_wait3A_128 = arith.constant 0 : i32
      %dma_wait3A_129 = arith.constant 0 : i32
      %dma_wait3A_130 = arith.constant 0 : i32
      %dma_wait3A_131 = tpu.memref_slice %arg9[%dma_wait3A_128, %dma_wait3A_129, %dma_wait3A_130] : memref<2x128x128xf32, #tpu.memory_space<vmem>> -> memref<1x128x128xf32, #tpu.memory_space<vmem>>
      %dma_wait3A_132 = tpu.memref_squeeze %dma_wait3A_131 : memref<1x128x128xf32, #tpu.memory_space<vmem>> -> memref<128x128xf32, #tpu.memory_space<vmem>>
      %dma_wait3A_133 = arith.constant 0 : i32
      %dma_wait3A_134 = arith.constant 0 : i32
      %dma_wait3A_135 = tpu.memref_slice %arg2[%dma_wait3A_133, %dma_wait3A_134] : memref<10000x128xf32, #tpu.memory_space<hbm>> -> memref<128x128xf32, #tpu.memory_space<hbm>>
      %dma_wait3A_136 = arith.constant 0 : i32
      %dma_wait3A_137 = arith.constant 0 : i32
      %dma_wait3A_138 = tpu.memref_slice %arg9[%dma_wait3A_128, %dma_wait3A_136, %dma_wait3A_137] : memref<2x128x128xf32, #tpu.memory_space<vmem>> -> memref<1x128x128xf32, #tpu.memory_space<vmem>>
      %dma_wait3A_139 = tpu.memref_squeeze %dma_wait3A_138 : memref<1x128x128xf32, #tpu.memory_space<vmem>> -> memref<128x128xf32, #tpu.memory_space<vmem>>
      %dma_wait3A_140 = arith.constant 0 : i32
      %dma_wait3A_141 = arith.constant 0 : i32
      %dma_wait3A_142 = tpu.memref_slice %arg2[%dma_wait3A_140, %dma_wait3A_141] : memref<10000x128xf32, #tpu.memory_space<hbm>> -> memref<128x128xf32, #tpu.memory_space<hbm>>
      tpu.wait_dma2 semaphore(%arg11 : memref<!tpu.dma_semaphore, #tpu.memory_space<semaphore_mem>>) src(%dma_wait3A_142 : memref<128x128xf32, #tpu.memory_space<hbm>>) dst(%dma_wait3A_139 : memref<128x128xf32, #tpu.memory_space<vmem>>)
      %run_scoped3A = arith.constant 0 : i32
      %run_scoped3A_143 = arith.constant 1 : i32
      "tpu.region"() ({
        %run_scoped3A_229 = tpu.sem_alloc : memref<!tpu.dma_semaphore, #tpu.memory_space<semaphore_mem>>
        %dma_start3A_230 = arith.constant 0 : i32
        %dma_start3A_231 = arith.constant 0 : i32
        %dma_start3A_232 = tpu.memref_slice %arg9[%run_scoped3A, %dma_start3A_230, %dma_start3A_231] : memref<2x128x128xf32, #tpu.memory_space<vmem>> -> memref<1x128x128xf32, #tpu.memory_space<vmem>>
        %dma_start3A_233 = tpu.memref_squeeze %dma_start3A_232 : memref<1x128x128xf32, #tpu.memory_space<vmem>> -> memref<128x128xf32, #tpu.memory_space<vmem>>
        %dma_start3A_234 = arith.constant 0 : i32
        %dma_start3A_235 = tpu.memref_slice %arg8[%add3A_122, %run_scoped3A_143, %dma_start3A_234] : memref<40x2x128xi32, #tpu.memory_space<vmem>> -> memref<1x1x128xi32, #tpu.memory_space<vmem>>
        %dma_start3A_236 = tpu.memref_squeeze %dma_start3A_235 : memref<1x1x128xi32, #tpu.memory_space<vmem>> -> memref<128xi32, #tpu.memory_space<vmem>>
        %dma_start3A_237 = arith.constant 0 : i32
        %dma_start3A_238 = arith.constant 0 : i32
        %dma_start3A_239 = tpu.memref_slice %arg7[%dma_start3A_237, %dma_start3A_238] : memref<10112x128xf32, #tpu.memory_space<vmem_shared>> -> memref<10112x128xf32, #tpu.memory_space<vmem_shared>>
        tpu.enqueue_indirect_dma source(%dma_start3A_233 : memref<128x128xf32, #tpu.memory_space<vmem>>) target(%dma_start3A_239 : memref<10112x128xf32, #tpu.memory_space<vmem_shared>>) offsets(%dma_start3A_236 : memref<128xi32, #tpu.memory_space<vmem>>) semaphore(%run_scoped3A_229 : memref<!tpu.dma_semaphore, #tpu.memory_space<semaphore_mem>>) {add = true}
        %dma_wait3A_240 = arith.constant 0 : i32
        %dma_wait3A_241 = arith.constant 0 : i32
        %dma_wait3A_242 = tpu.memref_slice %arg9[%run_scoped3A, %dma_wait3A_240, %dma_wait3A_241] : memref<2x128x128xf32, #tpu.memory_space<vmem>> -> memref<1x128x128xf32, #tpu.memory_space<vmem>>
        %dma_wait3A_243 = tpu.memref_squeeze %dma_wait3A_242 : memref<1x128x128xf32, #tpu.memory_space<vmem>> -> memref<128x128xf32, #tpu.memory_space<vmem>>
        %dma_wait3A_244 = arith.constant 0 : i32
        %dma_wait3A_245 = tpu.memref_slice %arg8[%add3A_122, %run_scoped3A_143, %dma_wait3A_244] : memref<40x2x128xi32, #tpu.memory_space<vmem>> -> memref<1x1x128xi32, #tpu.memory_space<vmem>>
        %dma_wait3A_246 = tpu.memref_squeeze %dma_wait3A_245 : memref<1x1x128xi32, #tpu.memory_space<vmem>> -> memref<128xi32, #tpu.memory_space<vmem>>
        %dma_wait3A_247 = arith.constant 0 : i32
        %dma_wait3A_248 = arith.constant 0 : i32
        %dma_wait3A_249 = tpu.memref_slice %arg7[%dma_wait3A_247, %dma_wait3A_248] : memref<10112x128xf32, #tpu.memory_space<vmem_shared>> -> memref<10112x128xf32, #tpu.memory_space<vmem_shared>>
        tpu.wait_indirect_dma semaphore(%run_scoped3A_229 : memref<!tpu.dma_semaphore, #tpu.memory_space<semaphore_mem>>) src(%dma_wait3A_243 : memref<128x128xf32, #tpu.memory_space<vmem>>) dst(%dma_wait3A_249 : memref<10112x128xf32, #tpu.memory_space<vmem_shared>>)
        tpu.yield
      }) : () -> ()
      %add3A_144 = arith.constant 1 : i32
      %add3A_145 = arith.addi %mul3A_120, %add3A_144 : i32
      %add3A_146 = arith.constant 2 : i32
      %add3A_147 = arith.addi %add3A_145, %add3A_146 : i32
      %sub3A_148 = arith.constant 1 : i32
      %sub3A_149 = arith.subi %add3A_147, %sub3A_148 : i32
      %lt3A_150 = arith.constant 40 : i32
      %lt3A_151 = arith.cmpi slt, %sub3A_149, %lt3A_150 : i32
      %convert_element_type3A_152 = arith.extui %lt3A_151 : i1 to i32
      %cond3A_153 = arith.constant 0 : i32
      %cond3A_154 = arith.cmpi ne, %convert_element_type3A_152, %cond3A_153 : i32
      scf.if %cond3A_154 {
        %add3A_229 = arith.constant 2 : i32
        %add3A_230 = arith.addi %add3A_145, %add3A_229 : i32
        %sub3A_231 = arith.constant 1 : i32
        %sub3A_232 = arith.subi %add3A_230, %sub3A_231 : i32
        %dma_start3A_233 = arith.constant 0 : i32
        %dma_start3A_234 = arith.constant 0 : i32
        %dma_start3A_235 = arith.constant 0 : i32
        %dma_start3A_236 = arith.constant 0 : i32
        %dma_start3A_237 = tpu.memref_slice %arg9[%dma_start3A_234, %dma_start3A_235, %dma_start3A_236] : memref<2x128x128xf32, #tpu.memory_space<vmem>> -> memref<1x128x128xf32, #tpu.memory_space<vmem>>
        %dma_start3A_238 = tpu.memref_squeeze %dma_start3A_237 : memref<1x128x128xf32, #tpu.memory_space<vmem>> -> memref<128x128xf32, #tpu.memory_space<vmem>>
        %dma_start3A_239 = arith.constant 0 : i32
        %dma_start3A_240 = tpu.memref_slice %arg8[%sub3A_232, %dma_start3A_233, %dma_start3A_239] : memref<40x2x128xi32, #tpu.memory_space<vmem>> -> memref<1x1x128xi32, #tpu.memory_space<vmem>>
        %dma_start3A_241 = tpu.memref_squeeze %dma_start3A_240 : memref<1x1x128xi32, #tpu.memory_space<vmem>> -> memref<128xi32, #tpu.memory_space<vmem>>
        %dma_start3A_242 = arith.constant 0 : i32
        %dma_start3A_243 = arith.constant 0 : i32
        %dma_start3A_244 = tpu.memref_slice %arg2[%dma_start3A_242, %dma_start3A_243] : memref<10000x128xf32, #tpu.memory_space<hbm>> -> memref<10000x128xf32, #tpu.memory_space<hbm>>
        tpu.enqueue_indirect_dma source(%dma_start3A_244 : memref<10000x128xf32, #tpu.memory_space<hbm>>) target(%dma_start3A_238 : memref<128x128xf32, #tpu.memory_space<vmem>>) offsets(%dma_start3A_241 : memref<128xi32, #tpu.memory_space<vmem>>) semaphore(%arg11 : memref<!tpu.dma_semaphore, #tpu.memory_space<semaphore_mem>>)
      } else {
      }
      %dma_wait3A_155 = arith.constant 1 : i32
      %dma_wait3A_156 = arith.constant 0 : i32
      %dma_wait3A_157 = arith.constant 0 : i32
      %dma_wait3A_158 = tpu.memref_slice %arg9[%dma_wait3A_155, %dma_wait3A_156, %dma_wait3A_157] : memref<2x128x128xf32, #tpu.memory_space<vmem>> -> memref<1x128x128xf32, #tpu.memory_space<vmem>>
      %dma_wait3A_159 = tpu.memref_squeeze %dma_wait3A_158 : memref<1x128x128xf32, #tpu.memory_space<vmem>> -> memref<128x128xf32, #tpu.memory_space<vmem>>
      %dma_wait3A_160 = arith.constant 0 : i32
      %dma_wait3A_161 = arith.constant 0 : i32
      %dma_wait3A_162 = tpu.memref_slice %arg2[%dma_wait3A_160, %dma_wait3A_161] : memref<10000x128xf32, #tpu.memory_space<hbm>> -> memref<128x128xf32, #tpu.memory_space<hbm>>
      %dma_wait3A_163 = arith.constant 0 : i32
      %dma_wait3A_164 = arith.constant 0 : i32
      %dma_wait3A_165 = tpu.memref_slice %arg9[%dma_wait3A_155, %dma_wait3A_163, %dma_wait3A_164] : memref<2x128x128xf32, #tpu.memory_space<vmem>> -> memref<1x128x128xf32, #tpu.memory_space<vmem>>
      %dma_wait3A_166 = tpu.memref_squeeze %dma_wait3A_165 : memref<1x128x128xf32, #tpu.memory_space<vmem>> -> memref<128x128xf32, #tpu.memory_space<vmem>>
      %dma_wait3A_167 = arith.constant 0 : i32
      %dma_wait3A_168 = arith.constant 0 : i32
      %dma_wait3A_169 = tpu.memref_slice %arg2[%dma_wait3A_167, %dma_wait3A_168] : memref<10000x128xf32, #tpu.memory_space<hbm>> -> memref<128x128xf32, #tpu.memory_space<hbm>>
      tpu.wait_dma2 semaphore(%arg12 : memref<!tpu.dma_semaphore, #tpu.memory_space<semaphore_mem>>) src(%dma_wait3A_169 : memref<128x128xf32, #tpu.memory_space<hbm>>) dst(%dma_wait3A_166 : memref<128x128xf32, #tpu.memory_space<vmem>>)
      %run_scoped3A_170 = arith.constant 1 : i32
      %run_scoped3A_171 = arith.constant 1 : i32
      "tpu.region"() ({
        %run_scoped3A_229 = tpu.sem_alloc : memref<!tpu.dma_semaphore, #tpu.memory_space<semaphore_mem>>
        %dma_start3A_230 = arith.constant 0 : i32
        %dma_start3A_231 = arith.constant 0 : i32
        %dma_start3A_232 = tpu.memref_slice %arg9[%run_scoped3A_170, %dma_start3A_230, %dma_start3A_231] : memref<2x128x128xf32, #tpu.memory_space<vmem>> -> memref<1x128x128xf32, #tpu.memory_space<vmem>>
        %dma_start3A_233 = tpu.memref_squeeze %dma_start3A_232 : memref<1x128x128xf32, #tpu.memory_space<vmem>> -> memref<128x128xf32, #tpu.memory_space<vmem>>
        %dma_start3A_234 = arith.constant 0 : i32
        %dma_start3A_235 = tpu.memref_slice %arg8[%add3A_145, %run_scoped3A_171, %dma_start3A_234] : memref<40x2x128xi32, #tpu.memory_space<vmem>> -> memref<1x1x128xi32, #tpu.memory_space<vmem>>
        %dma_start3A_236 = tpu.memref_squeeze %dma_start3A_235 : memref<1x1x128xi32, #tpu.memory_space<vmem>> -> memref<128xi32, #tpu.memory_space<vmem>>
        %dma_start3A_237 = arith.constant 0 : i32
        %dma_start3A_238 = arith.constant 0 : i32
        %dma_start3A_239 = tpu.memref_slice %arg7[%dma_start3A_237, %dma_start3A_238] : memref<10112x128xf32, #tpu.memory_space<vmem_shared>> -> memref<10112x128xf32, #tpu.memory_space<vmem_shared>>
        tpu.enqueue_indirect_dma source(%dma_start3A_233 : memref<128x128xf32, #tpu.memory_space<vmem>>) target(%dma_start3A_239 : memref<10112x128xf32, #tpu.memory_space<vmem_shared>>) offsets(%dma_start3A_236 : memref<128xi32, #tpu.memory_space<vmem>>) semaphore(%run_scoped3A_229 : memref<!tpu.dma_semaphore, #tpu.memory_space<semaphore_mem>>) {add = true}
        %dma_wait3A_240 = arith.constant 0 : i32
        %dma_wait3A_241 = arith.constant 0 : i32
        %dma_wait3A_242 = tpu.memref_slice %arg9[%run_scoped3A_170, %dma_wait3A_240, %dma_wait3A_241] : memref<2x128x128xf32, #tpu.memory_space<vmem>> -> memref<1x128x128xf32, #tpu.memory_space<vmem>>
        %dma_wait3A_243 = tpu.memref_squeeze %dma_wait3A_242 : memref<1x128x128xf32, #tpu.memory_space<vmem>> -> memref<128x128xf32, #tpu.memory_space<vmem>>
        %dma_wait3A_244 = arith.constant 0 : i32
        %dma_wait3A_245 = tpu.memref_slice %arg8[%add3A_145, %run_scoped3A_171, %dma_wait3A_244] : memref<40x2x128xi32, #tpu.memory_space<vmem>> -> memref<1x1x128xi32, #tpu.memory_space<vmem>>
        %dma_wait3A_246 = tpu.memref_squeeze %dma_wait3A_245 : memref<1x1x128xi32, #tpu.memory_space<vmem>> -> memref<128xi32, #tpu.memory_space<vmem>>
        %dma_wait3A_247 = arith.constant 0 : i32
        %dma_wait3A_248 = arith.constant 0 : i32
        %dma_wait3A_249 = tpu.memref_slice %arg7[%dma_wait3A_247, %dma_wait3A_248] : memref<10112x128xf32, #tpu.memory_space<vmem_shared>> -> memref<10112x128xf32, #tpu.memory_space<vmem_shared>>
        tpu.wait_indirect_dma semaphore(%run_scoped3A_229 : memref<!tpu.dma_semaphore, #tpu.memory_space<semaphore_mem>>) src(%dma_wait3A_243 : memref<128x128xf32, #tpu.memory_space<vmem>>) dst(%dma_wait3A_249 : memref<10112x128xf32, #tpu.memory_space<vmem_shared>>)
        tpu.yield
      }) : () -> ()
      %add3A_172 = arith.constant 2 : i32
      %add3A_173 = arith.addi %mul3A_120, %add3A_172 : i32
      %add3A_174 = arith.constant 2 : i32
      %add3A_175 = arith.addi %add3A_173, %add3A_174 : i32
      %sub3A_176 = arith.constant 1 : i32
      %sub3A_177 = arith.subi %add3A_175, %sub3A_176 : i32
      %lt3A_178 = arith.constant 40 : i32
      %lt3A_179 = arith.cmpi slt, %sub3A_177, %lt3A_178 : i32
      %convert_element_type3A_180 = arith.extui %lt3A_179 : i1 to i32
      %cond3A_181 = arith.constant 0 : i32
      %cond3A_182 = arith.cmpi ne, %convert_element_type3A_180, %cond3A_181 : i32
      scf.if %cond3A_182 {
        %add3A_229 = arith.constant 2 : i32
        %add3A_230 = arith.addi %add3A_173, %add3A_229 : i32
        %sub3A_231 = arith.constant 1 : i32
        %sub3A_232 = arith.subi %add3A_230, %sub3A_231 : i32
        %dma_start3A_233 = arith.constant 0 : i32
        %dma_start3A_234 = arith.constant 1 : i32
        %dma_start3A_235 = arith.constant 0 : i32
        %dma_start3A_236 = arith.constant 0 : i32
        %dma_start3A_237 = tpu.memref_slice %arg9[%dma_start3A_234, %dma_start3A_235, %dma_start3A_236] : memref<2x128x128xf32, #tpu.memory_space<vmem>> -> memref<1x128x128xf32, #tpu.memory_space<vmem>>
        %dma_start3A_238 = tpu.memref_squeeze %dma_start3A_237 : memref<1x128x128xf32, #tpu.memory_space<vmem>> -> memref<128x128xf32, #tpu.memory_space<vmem>>
        %dma_start3A_239 = arith.constant 0 : i32
        %dma_start3A_240 = tpu.memref_slice %arg8[%sub3A_232, %dma_start3A_233, %dma_start3A_239] : memref<40x2x128xi32, #tpu.memory_space<vmem>> -> memref<1x1x128xi32, #tpu.memory_space<vmem>>
        %dma_start3A_241 = tpu.memref_squeeze %dma_start3A_240 : memref<1x1x128xi32, #tpu.memory_space<vmem>> -> memref<128xi32, #tpu.memory_space<vmem>>
        %dma_start3A_242 = arith.constant 0 : i32
        %dma_start3A_243 = arith.constant 0 : i32
        %dma_start3A_244 = tpu.memref_slice %arg2[%dma_start3A_242, %dma_start3A_243] : memref<10000x128xf32, #tpu.memory_space<hbm>> -> memref<10000x128xf32, #tpu.memory_space<hbm>>
        tpu.enqueue_indirect_dma source(%dma_start3A_244 : memref<10000x128xf32, #tpu.memory_space<hbm>>) target(%dma_start3A_238 : memref<128x128xf32, #tpu.memory_space<vmem>>) offsets(%dma_start3A_241 : memref<128xi32, #tpu.memory_space<vmem>>) semaphore(%arg12 : memref<!tpu.dma_semaphore, #tpu.memory_space<semaphore_mem>>)
      } else {
      }
      %dma_wait3A_183 = arith.constant 0 : i32
      %dma_wait3A_184 = arith.constant 0 : i32
      %dma_wait3A_185 = arith.constant 0 : i32
      %dma_wait3A_186 = tpu.memref_slice %arg9[%dma_wait3A_183, %dma_wait3A_184, %dma_wait3A_185] : memref<2x128x128xf32, #tpu.memory_space<vmem>> -> memref<1x128x128xf32, #tpu.memory_space<vmem>>
      %dma_wait3A_187 = tpu.memref_squeeze %dma_wait3A_186 : memref<1x128x128xf32, #tpu.memory_space<vmem>> -> memref<128x128xf32, #tpu.memory_space<vmem>>
      %dma_wait3A_188 = arith.constant 0 : i32
      %dma_wait3A_189 = arith.constant 0 : i32
      %dma_wait3A_190 = tpu.memref_slice %arg2[%dma_wait3A_188, %dma_wait3A_189] : memref<10000x128xf32, #tpu.memory_space<hbm>> -> memref<128x128xf32, #tpu.memory_space<hbm>>
      %dma_wait3A_191 = arith.constant 0 : i32
      %dma_wait3A_192 = arith.constant 0 : i32
      %dma_wait3A_193 = tpu.memref_slice %arg9[%dma_wait3A_183, %dma_wait3A_191, %dma_wait3A_192] : memref<2x128x128xf32, #tpu.memory_space<vmem>> -> memref<1x128x128xf32, #tpu.memory_space<vmem>>
      %dma_wait3A_194 = tpu.memref_squeeze %dma_wait3A_193 : memref<1x128x128xf32, #tpu.memory_space<vmem>> -> memref<128x128xf32, #tpu.memory_space<vmem>>
      %dma_wait3A_195 = arith.constant 0 : i32
      %dma_wait3A_196 = arith.constant 0 : i32
      %dma_wait3A_197 = tpu.memref_slice %arg2[%dma_wait3A_195, %dma_wait3A_196] : memref<10000x128xf32, #tpu.memory_space<hbm>> -> memref<128x128xf32, #tpu.memory_space<hbm>>
      tpu.wait_dma2 semaphore(%arg11 : memref<!tpu.dma_semaphore, #tpu.memory_space<semaphore_mem>>) src(%dma_wait3A_197 : memref<128x128xf32, #tpu.memory_space<hbm>>) dst(%dma_wait3A_194 : memref<128x128xf32, #tpu.memory_space<vmem>>)
      %run_scoped3A_198 = arith.constant 0 : i32
      %run_scoped3A_199 = arith.constant 1 : i32
      "tpu.region"() ({
        %run_scoped3A_229 = tpu.sem_alloc : memref<!tpu.dma_semaphore, #tpu.memory_space<semaphore_mem>>
        %dma_start3A_230 = arith.constant 0 : i32
        %dma_start3A_231 = arith.constant 0 : i32
        %dma_start3A_232 = tpu.memref_slice %arg9[%run_scoped3A_198, %dma_start3A_230, %dma_start3A_231] : memref<2x128x128xf32, #tpu.memory_space<vmem>> -> memref<1x128x128xf32, #tpu.memory_space<vmem>>
        %dma_start3A_233 = tpu.memref_squeeze %dma_start3A_232 : memref<1x128x128xf32, #tpu.memory_space<vmem>> -> memref<128x128xf32, #tpu.memory_space<vmem>>
        %dma_start3A_234 = arith.constant 0 : i32
        %dma_start3A_235 = tpu.memref_slice %arg8[%add3A_173, %run_scoped3A_199, %dma_start3A_234] : memref<40x2x128xi32, #tpu.memory_space<vmem>> -> memref<1x1x128xi32, #tpu.memory_space<vmem>>
        %dma_start3A_236 = tpu.memref_squeeze %dma_start3A_235 : memref<1x1x128xi32, #tpu.memory_space<vmem>> -> memref<128xi32, #tpu.memory_space<vmem>>
        %dma_start3A_237 = arith.constant 0 : i32
        %dma_start3A_238 = arith.constant 0 : i32
        %dma_start3A_239 = tpu.memref_slice %arg7[%dma_start3A_237, %dma_start3A_238] : memref<10112x128xf32, #tpu.memory_space<vmem_shared>> -> memref<10112x128xf32, #tpu.memory_space<vmem_shared>>
        tpu.enqueue_indirect_dma source(%dma_start3A_233 : memref<128x128xf32, #tpu.memory_space<vmem>>) target(%dma_start3A_239 : memref<10112x128xf32, #tpu.memory_space<vmem_shared>>) offsets(%dma_start3A_236 : memref<128xi32, #tpu.memory_space<vmem>>) semaphore(%run_scoped3A_229 : memref<!tpu.dma_semaphore, #tpu.memory_space<semaphore_mem>>) {add = true}
        %dma_wait3A_240 = arith.constant 0 : i32
        %dma_wait3A_241 = arith.constant 0 : i32
        %dma_wait3A_242 = tpu.memref_slice %arg9[%run_scoped3A_198, %dma_wait3A_240, %dma_wait3A_241] : memref<2x128x128xf32, #tpu.memory_space<vmem>> -> memref<1x128x128xf32, #tpu.memory_space<vmem>>
        %dma_wait3A_243 = tpu.memref_squeeze %dma_wait3A_242 : memref<1x128x128xf32, #tpu.memory_space<vmem>> -> memref<128x128xf32, #tpu.memory_space<vmem>>
        %dma_wait3A_244 = arith.constant 0 : i32
        %dma_wait3A_245 = tpu.memref_slice %arg8[%add3A_173, %run_scoped3A_199, %dma_wait3A_244] : memref<40x2x128xi32, #tpu.memory_space<vmem>> -> memref<1x1x128xi32, #tpu.memory_space<vmem>>
        %dma_wait3A_246 = tpu.memref_squeeze %dma_wait3A_245 : memref<1x1x128xi32, #tpu.memory_space<vmem>> -> memref<128xi32, #tpu.memory_space<vmem>>
        %dma_wait3A_247 = arith.constant 0 : i32
        %dma_wait3A_248 = arith.constant 0 : i32
        %dma_wait3A_249 = tpu.memref_slice %arg7[%dma_wait3A_247, %dma_wait3A_248] : memref<10112x128xf32, #tpu.memory_space<vmem_shared>> -> memref<10112x128xf32, #tpu.memory_space<vmem_shared>>
        tpu.wait_indirect_dma semaphore(%run_scoped3A_229 : memref<!tpu.dma_semaphore, #tpu.memory_space<semaphore_mem>>) src(%dma_wait3A_243 : memref<128x128xf32, #tpu.memory_space<vmem>>) dst(%dma_wait3A_249 : memref<10112x128xf32, #tpu.memory_space<vmem_shared>>)
        tpu.yield
      }) : () -> ()
      %add3A_200 = arith.constant 3 : i32
      %add3A_201 = arith.addi %mul3A_120, %add3A_200 : i32
      %add3A_202 = arith.constant 2 : i32
      %add3A_203 = arith.addi %add3A_201, %add3A_202 : i32
      %sub3A_204 = arith.constant 1 : i32
      %sub3A_205 = arith.subi %add3A_203, %sub3A_204 : i32
      %lt3A_206 = arith.constant 40 : i32
      %lt3A_207 = arith.cmpi slt, %sub3A_205, %lt3A_206 : i32
      %convert_element_type3A_208 = arith.extui %lt3A_207 : i1 to i32
      %cond3A_209 = arith.constant 0 : i32
      %cond3A_210 = arith.cmpi ne, %convert_element_type3A_208, %cond3A_209 : i32
      scf.if %cond3A_210 {
        %add3A_229 = arith.constant 2 : i32
        %add3A_230 = arith.addi %add3A_201, %add3A_229 : i32
        %sub3A_231 = arith.constant 1 : i32
        %sub3A_232 = arith.subi %add3A_230, %sub3A_231 : i32
        %dma_start3A_233 = arith.constant 0 : i32
        %dma_start3A_234 = arith.constant 0 : i32
        %dma_start3A_235 = arith.constant 0 : i32
        %dma_start3A_236 = arith.constant 0 : i32
        %dma_start3A_237 = tpu.memref_slice %arg9[%dma_start3A_234, %dma_start3A_235, %dma_start3A_236] : memref<2x128x128xf32, #tpu.memory_space<vmem>> -> memref<1x128x128xf32, #tpu.memory_space<vmem>>
        %dma_start3A_238 = tpu.memref_squeeze %dma_start3A_237 : memref<1x128x128xf32, #tpu.memory_space<vmem>> -> memref<128x128xf32, #tpu.memory_space<vmem>>
        %dma_start3A_239 = arith.constant 0 : i32
        %dma_start3A_240 = tpu.memref_slice %arg8[%sub3A_232, %dma_start3A_233, %dma_start3A_239] : memref<40x2x128xi32, #tpu.memory_space<vmem>> -> memref<1x1x128xi32, #tpu.memory_space<vmem>>
        %dma_start3A_241 = tpu.memref_squeeze %dma_start3A_240 : memref<1x1x128xi32, #tpu.memory_space<vmem>> -> memref<128xi32, #tpu.memory_space<vmem>>
        %dma_start3A_242 = arith.constant 0 : i32
        %dma_start3A_243 = arith.constant 0 : i32
        %dma_start3A_244 = tpu.memref_slice %arg2[%dma_start3A_242, %dma_start3A_243] : memref<10000x128xf32, #tpu.memory_space<hbm>> -> memref<10000x128xf32, #tpu.memory_space<hbm>>
        tpu.enqueue_indirect_dma source(%dma_start3A_244 : memref<10000x128xf32, #tpu.memory_space<hbm>>) target(%dma_start3A_238 : memref<128x128xf32, #tpu.memory_space<vmem>>) offsets(%dma_start3A_241 : memref<128xi32, #tpu.memory_space<vmem>>) semaphore(%arg11 : memref<!tpu.dma_semaphore, #tpu.memory_space<semaphore_mem>>)
      } else {
      }
      %dma_wait3A_211 = arith.constant 1 : i32
      %dma_wait3A_212 = arith.constant 0 : i32
      %dma_wait3A_213 = arith.constant 0 : i32
      %dma_wait3A_214 = tpu.memref_slice %arg9[%dma_wait3A_211, %dma_wait3A_212, %dma_wait3A_213] : memref<2x128x128xf32, #tpu.memory_space<vmem>> -> memref<1x128x128xf32, #tpu.memory_space<vmem>>
      %dma_wait3A_215 = tpu.memref_squeeze %dma_wait3A_214 : memref<1x128x128xf32, #tpu.memory_space<vmem>> -> memref<128x128xf32, #tpu.memory_space<vmem>>
      %dma_wait3A_216 = arith.constant 0 : i32
      %dma_wait3A_217 = arith.constant 0 : i32
      %dma_wait3A_218 = tpu.memref_slice %arg2[%dma_wait3A_216, %dma_wait3A_217] : memref<10000x128xf32, #tpu.memory_space<hbm>> -> memref<128x128xf32, #tpu.memory_space<hbm>>
      %dma_wait3A_219 = arith.constant 0 : i32
      %dma_wait3A_220 = arith.constant 0 : i32
      %dma_wait3A_221 = tpu.memref_slice %arg9[%dma_wait3A_211, %dma_wait3A_219, %dma_wait3A_220] : memref<2x128x128xf32, #tpu.memory_space<vmem>> -> memref<1x128x128xf32, #tpu.memory_space<vmem>>
      %dma_wait3A_222 = tpu.memref_squeeze %dma_wait3A_221 : memref<1x128x128xf32, #tpu.memory_space<vmem>> -> memref<128x128xf32, #tpu.memory_space<vmem>>
      %dma_wait3A_223 = arith.constant 0 : i32
      %dma_wait3A_224 = arith.constant 0 : i32
      %dma_wait3A_225 = tpu.memref_slice %arg2[%dma_wait3A_223, %dma_wait3A_224] : memref<10000x128xf32, #tpu.memory_space<hbm>> -> memref<128x128xf32, #tpu.memory_space<hbm>>
      tpu.wait_dma2 semaphore(%arg12 : memref<!tpu.dma_semaphore, #tpu.memory_space<semaphore_mem>>) src(%dma_wait3A_225 : memref<128x128xf32, #tpu.memory_space<hbm>>) dst(%dma_wait3A_222 : memref<128x128xf32, #tpu.memory_space<vmem>>)
      %run_scoped3A_226 = arith.constant 1 : i32
      %run_scoped3A_227 = arith.constant 1 : i32
      "tpu.region"() ({
        %run_scoped3A_229 = tpu.sem_alloc : memref<!tpu.dma_semaphore, #tpu.memory_space<semaphore_mem>>
        %dma_start3A_230 = arith.constant 0 : i32
        %dma_start3A_231 = arith.constant 0 : i32
        %dma_start3A_232 = tpu.memref_slice %arg9[%run_scoped3A_226, %dma_start3A_230, %dma_start3A_231] : memref<2x128x128xf32, #tpu.memory_space<vmem>> -> memref<1x128x128xf32, #tpu.memory_space<vmem>>
        %dma_start3A_233 = tpu.memref_squeeze %dma_start3A_232 : memref<1x128x128xf32, #tpu.memory_space<vmem>> -> memref<128x128xf32, #tpu.memory_space<vmem>>
        %dma_start3A_234 = arith.constant 0 : i32
        %dma_start3A_235 = tpu.memref_slice %arg8[%add3A_201, %run_scoped3A_227, %dma_start3A_234] : memref<40x2x128xi32, #tpu.memory_space<vmem>> -> memref<1x1x128xi32, #tpu.memory_space<vmem>>
        %dma_start3A_236 = tpu.memref_squeeze %dma_start3A_235 : memref<1x1x128xi32, #tpu.memory_space<vmem>> -> memref<128xi32, #tpu.memory_space<vmem>>
        %dma_start3A_237 = arith.constant 0 : i32
        %dma_start3A_238 = arith.constant 0 : i32
        %dma_start3A_239 = tpu.memref_slice %arg7[%dma_start3A_237, %dma_start3A_238] : memref<10112x128xf32, #tpu.memory_space<vmem_shared>> -> memref<10112x128xf32, #tpu.memory_space<vmem_shared>>
        tpu.enqueue_indirect_dma source(%dma_start3A_233 : memref<128x128xf32, #tpu.memory_space<vmem>>) target(%dma_start3A_239 : memref<10112x128xf32, #tpu.memory_space<vmem_shared>>) offsets(%dma_start3A_236 : memref<128xi32, #tpu.memory_space<vmem>>) semaphore(%run_scoped3A_229 : memref<!tpu.dma_semaphore, #tpu.memory_space<semaphore_mem>>) {add = true}
        %dma_wait3A_240 = arith.constant 0 : i32
        %dma_wait3A_241 = arith.constant 0 : i32
        %dma_wait3A_242 = tpu.memref_slice %arg9[%run_scoped3A_226, %dma_wait3A_240, %dma_wait3A_241] : memref<2x128x128xf32, #tpu.memory_space<vmem>> -> memref<1x128x128xf32, #tpu.memory_space<vmem>>
        %dma_wait3A_243 = tpu.memref_squeeze %dma_wait3A_242 : memref<1x128x128xf32, #tpu.memory_space<vmem>> -> memref<128x128xf32, #tpu.memory_space<vmem>>
        %dma_wait3A_244 = arith.constant 0 : i32
        %dma_wait3A_245 = tpu.memref_slice %arg8[%add3A_201, %run_scoped3A_227, %dma_wait3A_244] : memref<40x2x128xi32, #tpu.memory_space<vmem>> -> memref<1x1x128xi32, #tpu.memory_space<vmem>>
        %dma_wait3A_246 = tpu.memref_squeeze %dma_wait3A_245 : memref<1x1x128xi32, #tpu.memory_space<vmem>> -> memref<128xi32, #tpu.memory_space<vmem>>
        %dma_wait3A_247 = arith.constant 0 : i32
        %dma_wait3A_248 = arith.constant 0 : i32
        %dma_wait3A_249 = tpu.memref_slice %arg7[%dma_wait3A_247, %dma_wait3A_248] : memref<10112x128xf32, #tpu.memory_space<vmem_shared>> -> memref<10112x128xf32, #tpu.memory_space<vmem_shared>>
        tpu.wait_indirect_dma semaphore(%run_scoped3A_229 : memref<!tpu.dma_semaphore, #tpu.memory_space<semaphore_mem>>) src(%dma_wait3A_243 : memref<128x128xf32, #tpu.memory_space<vmem>>) dst(%dma_wait3A_249 : memref<10112x128xf32, #tpu.memory_space<vmem_shared>>)
        tpu.yield
      }) : () -> ()
      %scan3A_228 = arith.constant 0 : i32
      scf.yield %scan3A_228 : i32
    }
    %scan3A_115 = arith.constant 10 : i32
    %barrier3A_116 = arith.constant 0 : index
    tpu.barrier barrier_id(%barrier3A_116)
    "tpu.region"() ({
      %run_scoped3A = tpu.sem_alloc : memref<!tpu.dma_semaphore, #tpu.memory_space<semaphore_mem>>
      %dma_start3A_117 = arith.constant 0 : i32
      %dma_start3A_118 = tpu.memref_slice %arg4[%arg0, %mul3A_0, %dma_start3A_117] : memref<2x10112x128xf32, #tpu.memory_space<hbm>> -> memref<1x632x128xf32, #tpu.memory_space<hbm>>
      %dma_start3A_119 = tpu.memref_squeeze %dma_start3A_118 : memref<1x632x128xf32, #tpu.memory_space<hbm>> -> memref<632x128xf32, #tpu.memory_space<hbm>>
      %dma_start3A_120 = arith.constant 0 : i32
      %dma_start3A_121 = tpu.memref_slice %arg7[%mul3A_0, %dma_start3A_120] : memref<10112x128xf32, #tpu.memory_space<vmem_shared>> -> memref<632x128xf32, #tpu.memory_space<vmem_shared>>
      tpu.enqueue_dma source(%dma_start3A_121 : memref<632x128xf32, #tpu.memory_space<vmem_shared>>) target(%dma_start3A_119 : memref<632x128xf32, #tpu.memory_space<hbm>>) target_semaphore(%run_scoped3A : memref<!tpu.dma_semaphore, #tpu.memory_space<semaphore_mem>>)
      %dma_wait3A_122 = arith.constant 0 : i32
      %dma_wait3A_123 = tpu.memref_slice %arg4[%arg0, %mul3A_0, %dma_wait3A_122] : memref<2x10112x128xf32, #tpu.memory_space<hbm>> -> memref<1x632x128xf32, #tpu.memory_space<hbm>>
      %dma_wait3A_124 = tpu.memref_squeeze %dma_wait3A_123 : memref<1x632x128xf32, #tpu.memory_space<hbm>> -> memref<632x128xf32, #tpu.memory_space<hbm>>
      %dma_wait3A_125 = arith.constant 0 : i32
      %dma_wait3A_126 = tpu.memref_slice %arg7[%mul3A_0, %dma_wait3A_125] : memref<10112x128xf32, #tpu.memory_space<vmem_shared>> -> memref<632x128xf32, #tpu.memory_space<vmem_shared>>
      tpu.wait_dma2 semaphore(%run_scoped3A : memref<!tpu.dma_semaphore, #tpu.memory_space<semaphore_mem>>) src(%dma_wait3A_126 : memref<632x128xf32, #tpu.memory_space<vmem_shared>>) dst(%dma_wait3A_124 : memref<632x128xf32, #tpu.memory_space<hbm>>)
      tpu.yield
    }) : () -> ()
    return
  }
}

#map = affine_map<(d0, d1) -> (0, 0)>
#map1 = affine_map<(d0, d1) -> (0, 0, 0)>
module attributes {stable_mosaic.version = 14 : i64} {
  func.func @body(%arg0: i32, %arg1: i32, %arg2: memref<10000x128xf32, #tpu.memory_space<hbm>>, %arg3: memref<2560x2x128xi32, #tpu.memory_space<hbm>>, %arg4: memref<2x10112x128xf32, #tpu.memory_space<hbm>>, %arg5: memref<8x128xf32, #tpu.memory_space<vmem>>, %arg6: memref<10112x128xf32, #tpu.memory_space<vmem_shared>>, %arg7: memref<40x2x128xi32, #tpu.memory_space<vmem>>, %arg8: memref<2x128x128xf32, #tpu.memory_space<vmem>>, %arg9: memref<!tpu.dma_semaphore, #tpu.memory_space<semaphore_mem>>, %arg10: memref<!tpu.dma_semaphore, #tpu.memory_space<semaphore_mem>>, %arg11: memref<!tpu.dma_semaphore, #tpu.memory_space<semaphore_mem>>, %arg12: memref<!tpu.dma_semaphore, #tpu.memory_space<semaphore_mem>>, %arg13: memref<!tpu.dma_semaphore, #tpu.memory_space<semaphore_mem>>) attributes {dimension_semantics = [#tpu.dimension_semantics<core_parallel>, #tpu.dimension_semantics<subcore_parallel>], iteration_bounds = array<i64: 2, 16>, scalar_prefetch = 0 : i64, scratch_operands = 9 : i64, tpu.core_type = #tpu.core_type<sc_vector_subcore>, window_params = [{transform_indices = #map}, {transform_indices = #map1}, {transform_indices = #map1}]} {
    %mul3A = arith.constant 632 : i32
    %mul3A_0 = arith.muli %arg1, %mul3A : i32
    %mul3A_1 = arith.constant 16 : i32
    %mul3A_2 = arith.muli %arg0, %mul3A_1 : i32
    %add3A = arith.addi %mul3A_2, %arg1 : i32
    %mul3A_3 = arith.constant 80 : i32
    %mul3A_4 = arith.muli %add3A, %mul3A_3 : i32
    %dma_start3A = arith.constant 0 : i32
    %dma_start3A_5 = arith.constant 0 : i32
    %dma_start3A_6 = tpu.memref_slice %arg3[%mul3A_4, %dma_start3A, %dma_start3A_5] : memref<2560x2x128xi32, #tpu.memory_space<hbm>> -> memref<40x2x128xi32, #tpu.memory_space<hbm>>
    %dma_start3A_7 = arith.constant 0 : i32
    %dma_start3A_8 = arith.constant 0 : i32
    %dma_start3A_9 = tpu.memref_slice %arg3[%mul3A_4, %dma_start3A_7, %dma_start3A_8] : memref<2560x2x128xi32, #tpu.memory_space<hbm>> -> memref<40x2x128xi32, #tpu.memory_space<hbm>>
    tpu.enqueue_dma source(%dma_start3A_9 : memref<40x2x128xi32, #tpu.memory_space<hbm>>) target(%arg7 : memref<40x2x128xi32, #tpu.memory_space<vmem>>) target_semaphore(%arg9 : memref<!tpu.dma_semaphore, #tpu.memory_space<semaphore_mem>>)
    %broadcast_in_dim3A = arith.constant 0.000000e+00 : f32
    %broadcast_in_dim3A_10 = vector.broadcast %broadcast_in_dim3A : f32 to vector<16xf32>
    %scan3A = arith.constant 0 : i32
    %scan3A_11 = arith.constant 0 : i32
    %scan3A_12 = arith.constant 8 : i32
    %scan3A_13 = arith.addi %scan3A_11, %scan3A_12 : i32
    %scan3A_14 = arith.constant 1 : i32
    %scan3A_15 = scf.for %scan3A_76 = %scan3A_11 to %scan3A_13 step %scan3A_14 iter_args(%scan3A_77 = %scan3A) -> (i32)  : i32 {
      %swap3A = arith.index_cast %scan3A_76 : i32 to index
      %swap3A_78 = arith.constant 0 : index
      %swap3A_79 = tpu.vector_load %arg5[%swap3A, %swap3A_78] {strides = array<i32>} : memref<8x128xf32, #tpu.memory_space<vmem>>, vector<1x16xf32>,
      %swap3A_80 = vector.shape_cast %swap3A_79 : vector<1x16xf32> to vector<16xf32>
      %swap3A_81 = vector.shape_cast %broadcast_in_dim3A_10 : vector<16xf32> to vector<1x16xf32>
      tpu.vector_store %arg5[%swap3A, %swap3A_78], %swap3A_81 {strides = array<i32>} : memref<8x128xf32, #tpu.memory_space<vmem>>, vector<1x16xf32>,
      %swap3A_82 = arith.index_cast %scan3A_76 : i32 to index
      %swap3A_83 = arith.constant 16 : index
      %swap3A_84 = tpu.vector_load %arg5[%swap3A_82, %swap3A_83] {strides = array<i32>} : memref<8x128xf32, #tpu.memory_space<vmem>>, vector<1x16xf32>,
      %swap3A_85 = vector.shape_cast %swap3A_84 : vector<1x16xf32> to vector<16xf32>
      %swap3A_86 = vector.shape_cast %broadcast_in_dim3A_10 : vector<16xf32> to vector<1x16xf32>
      tpu.vector_store %arg5[%swap3A_82, %swap3A_83], %swap3A_86 {strides = array<i32>} : memref<8x128xf32, #tpu.memory_space<vmem>>, vector<1x16xf32>,
      %swap3A_87 = arith.index_cast %scan3A_76 : i32 to index
      %swap3A_88 = arith.constant 32 : index
      %swap3A_89 = tpu.vector_load %arg5[%swap3A_87, %swap3A_88] {strides = array<i32>} : memref<8x128xf32, #tpu.memory_space<vmem>>, vector<1x16xf32>,
      %swap3A_90 = vector.shape_cast %swap3A_89 : vector<1x16xf32> to vector<16xf32>
      %swap3A_91 = vector.shape_cast %broadcast_in_dim3A_10 : vector<16xf32> to vector<1x16xf32>
      tpu.vector_store %arg5[%swap3A_87, %swap3A_88], %swap3A_91 {strides = array<i32>} : memref<8x128xf32, #tpu.memory_space<vmem>>, vector<1x16xf32>,
      %swap3A_92 = arith.index_cast %scan3A_76 : i32 to index
      %swap3A_93 = arith.constant 48 : index
      %swap3A_94 = tpu.vector_load %arg5[%swap3A_92, %swap3A_93] {strides = array<i32>} : memref<8x128xf32, #tpu.memory_space<vmem>>, vector<1x16xf32>,
      %swap3A_95 = vector.shape_cast %swap3A_94 : vector<1x16xf32> to vector<16xf32>
      %swap3A_96 = vector.shape_cast %broadcast_in_dim3A_10 : vector<16xf32> to vector<1x16xf32>
      tpu.vector_store %arg5[%swap3A_92, %swap3A_93], %swap3A_96 {strides = array<i32>} : memref<8x128xf32, #tpu.memory_space<vmem>>, vector<1x16xf32>,
      %swap3A_97 = arith.index_cast %scan3A_76 : i32 to index
      %swap3A_98 = arith.constant 64 : index
      %swap3A_99 = tpu.vector_load %arg5[%swap3A_97, %swap3A_98] {strides = array<i32>} : memref<8x128xf32, #tpu.memory_space<vmem>>, vector<1x16xf32>,
      %swap3A_100 = vector.shape_cast %swap3A_99 : vector<1x16xf32> to vector<16xf32>
      %swap3A_101 = vector.shape_cast %broadcast_in_dim3A_10 : vector<16xf32> to vector<1x16xf32>
      tpu.vector_store %arg5[%swap3A_97, %swap3A_98], %swap3A_101 {strides = array<i32>} : memref<8x128xf32, #tpu.memory_space<vmem>>, vector<1x16xf32>,
      %swap3A_102 = arith.index_cast %scan3A_76 : i32 to index
      %swap3A_103 = arith.constant 80 : index
      %swap3A_104 = tpu.vector_load %arg5[%swap3A_102, %swap3A_103] {strides = array<i32>} : memref<8x128xf32, #tpu.memory_space<vmem>>, vector<1x16xf32>,
      %swap3A_105 = vector.shape_cast %swap3A_104 : vector<1x16xf32> to vector<16xf32>
      %swap3A_106 = vector.shape_cast %broadcast_in_dim3A_10 : vector<16xf32> to vector<1x16xf32>
      tpu.vector_store %arg5[%swap3A_102, %swap3A_103], %swap3A_106 {strides = array<i32>} : memref<8x128xf32, #tpu.memory_space<vmem>>, vector<1x16xf32>,
      %swap3A_107 = arith.index_cast %scan3A_76 : i32 to index
      %swap3A_108 = arith.constant 96 : index
      %swap3A_109 = tpu.vector_load %arg5[%swap3A_107, %swap3A_108] {strides = array<i32>} : memref<8x128xf32, #tpu.memory_space<vmem>>, vector<1x16xf32>,
      %swap3A_110 = vector.shape_cast %swap3A_109 : vector<1x16xf32> to vector<16xf32>
      %swap3A_111 = vector.shape_cast %broadcast_in_dim3A_10 : vector<16xf32> to vector<1x16xf32>
      tpu.vector_store %arg5[%swap3A_107, %swap3A_108], %swap3A_111 {strides = array<i32>} : memref<8x128xf32, #tpu.memory_space<vmem>>, vector<1x16xf32>,
      %swap3A_112 = arith.index_cast %scan3A_76 : i32 to index
      %swap3A_113 = arith.constant 112 : index
      %swap3A_114 = tpu.vector_load %arg5[%swap3A_112, %swap3A_113] {strides = array<i32>} : memref<8x128xf32, #tpu.memory_space<vmem>>, vector<1x16xf32>,
      %swap3A_115 = vector.shape_cast %swap3A_114 : vector<1x16xf32> to vector<16xf32>
      %swap3A_116 = vector.shape_cast %broadcast_in_dim3A_10 : vector<16xf32> to vector<1x16xf32>
      tpu.vector_store %arg5[%swap3A_112, %swap3A_113], %swap3A_116 {strides = array<i32>} : memref<8x128xf32, #tpu.memory_space<vmem>>, vector<1x16xf32>,
      %scan3A_117 = arith.constant 0 : i32
      scf.yield %scan3A_117 : i32
    }
    %scan3A_16 = arith.constant 8 : i32
    %scan3A_17 = arith.constant 0 : i32
    %scan3A_18 = arith.constant 0 : i32
    %scan3A_19 = arith.constant 79 : i32
    %scan3A_20 = arith.addi %scan3A_18, %scan3A_19 : i32
    %scan3A_21 = arith.constant 1 : i32
    %scan3A_22 = scf.for %scan3A_76 = %scan3A_18 to %scan3A_20 step %scan3A_21 iter_args(%scan3A_77 = %scan3A_17) -> (i32)  : i32 {
      %mul3A_78 = arith.constant 8 : i32
      %mul3A_79 = arith.muli %scan3A_76, %mul3A_78 : i32
      %add3A_80 = arith.addi %mul3A_0, %mul3A_79 : i32
      "tpu.region"() ({
        %run_scoped3A = tpu.sem_alloc : memref<!tpu.dma_semaphore, #tpu.memory_space<semaphore_mem>>
        %dma_start3A_82 = arith.constant 0 : i32
        %dma_start3A_83 = tpu.memref_slice %arg6[%add3A_80, %dma_start3A_82] : memref<10112x128xf32, #tpu.memory_space<vmem_shared>> -> memref<8x128xf32, #tpu.memory_space<vmem_shared>>
        %dma_start3A_84 = arith.constant 0 : i32
        %dma_start3A_85 = tpu.memref_slice %arg6[%add3A_80, %dma_start3A_84] : memref<10112x128xf32, #tpu.memory_space<vmem_shared>> -> memref<8x128xf32, #tpu.memory_space<vmem_shared>>
        tpu.enqueue_dma source(%arg5 : memref<8x128xf32, #tpu.memory_space<vmem>>) target(%dma_start3A_85 : memref<8x128xf32, #tpu.memory_space<vmem_shared>>) target_semaphore(%run_scoped3A : memref<!tpu.dma_semaphore, #tpu.memory_space<semaphore_mem>>)
        %dma_wait3A_86 = arith.constant 0 : i32
        %dma_wait3A_87 = tpu.memref_slice %arg6[%add3A_80, %dma_wait3A_86] : memref<10112x128xf32, #tpu.memory_space<vmem_shared>> -> memref<8x128xf32, #tpu.memory_space<vmem_shared>>
        %dma_wait3A_88 = arith.constant 0 : i32
        %dma_wait3A_89 = tpu.memref_slice %arg6[%add3A_80, %dma_wait3A_88] : memref<10112x128xf32, #tpu.memory_space<vmem_shared>> -> memref<8x128xf32, #tpu.memory_space<vmem_shared>>
        tpu.wait_dma2 semaphore(%run_scoped3A : memref<!tpu.dma_semaphore, #tpu.memory_space<semaphore_mem>>) src(%arg5 : memref<8x128xf32, #tpu.memory_space<vmem>>) dst(%dma_wait3A_89 : memref<8x128xf32, #tpu.memory_space<vmem_shared>>)
        tpu.yield
      }) : () -> ()
      %scan3A_81 = arith.constant 0 : i32
      scf.yield %scan3A_81 : i32
    }
    %scan3A_23 = arith.constant 79 : i32
    %dma_wait3A = arith.constant 0 : i32
    %dma_wait3A_24 = arith.constant 0 : i32
    %dma_wait3A_25 = arith.constant 0 : i32
    %dma_wait3A_26 = tpu.memref_slice %arg3[%dma_wait3A, %dma_wait3A_24, %dma_wait3A_25] : memref<2560x2x128xi32, #tpu.memory_space<hbm>> -> memref<40x2x128xi32, #tpu.memory_space<hbm>>
    %dma_wait3A_27 = arith.constant 0 : i32
    %dma_wait3A_28 = arith.constant 0 : i32
    %dma_wait3A_29 = arith.constant 0 : i32
    %dma_wait3A_30 = tpu.memref_slice %arg3[%dma_wait3A_27, %dma_wait3A_28, %dma_wait3A_29] : memref<2560x2x128xi32, #tpu.memory_space<hbm>> -> memref<40x2x128xi32, #tpu.memory_space<hbm>>
    tpu.wait_dma2 semaphore(%arg9 : memref<!tpu.dma_semaphore, #tpu.memory_space<semaphore_mem>>) src(%dma_wait3A_30 : memref<40x2x128xi32, #tpu.memory_space<hbm>>) dst(%arg7 : memref<40x2x128xi32, #tpu.memory_space<vmem>>)
    %barrier3A = arith.constant 0 : index
    tpu.barrier barrier_id(%barrier3A)
    %dma_start3A_31 = arith.constant 0 : i32
    %dma_start3A_32 = arith.constant 0 : i32
    %dma_start3A_33 = arith.constant 0 : i32
    %dma_start3A_34 = arith.constant 0 : i32
    %dma_start3A_35 = arith.constant 0 : i32
    %dma_start3A_36 = tpu.memref_slice %arg8[%dma_start3A_33, %dma_start3A_34, %dma_start3A_35] : memref<2x128x128xf32, #tpu.memory_space<vmem>> -> memref<1x128x128xf32, #tpu.memory_space<vmem>>
    %dma_start3A_37 = tpu.memref_squeeze %dma_start3A_36 : memref<1x128x128xf32, #tpu.memory_space<vmem>> -> memref<128x128xf32, #tpu.memory_space<vmem>>
    %dma_start3A_38 = arith.constant 0 : i32
    %dma_start3A_39 = tpu.memref_slice %arg7[%dma_start3A_31, %dma_start3A_32, %dma_start3A_38] : memref<40x2x128xi32, #tpu.memory_space<vmem>> -> memref<1x1x128xi32, #tpu.memory_space<vmem>>
    %dma_start3A_40 = tpu.memref_squeeze %dma_start3A_39 : memref<1x1x128xi32, #tpu.memory_space<vmem>> -> memref<128xi32, #tpu.memory_space<vmem>>
    %dma_start3A_41 = arith.constant 0 : i32
    %dma_start3A_42 = arith.constant 0 : i32
    %dma_start3A_43 = tpu.memref_slice %arg2[%dma_start3A_41, %dma_start3A_42] : memref<10000x128xf32, #tpu.memory_space<hbm>> -> memref<10000x128xf32, #tpu.memory_space<hbm>>
    tpu.enqueue_indirect_dma source(%dma_start3A_43 : memref<10000x128xf32, #tpu.memory_space<hbm>>) target(%dma_start3A_37 : memref<128x128xf32, #tpu.memory_space<vmem>>) offsets(%dma_start3A_40 : memref<128xi32, #tpu.memory_space<vmem>>) semaphore(%arg10 : memref<!tpu.dma_semaphore, #tpu.memory_space<semaphore_mem>>)
    %scan3A_44 = arith.constant 0 : i32
    %scan3A_45 = arith.constant 0 : i32
    %scan3A_46 = arith.constant 10 : i32
    %scan3A_47 = arith.addi %scan3A_45, %scan3A_46 : i32
    %scan3A_48 = arith.constant 1 : i32
    %scan3A_49 = scf.for %scan3A_76 = %scan3A_45 to %scan3A_47 step %scan3A_48 iter_args(%scan3A_77 = %scan3A_44) -> (i32)  : i32 {
      %mul3A_78 = arith.constant 4 : i32
      %mul3A_79 = arith.muli %scan3A_76, %mul3A_78 : i32
      %add3A_80 = arith.constant 0 : i32
      %add3A_81 = arith.addi %mul3A_79, %add3A_80 : i32
      %add3A_82 = arith.constant 2 : i32
      %add3A_83 = arith.addi %add3A_81, %add3A_82 : i32
      %sub3A = arith.constant 1 : i32
      %sub3A_84 = arith.subi %add3A_83, %sub3A : i32
      %lt3A = arith.constant 40 : i32
      %lt3A_85 = arith.cmpi slt, %sub3A_84, %lt3A : i32
      %convert_element_type3A = arith.extui %lt3A_85 : i1 to i32
      %cond3A = arith.constant 0 : i32
      %cond3A_86 = arith.cmpi ne, %convert_element_type3A, %cond3A : i32
      scf.if %cond3A_86 {
        %add3A_188 = arith.constant 2 : i32
        %add3A_189 = arith.addi %add3A_81, %add3A_188 : i32
        %sub3A_190 = arith.constant 1 : i32
        %sub3A_191 = arith.subi %add3A_189, %sub3A_190 : i32
        %dma_start3A_192 = arith.constant 0 : i32
        %dma_start3A_193 = arith.constant 1 : i32
        %dma_start3A_194 = arith.constant 0 : i32
        %dma_start3A_195 = arith.constant 0 : i32
        %dma_start3A_196 = tpu.memref_slice %arg8[%dma_start3A_193, %dma_start3A_194, %dma_start3A_195] : memref<2x128x128xf32, #tpu.memory_space<vmem>> -> memref<1x128x128xf32, #tpu.memory_space<vmem>>
        %dma_start3A_197 = tpu.memref_squeeze %dma_start3A_196 : memref<1x128x128xf32, #tpu.memory_space<vmem>> -> memref<128x128xf32, #tpu.memory_space<vmem>>
        %dma_start3A_198 = arith.constant 0 : i32
        %dma_start3A_199 = tpu.memref_slice %arg7[%sub3A_191, %dma_start3A_192, %dma_start3A_198] : memref<40x2x128xi32, #tpu.memory_space<vmem>> -> memref<1x1x128xi32, #tpu.memory_space<vmem>>
        %dma_start3A_200 = tpu.memref_squeeze %dma_start3A_199 : memref<1x1x128xi32, #tpu.memory_space<vmem>> -> memref<128xi32, #tpu.memory_space<vmem>>
        %dma_start3A_201 = arith.constant 0 : i32
        %dma_start3A_202 = arith.constant 0 : i32
        %dma_start3A_203 = tpu.memref_slice %arg2[%dma_start3A_201, %dma_start3A_202] : memref<10000x128xf32, #tpu.memory_space<hbm>> -> memref<10000x128xf32, #tpu.memory_space<hbm>>
        tpu.enqueue_indirect_dma source(%dma_start3A_203 : memref<10000x128xf32, #tpu.memory_space<hbm>>) target(%dma_start3A_197 : memref<128x128xf32, #tpu.memory_space<vmem>>) offsets(%dma_start3A_200 : memref<128xi32, #tpu.memory_space<vmem>>) semaphore(%arg11 : memref<!tpu.dma_semaphore, #tpu.memory_space<semaphore_mem>>)
      } else {
      }
      %dma_wait3A_87 = arith.constant 0 : i32
      %dma_wait3A_88 = arith.constant 0 : i32
      %dma_wait3A_89 = arith.constant 0 : i32
      %dma_wait3A_90 = tpu.memref_slice %arg8[%dma_wait3A_87, %dma_wait3A_88, %dma_wait3A_89] : memref<2x128x128xf32, #tpu.memory_space<vmem>> -> memref<1x128x128xf32, #tpu.memory_space<vmem>>
      %dma_wait3A_91 = tpu.memref_squeeze %dma_wait3A_90 : memref<1x128x128xf32, #tpu.memory_space<vmem>> -> memref<128x128xf32, #tpu.memory_space<vmem>>
      %dma_wait3A_92 = arith.constant 0 : i32
      %dma_wait3A_93 = arith.constant 0 : i32
      %dma_wait3A_94 = tpu.memref_slice %arg2[%dma_wait3A_92, %dma_wait3A_93] : memref<10000x128xf32, #tpu.memory_space<hbm>> -> memref<128x128xf32, #tpu.memory_space<hbm>>
      %dma_wait3A_95 = arith.constant 0 : i32
      %dma_wait3A_96 = arith.constant 0 : i32
      %dma_wait3A_97 = tpu.memref_slice %arg8[%dma_wait3A_87, %dma_wait3A_95, %dma_wait3A_96] : memref<2x128x128xf32, #tpu.memory_space<vmem>> -> memref<1x128x128xf32, #tpu.memory_space<vmem>>
      %dma_wait3A_98 = tpu.memref_squeeze %dma_wait3A_97 : memref<1x128x128xf32, #tpu.memory_space<vmem>> -> memref<128x128xf32, #tpu.memory_space<vmem>>
      %dma_wait3A_99 = arith.constant 0 : i32
      %dma_wait3A_100 = arith.constant 0 : i32
      %dma_wait3A_101 = tpu.memref_slice %arg2[%dma_wait3A_99, %dma_wait3A_100] : memref<10000x128xf32, #tpu.memory_space<hbm>> -> memref<128x128xf32, #tpu.memory_space<hbm>>
      tpu.wait_dma2 semaphore(%arg10 : memref<!tpu.dma_semaphore, #tpu.memory_space<semaphore_mem>>) src(%dma_wait3A_101 : memref<128x128xf32, #tpu.memory_space<hbm>>) dst(%dma_wait3A_98 : memref<128x128xf32, #tpu.memory_space<vmem>>)
      %run_scoped3A = arith.constant 0 : i32
      %run_scoped3A_102 = arith.constant 1 : i32
      "tpu.region"() ({
        %run_scoped3A_188 = tpu.sem_alloc : memref<!tpu.dma_semaphore, #tpu.memory_space<semaphore_mem>>
        %dma_start3A_189 = arith.constant 0 : i32
        %dma_start3A_190 = arith.constant 0 : i32
        %dma_start3A_191 = tpu.memref_slice %arg8[%run_scoped3A, %dma_start3A_189, %dma_start3A_190] : memref<2x128x128xf32, #tpu.memory_space<vmem>> -> memref<1x128x128xf32, #tpu.memory_space<vmem>>
        %dma_start3A_192 = tpu.memref_squeeze %dma_start3A_191 : memref<1x128x128xf32, #tpu.memory_space<vmem>> -> memref<128x128xf32, #tpu.memory_space<vmem>>
        %dma_start3A_193 = arith.constant 0 : i32
        %dma_start3A_194 = tpu.memref_slice %arg7[%add3A_81, %run_scoped3A_102, %dma_start3A_193] : memref<40x2x128xi32, #tpu.memory_space<vmem>> -> memref<1x1x128xi32, #tpu.memory_space<vmem>>
        %dma_start3A_195 = tpu.memref_squeeze %dma_start3A_194 : memref<1x1x128xi32, #tpu.memory_space<vmem>> -> memref<128xi32, #tpu.memory_space<vmem>>
        %dma_start3A_196 = arith.constant 0 : i32
        %dma_start3A_197 = arith.constant 0 : i32
        %dma_start3A_198 = tpu.memref_slice %arg6[%dma_start3A_196, %dma_start3A_197] : memref<10112x128xf32, #tpu.memory_space<vmem_shared>> -> memref<10112x128xf32, #tpu.memory_space<vmem_shared>>
        tpu.enqueue_indirect_dma source(%dma_start3A_192 : memref<128x128xf32, #tpu.memory_space<vmem>>) target(%dma_start3A_198 : memref<10112x128xf32, #tpu.memory_space<vmem_shared>>) offsets(%dma_start3A_195 : memref<128xi32, #tpu.memory_space<vmem>>) semaphore(%run_scoped3A_188 : memref<!tpu.dma_semaphore, #tpu.memory_space<semaphore_mem>>) {add = true}
        %dma_wait3A_199 = arith.constant 0 : i32
        %dma_wait3A_200 = arith.constant 0 : i32
        %dma_wait3A_201 = tpu.memref_slice %arg8[%run_scoped3A, %dma_wait3A_199, %dma_wait3A_200] : memref<2x128x128xf32, #tpu.memory_space<vmem>> -> memref<1x128x128xf32, #tpu.memory_space<vmem>>
        %dma_wait3A_202 = tpu.memref_squeeze %dma_wait3A_201 : memref<1x128x128xf32, #tpu.memory_space<vmem>> -> memref<128x128xf32, #tpu.memory_space<vmem>>
        %dma_wait3A_203 = arith.constant 0 : i32
        %dma_wait3A_204 = tpu.memref_slice %arg7[%add3A_81, %run_scoped3A_102, %dma_wait3A_203] : memref<40x2x128xi32, #tpu.memory_space<vmem>> -> memref<1x1x128xi32, #tpu.memory_space<vmem>>
        %dma_wait3A_205 = tpu.memref_squeeze %dma_wait3A_204 : memref<1x1x128xi32, #tpu.memory_space<vmem>> -> memref<128xi32, #tpu.memory_space<vmem>>
        %dma_wait3A_206 = arith.constant 0 : i32
        %dma_wait3A_207 = arith.constant 0 : i32
        %dma_wait3A_208 = tpu.memref_slice %arg6[%dma_wait3A_206, %dma_wait3A_207] : memref<10112x128xf32, #tpu.memory_space<vmem_shared>> -> memref<10112x128xf32, #tpu.memory_space<vmem_shared>>
        tpu.wait_indirect_dma semaphore(%run_scoped3A_188 : memref<!tpu.dma_semaphore, #tpu.memory_space<semaphore_mem>>) src(%dma_wait3A_202 : memref<128x128xf32, #tpu.memory_space<vmem>>) dst(%dma_wait3A_208 : memref<10112x128xf32, #tpu.memory_space<vmem_shared>>)
        tpu.yield
      }) : () -> ()
      %add3A_103 = arith.constant 1 : i32
      %add3A_104 = arith.addi %mul3A_79, %add3A_103 : i32
      %add3A_105 = arith.constant 2 : i32
      %add3A_106 = arith.addi %add3A_104, %add3A_105 : i32
      %sub3A_107 = arith.constant 1 : i32
      %sub3A_108 = arith.subi %add3A_106, %sub3A_107 : i32
      %lt3A_109 = arith.constant 40 : i32
      %lt3A_110 = arith.cmpi slt, %sub3A_108, %lt3A_109 : i32
      %convert_element_type3A_111 = arith.extui %lt3A_110 : i1 to i32
      %cond3A_112 = arith.constant 0 : i32
      %cond3A_113 = arith.cmpi ne, %convert_element_type3A_111, %cond3A_112 : i32
      scf.if %cond3A_113 {
        %add3A_188 = arith.constant 2 : i32
        %add3A_189 = arith.addi %add3A_104, %add3A_188 : i32
        %sub3A_190 = arith.constant 1 : i32
        %sub3A_191 = arith.subi %add3A_189, %sub3A_190 : i32
        %dma_start3A_192 = arith.constant 0 : i32
        %dma_start3A_193 = arith.constant 0 : i32
        %dma_start3A_194 = arith.constant 0 : i32
        %dma_start3A_195 = arith.constant 0 : i32
        %dma_start3A_196 = tpu.memref_slice %arg8[%dma_start3A_193, %dma_start3A_194, %dma_start3A_195] : memref<2x128x128xf32, #tpu.memory_space<vmem>> -> memref<1x128x128xf32, #tpu.memory_space<vmem>>
        %dma_start3A_197 = tpu.memref_squeeze %dma_start3A_196 : memref<1x128x128xf32, #tpu.memory_space<vmem>> -> memref<128x128xf32, #tpu.memory_space<vmem>>
        %dma_start3A_198 = arith.constant 0 : i32
        %dma_start3A_199 = tpu.memref_slice %arg7[%sub3A_191, %dma_start3A_192, %dma_start3A_198] : memref<40x2x128xi32, #tpu.memory_space<vmem>> -> memref<1x1x128xi32, #tpu.memory_space<vmem>>
        %dma_start3A_200 = tpu.memref_squeeze %dma_start3A_199 : memref<1x1x128xi32, #tpu.memory_space<vmem>> -> memref<128xi32, #tpu.memory_space<vmem>>
        %dma_start3A_201 = arith.constant 0 : i32
        %dma_start3A_202 = arith.constant 0 : i32
        %dma_start3A_203 = tpu.memref_slice %arg2[%dma_start3A_201, %dma_start3A_202] : memref<10000x128xf32, #tpu.memory_space<hbm>> -> memref<10000x128xf32, #tpu.memory_space<hbm>>
        tpu.enqueue_indirect_dma source(%dma_start3A_203 : memref<10000x128xf32, #tpu.memory_space<hbm>>) target(%dma_start3A_197 : memref<128x128xf32, #tpu.memory_space<vmem>>) offsets(%dma_start3A_200 : memref<128xi32, #tpu.memory_space<vmem>>) semaphore(%arg10 : memref<!tpu.dma_semaphore, #tpu.memory_space<semaphore_mem>>)
      } else {
      }
      %dma_wait3A_114 = arith.constant 1 : i32
      %dma_wait3A_115 = arith.constant 0 : i32
      %dma_wait3A_116 = arith.constant 0 : i32
      %dma_wait3A_117 = tpu.memref_slice %arg8[%dma_wait3A_114, %dma_wait3A_115, %dma_wait3A_116] : memref<2x128x128xf32, #tpu.memory_space<vmem>> -> memref<1x128x128xf32, #tpu.memory_space<vmem>>
      %dma_wait3A_118 = tpu.memref_squeeze %dma_wait3A_117 : memref<1x128x128xf32, #tpu.memory_space<vmem>> -> memref<128x128xf32, #tpu.memory_space<vmem>>
      %dma_wait3A_119 = arith.constant 0 : i32
      %dma_wait3A_120 = arith.constant 0 : i32
      %dma_wait3A_121 = tpu.memref_slice %arg2[%dma_wait3A_119, %dma_wait3A_120] : memref<10000x128xf32, #tpu.memory_space<hbm>> -> memref<128x128xf32, #tpu.memory_space<hbm>>
      %dma_wait3A_122 = arith.constant 0 : i32
      %dma_wait3A_123 = arith.constant 0 : i32
      %dma_wait3A_124 = tpu.memref_slice %arg8[%dma_wait3A_114, %dma_wait3A_122, %dma_wait3A_123] : memref<2x128x128xf32, #tpu.memory_space<vmem>> -> memref<1x128x128xf32, #tpu.memory_space<vmem>>
      %dma_wait3A_125 = tpu.memref_squeeze %dma_wait3A_124 : memref<1x128x128xf32, #tpu.memory_space<vmem>> -> memref<128x128xf32, #tpu.memory_space<vmem>>
      %dma_wait3A_126 = arith.constant 0 : i32
      %dma_wait3A_127 = arith.constant 0 : i32
      %dma_wait3A_128 = tpu.memref_slice %arg2[%dma_wait3A_126, %dma_wait3A_127] : memref<10000x128xf32, #tpu.memory_space<hbm>> -> memref<128x128xf32, #tpu.memory_space<hbm>>
      tpu.wait_dma2 semaphore(%arg11 : memref<!tpu.dma_semaphore, #tpu.memory_space<semaphore_mem>>) src(%dma_wait3A_128 : memref<128x128xf32, #tpu.memory_space<hbm>>) dst(%dma_wait3A_125 : memref<128x128xf32, #tpu.memory_space<vmem>>)
      %run_scoped3A_129 = arith.constant 1 : i32
      %run_scoped3A_130 = arith.constant 1 : i32
      "tpu.region"() ({
        %run_scoped3A_188 = tpu.sem_alloc : memref<!tpu.dma_semaphore, #tpu.memory_space<semaphore_mem>>
        %dma_start3A_189 = arith.constant 0 : i32
        %dma_start3A_190 = arith.constant 0 : i32
        %dma_start3A_191 = tpu.memref_slice %arg8[%run_scoped3A_129, %dma_start3A_189, %dma_start3A_190] : memref<2x128x128xf32, #tpu.memory_space<vmem>> -> memref<1x128x128xf32, #tpu.memory_space<vmem>>
        %dma_start3A_192 = tpu.memref_squeeze %dma_start3A_191 : memref<1x128x128xf32, #tpu.memory_space<vmem>> -> memref<128x128xf32, #tpu.memory_space<vmem>>
        %dma_start3A_193 = arith.constant 0 : i32
        %dma_start3A_194 = tpu.memref_slice %arg7[%add3A_104, %run_scoped3A_130, %dma_start3A_193] : memref<40x2x128xi32, #tpu.memory_space<vmem>> -> memref<1x1x128xi32, #tpu.memory_space<vmem>>
        %dma_start3A_195 = tpu.memref_squeeze %dma_start3A_194 : memref<1x1x128xi32, #tpu.memory_space<vmem>> -> memref<128xi32, #tpu.memory_space<vmem>>
        %dma_start3A_196 = arith.constant 0 : i32
        %dma_start3A_197 = arith.constant 0 : i32
        %dma_start3A_198 = tpu.memref_slice %arg6[%dma_start3A_196, %dma_start3A_197] : memref<10112x128xf32, #tpu.memory_space<vmem_shared>> -> memref<10112x128xf32, #tpu.memory_space<vmem_shared>>
        tpu.enqueue_indirect_dma source(%dma_start3A_192 : memref<128x128xf32, #tpu.memory_space<vmem>>) target(%dma_start3A_198 : memref<10112x128xf32, #tpu.memory_space<vmem_shared>>) offsets(%dma_start3A_195 : memref<128xi32, #tpu.memory_space<vmem>>) semaphore(%run_scoped3A_188 : memref<!tpu.dma_semaphore, #tpu.memory_space<semaphore_mem>>) {add = true}
        %dma_wait3A_199 = arith.constant 0 : i32
        %dma_wait3A_200 = arith.constant 0 : i32
        %dma_wait3A_201 = tpu.memref_slice %arg8[%run_scoped3A_129, %dma_wait3A_199, %dma_wait3A_200] : memref<2x128x128xf32, #tpu.memory_space<vmem>> -> memref<1x128x128xf32, #tpu.memory_space<vmem>>
        %dma_wait3A_202 = tpu.memref_squeeze %dma_wait3A_201 : memref<1x128x128xf32, #tpu.memory_space<vmem>> -> memref<128x128xf32, #tpu.memory_space<vmem>>
        %dma_wait3A_203 = arith.constant 0 : i32
        %dma_wait3A_204 = tpu.memref_slice %arg7[%add3A_104, %run_scoped3A_130, %dma_wait3A_203] : memref<40x2x128xi32, #tpu.memory_space<vmem>> -> memref<1x1x128xi32, #tpu.memory_space<vmem>>
        %dma_wait3A_205 = tpu.memref_squeeze %dma_wait3A_204 : memref<1x1x128xi32, #tpu.memory_space<vmem>> -> memref<128xi32, #tpu.memory_space<vmem>>
        %dma_wait3A_206 = arith.constant 0 : i32
        %dma_wait3A_207 = arith.constant 0 : i32
        %dma_wait3A_208 = tpu.memref_slice %arg6[%dma_wait3A_206, %dma_wait3A_207] : memref<10112x128xf32, #tpu.memory_space<vmem_shared>> -> memref<10112x128xf32, #tpu.memory_space<vmem_shared>>
        tpu.wait_indirect_dma semaphore(%run_scoped3A_188 : memref<!tpu.dma_semaphore, #tpu.memory_space<semaphore_mem>>) src(%dma_wait3A_202 : memref<128x128xf32, #tpu.memory_space<vmem>>) dst(%dma_wait3A_208 : memref<10112x128xf32, #tpu.memory_space<vmem_shared>>)
        tpu.yield
      }) : () -> ()
      %add3A_131 = arith.constant 2 : i32
      %add3A_132 = arith.addi %mul3A_79, %add3A_131 : i32
      %add3A_133 = arith.constant 2 : i32
      %add3A_134 = arith.addi %add3A_132, %add3A_133 : i32
      %sub3A_135 = arith.constant 1 : i32
      %sub3A_136 = arith.subi %add3A_134, %sub3A_135 : i32
      %lt3A_137 = arith.constant 40 : i32
      %lt3A_138 = arith.cmpi slt, %sub3A_136, %lt3A_137 : i32
      %convert_element_type3A_139 = arith.extui %lt3A_138 : i1 to i32
      %cond3A_140 = arith.constant 0 : i32
      %cond3A_141 = arith.cmpi ne, %convert_element_type3A_139, %cond3A_140 : i32
      scf.if %cond3A_141 {
        %add3A_188 = arith.constant 2 : i32
        %add3A_189 = arith.addi %add3A_132, %add3A_188 : i32
        %sub3A_190 = arith.constant 1 : i32
        %sub3A_191 = arith.subi %add3A_189, %sub3A_190 : i32
        %dma_start3A_192 = arith.constant 0 : i32
        %dma_start3A_193 = arith.constant 1 : i32
        %dma_start3A_194 = arith.constant 0 : i32
        %dma_start3A_195 = arith.constant 0 : i32
        %dma_start3A_196 = tpu.memref_slice %arg8[%dma_start3A_193, %dma_start3A_194, %dma_start3A_195] : memref<2x128x128xf32, #tpu.memory_space<vmem>> -> memref<1x128x128xf32, #tpu.memory_space<vmem>>
        %dma_start3A_197 = tpu.memref_squeeze %dma_start3A_196 : memref<1x128x128xf32, #tpu.memory_space<vmem>> -> memref<128x128xf32, #tpu.memory_space<vmem>>
        %dma_start3A_198 = arith.constant 0 : i32
        %dma_start3A_199 = tpu.memref_slice %arg7[%sub3A_191, %dma_start3A_192, %dma_start3A_198] : memref<40x2x128xi32, #tpu.memory_space<vmem>> -> memref<1x1x128xi32, #tpu.memory_space<vmem>>
        %dma_start3A_200 = tpu.memref_squeeze %dma_start3A_199 : memref<1x1x128xi32, #tpu.memory_space<vmem>> -> memref<128xi32, #tpu.memory_space<vmem>>
        %dma_start3A_201 = arith.constant 0 : i32
        %dma_start3A_202 = arith.constant 0 : i32
        %dma_start3A_203 = tpu.memref_slice %arg2[%dma_start3A_201, %dma_start3A_202] : memref<10000x128xf32, #tpu.memory_space<hbm>> -> memref<10000x128xf32, #tpu.memory_space<hbm>>
        tpu.enqueue_indirect_dma source(%dma_start3A_203 : memref<10000x128xf32, #tpu.memory_space<hbm>>) target(%dma_start3A_197 : memref<128x128xf32, #tpu.memory_space<vmem>>) offsets(%dma_start3A_200 : memref<128xi32, #tpu.memory_space<vmem>>) semaphore(%arg11 : memref<!tpu.dma_semaphore, #tpu.memory_space<semaphore_mem>>)
      } else {
      }
      %dma_wait3A_142 = arith.constant 0 : i32
      %dma_wait3A_143 = arith.constant 0 : i32
      %dma_wait3A_144 = arith.constant 0 : i32
      %dma_wait3A_145 = tpu.memref_slice %arg8[%dma_wait3A_142, %dma_wait3A_143, %dma_wait3A_144] : memref<2x128x128xf32, #tpu.memory_space<vmem>> -> memref<1x128x128xf32, #tpu.memory_space<vmem>>
      %dma_wait3A_146 = tpu.memref_squeeze %dma_wait3A_145 : memref<1x128x128xf32, #tpu.memory_space<vmem>> -> memref<128x128xf32, #tpu.memory_space<vmem>>
      %dma_wait3A_147 = arith.constant 0 : i32
      %dma_wait3A_148 = arith.constant 0 : i32
      %dma_wait3A_149 = tpu.memref_slice %arg2[%dma_wait3A_147, %dma_wait3A_148] : memref<10000x128xf32, #tpu.memory_space<hbm>> -> memref<128x128xf32, #tpu.memory_space<hbm>>
      %dma_wait3A_150 = arith.constant 0 : i32
      %dma_wait3A_151 = arith.constant 0 : i32
      %dma_wait3A_152 = tpu.memref_slice %arg8[%dma_wait3A_142, %dma_wait3A_150, %dma_wait3A_151] : memref<2x128x128xf32, #tpu.memory_space<vmem>> -> memref<1x128x128xf32, #tpu.memory_space<vmem>>
      %dma_wait3A_153 = tpu.memref_squeeze %dma_wait3A_152 : memref<1x128x128xf32, #tpu.memory_space<vmem>> -> memref<128x128xf32, #tpu.memory_space<vmem>>
      %dma_wait3A_154 = arith.constant 0 : i32
      %dma_wait3A_155 = arith.constant 0 : i32
      %dma_wait3A_156 = tpu.memref_slice %arg2[%dma_wait3A_154, %dma_wait3A_155] : memref<10000x128xf32, #tpu.memory_space<hbm>> -> memref<128x128xf32, #tpu.memory_space<hbm>>
      tpu.wait_dma2 semaphore(%arg10 : memref<!tpu.dma_semaphore, #tpu.memory_space<semaphore_mem>>) src(%dma_wait3A_156 : memref<128x128xf32, #tpu.memory_space<hbm>>) dst(%dma_wait3A_153 : memref<128x128xf32, #tpu.memory_space<vmem>>)
      %run_scoped3A_157 = arith.constant 0 : i32
      %run_scoped3A_158 = arith.constant 1 : i32
      "tpu.region"() ({
        %run_scoped3A_188 = tpu.sem_alloc : memref<!tpu.dma_semaphore, #tpu.memory_space<semaphore_mem>>
        %dma_start3A_189 = arith.constant 0 : i32
        %dma_start3A_190 = arith.constant 0 : i32
        %dma_start3A_191 = tpu.memref_slice %arg8[%run_scoped3A_157, %dma_start3A_189, %dma_start3A_190] : memref<2x128x128xf32, #tpu.memory_space<vmem>> -> memref<1x128x128xf32, #tpu.memory_space<vmem>>
        %dma_start3A_192 = tpu.memref_squeeze %dma_start3A_191 : memref<1x128x128xf32, #tpu.memory_space<vmem>> -> memref<128x128xf32, #tpu.memory_space<vmem>>
        %dma_start3A_193 = arith.constant 0 : i32
        %dma_start3A_194 = tpu.memref_slice %arg7[%add3A_132, %run_scoped3A_158, %dma_start3A_193] : memref<40x2x128xi32, #tpu.memory_space<vmem>> -> memref<1x1x128xi32, #tpu.memory_space<vmem>>
        %dma_start3A_195 = tpu.memref_squeeze %dma_start3A_194 : memref<1x1x128xi32, #tpu.memory_space<vmem>> -> memref<128xi32, #tpu.memory_space<vmem>>
        %dma_start3A_196 = arith.constant 0 : i32
        %dma_start3A_197 = arith.constant 0 : i32
        %dma_start3A_198 = tpu.memref_slice %arg6[%dma_start3A_196, %dma_start3A_197] : memref<10112x128xf32, #tpu.memory_space<vmem_shared>> -> memref<10112x128xf32, #tpu.memory_space<vmem_shared>>
        tpu.enqueue_indirect_dma source(%dma_start3A_192 : memref<128x128xf32, #tpu.memory_space<vmem>>) target(%dma_start3A_198 : memref<10112x128xf32, #tpu.memory_space<vmem_shared>>) offsets(%dma_start3A_195 : memref<128xi32, #tpu.memory_space<vmem>>) semaphore(%run_scoped3A_188 : memref<!tpu.dma_semaphore, #tpu.memory_space<semaphore_mem>>) {add = true}
        %dma_wait3A_199 = arith.constant 0 : i32
        %dma_wait3A_200 = arith.constant 0 : i32
        %dma_wait3A_201 = tpu.memref_slice %arg8[%run_scoped3A_157, %dma_wait3A_199, %dma_wait3A_200] : memref<2x128x128xf32, #tpu.memory_space<vmem>> -> memref<1x128x128xf32, #tpu.memory_space<vmem>>
        %dma_wait3A_202 = tpu.memref_squeeze %dma_wait3A_201 : memref<1x128x128xf32, #tpu.memory_space<vmem>> -> memref<128x128xf32, #tpu.memory_space<vmem>>
        %dma_wait3A_203 = arith.constant 0 : i32
        %dma_wait3A_204 = tpu.memref_slice %arg7[%add3A_132, %run_scoped3A_158, %dma_wait3A_203] : memref<40x2x128xi32, #tpu.memory_space<vmem>> -> memref<1x1x128xi32, #tpu.memory_space<vmem>>
        %dma_wait3A_205 = tpu.memref_squeeze %dma_wait3A_204 : memref<1x1x128xi32, #tpu.memory_space<vmem>> -> memref<128xi32, #tpu.memory_space<vmem>>
        %dma_wait3A_206 = arith.constant 0 : i32
        %dma_wait3A_207 = arith.constant 0 : i32
        %dma_wait3A_208 = tpu.memref_slice %arg6[%dma_wait3A_206, %dma_wait3A_207] : memref<10112x128xf32, #tpu.memory_space<vmem_shared>> -> memref<10112x128xf32, #tpu.memory_space<vmem_shared>>
        tpu.wait_indirect_dma semaphore(%run_scoped3A_188 : memref<!tpu.dma_semaphore, #tpu.memory_space<semaphore_mem>>) src(%dma_wait3A_202 : memref<128x128xf32, #tpu.memory_space<vmem>>) dst(%dma_wait3A_208 : memref<10112x128xf32, #tpu.memory_space<vmem_shared>>)
        tpu.yield
      }) : () -> ()
      %add3A_159 = arith.constant 3 : i32
      %add3A_160 = arith.addi %mul3A_79, %add3A_159 : i32
      %add3A_161 = arith.constant 2 : i32
      %add3A_162 = arith.addi %add3A_160, %add3A_161 : i32
      %sub3A_163 = arith.constant 1 : i32
      %sub3A_164 = arith.subi %add3A_162, %sub3A_163 : i32
      %lt3A_165 = arith.constant 40 : i32
      %lt3A_166 = arith.cmpi slt, %sub3A_164, %lt3A_165 : i32
      %convert_element_type3A_167 = arith.extui %lt3A_166 : i1 to i32
      %cond3A_168 = arith.constant 0 : i32
      %cond3A_169 = arith.cmpi ne, %convert_element_type3A_167, %cond3A_168 : i32
      scf.if %cond3A_169 {
        %add3A_188 = arith.constant 2 : i32
        %add3A_189 = arith.addi %add3A_160, %add3A_188 : i32
        %sub3A_190 = arith.constant 1 : i32
        %sub3A_191 = arith.subi %add3A_189, %sub3A_190 : i32
        %dma_start3A_192 = arith.constant 0 : i32
        %dma_start3A_193 = arith.constant 0 : i32
        %dma_start3A_194 = arith.constant 0 : i32
        %dma_start3A_195 = arith.constant 0 : i32
        %dma_start3A_196 = tpu.memref_slice %arg8[%dma_start3A_193, %dma_start3A_194, %dma_start3A_195] : memref<2x128x128xf32, #tpu.memory_space<vmem>> -> memref<1x128x128xf32, #tpu.memory_space<vmem>>
        %dma_start3A_197 = tpu.memref_squeeze %dma_start3A_196 : memref<1x128x128xf32, #tpu.memory_space<vmem>> -> memref<128x128xf32, #tpu.memory_space<vmem>>
        %dma_start3A_198 = arith.constant 0 : i32
        %dma_start3A_199 = tpu.memref_slice %arg7[%sub3A_191, %dma_start3A_192, %dma_start3A_198] : memref<40x2x128xi32, #tpu.memory_space<vmem>> -> memref<1x1x128xi32, #tpu.memory_space<vmem>>
        %dma_start3A_200 = tpu.memref_squeeze %dma_start3A_199 : memref<1x1x128xi32, #tpu.memory_space<vmem>> -> memref<128xi32, #tpu.memory_space<vmem>>
        %dma_start3A_201 = arith.constant 0 : i32
        %dma_start3A_202 = arith.constant 0 : i32
        %dma_start3A_203 = tpu.memref_slice %arg2[%dma_start3A_201, %dma_start3A_202] : memref<10000x128xf32, #tpu.memory_space<hbm>> -> memref<10000x128xf32, #tpu.memory_space<hbm>>
        tpu.enqueue_indirect_dma source(%dma_start3A_203 : memref<10000x128xf32, #tpu.memory_space<hbm>>) target(%dma_start3A_197 : memref<128x128xf32, #tpu.memory_space<vmem>>) offsets(%dma_start3A_200 : memref<128xi32, #tpu.memory_space<vmem>>) semaphore(%arg10 : memref<!tpu.dma_semaphore, #tpu.memory_space<semaphore_mem>>)
      } else {
      }
      %dma_wait3A_170 = arith.constant 1 : i32
      %dma_wait3A_171 = arith.constant 0 : i32
      %dma_wait3A_172 = arith.constant 0 : i32
      %dma_wait3A_173 = tpu.memref_slice %arg8[%dma_wait3A_170, %dma_wait3A_171, %dma_wait3A_172] : memref<2x128x128xf32, #tpu.memory_space<vmem>> -> memref<1x128x128xf32, #tpu.memory_space<vmem>>
      %dma_wait3A_174 = tpu.memref_squeeze %dma_wait3A_173 : memref<1x128x128xf32, #tpu.memory_space<vmem>> -> memref<128x128xf32, #tpu.memory_space<vmem>>
      %dma_wait3A_175 = arith.constant 0 : i32
      %dma_wait3A_176 = arith.constant 0 : i32
      %dma_wait3A_177 = tpu.memref_slice %arg2[%dma_wait3A_175, %dma_wait3A_176] : memref<10000x128xf32, #tpu.memory_space<hbm>> -> memref<128x128xf32, #tpu.memory_space<hbm>>
      %dma_wait3A_178 = arith.constant 0 : i32
      %dma_wait3A_179 = arith.constant 0 : i32
      %dma_wait3A_180 = tpu.memref_slice %arg8[%dma_wait3A_170, %dma_wait3A_178, %dma_wait3A_179] : memref<2x128x128xf32, #tpu.memory_space<vmem>> -> memref<1x128x128xf32, #tpu.memory_space<vmem>>
      %dma_wait3A_181 = tpu.memref_squeeze %dma_wait3A_180 : memref<1x128x128xf32, #tpu.memory_space<vmem>> -> memref<128x128xf32, #tpu.memory_space<vmem>>
      %dma_wait3A_182 = arith.constant 0 : i32
      %dma_wait3A_183 = arith.constant 0 : i32
      %dma_wait3A_184 = tpu.memref_slice %arg2[%dma_wait3A_182, %dma_wait3A_183] : memref<10000x128xf32, #tpu.memory_space<hbm>> -> memref<128x128xf32, #tpu.memory_space<hbm>>
      tpu.wait_dma2 semaphore(%arg11 : memref<!tpu.dma_semaphore, #tpu.memory_space<semaphore_mem>>) src(%dma_wait3A_184 : memref<128x128xf32, #tpu.memory_space<hbm>>) dst(%dma_wait3A_181 : memref<128x128xf32, #tpu.memory_space<vmem>>)
      %run_scoped3A_185 = arith.constant 1 : i32
      %run_scoped3A_186 = arith.constant 1 : i32
      "tpu.region"() ({
        %run_scoped3A_188 = tpu.sem_alloc : memref<!tpu.dma_semaphore, #tpu.memory_space<semaphore_mem>>
        %dma_start3A_189 = arith.constant 0 : i32
        %dma_start3A_190 = arith.constant 0 : i32
        %dma_start3A_191 = tpu.memref_slice %arg8[%run_scoped3A_185, %dma_start3A_189, %dma_start3A_190] : memref<2x128x128xf32, #tpu.memory_space<vmem>> -> memref<1x128x128xf32, #tpu.memory_space<vmem>>
        %dma_start3A_192 = tpu.memref_squeeze %dma_start3A_191 : memref<1x128x128xf32, #tpu.memory_space<vmem>> -> memref<128x128xf32, #tpu.memory_space<vmem>>
        %dma_start3A_193 = arith.constant 0 : i32
        %dma_start3A_194 = tpu.memref_slice %arg7[%add3A_160, %run_scoped3A_186, %dma_start3A_193] : memref<40x2x128xi32, #tpu.memory_space<vmem>> -> memref<1x1x128xi32, #tpu.memory_space<vmem>>
        %dma_start3A_195 = tpu.memref_squeeze %dma_start3A_194 : memref<1x1x128xi32, #tpu.memory_space<vmem>> -> memref<128xi32, #tpu.memory_space<vmem>>
        %dma_start3A_196 = arith.constant 0 : i32
        %dma_start3A_197 = arith.constant 0 : i32
        %dma_start3A_198 = tpu.memref_slice %arg6[%dma_start3A_196, %dma_start3A_197] : memref<10112x128xf32, #tpu.memory_space<vmem_shared>> -> memref<10112x128xf32, #tpu.memory_space<vmem_shared>>
        tpu.enqueue_indirect_dma source(%dma_start3A_192 : memref<128x128xf32, #tpu.memory_space<vmem>>) target(%dma_start3A_198 : memref<10112x128xf32, #tpu.memory_space<vmem_shared>>) offsets(%dma_start3A_195 : memref<128xi32, #tpu.memory_space<vmem>>) semaphore(%run_scoped3A_188 : memref<!tpu.dma_semaphore, #tpu.memory_space<semaphore_mem>>) {add = true}
        %dma_wait3A_199 = arith.constant 0 : i32
        %dma_wait3A_200 = arith.constant 0 : i32
        %dma_wait3A_201 = tpu.memref_slice %arg8[%run_scoped3A_185, %dma_wait3A_199, %dma_wait3A_200] : memref<2x128x128xf32, #tpu.memory_space<vmem>> -> memref<1x128x128xf32, #tpu.memory_space<vmem>>
        %dma_wait3A_202 = tpu.memref_squeeze %dma_wait3A_201 : memref<1x128x128xf32, #tpu.memory_space<vmem>> -> memref<128x128xf32, #tpu.memory_space<vmem>>
        %dma_wait3A_203 = arith.constant 0 : i32
        %dma_wait3A_204 = tpu.memref_slice %arg7[%add3A_160, %run_scoped3A_186, %dma_wait3A_203] : memref<40x2x128xi32, #tpu.memory_space<vmem>> -> memref<1x1x128xi32, #tpu.memory_space<vmem>>
        %dma_wait3A_205 = tpu.memref_squeeze %dma_wait3A_204 : memref<1x1x128xi32, #tpu.memory_space<vmem>> -> memref<128xi32, #tpu.memory_space<vmem>>
        %dma_wait3A_206 = arith.constant 0 : i32
        %dma_wait3A_207 = arith.constant 0 : i32
        %dma_wait3A_208 = tpu.memref_slice %arg6[%dma_wait3A_206, %dma_wait3A_207] : memref<10112x128xf32, #tpu.memory_space<vmem_shared>> -> memref<10112x128xf32, #tpu.memory_space<vmem_shared>>
        tpu.wait_indirect_dma semaphore(%run_scoped3A_188 : memref<!tpu.dma_semaphore, #tpu.memory_space<semaphore_mem>>) src(%dma_wait3A_202 : memref<128x128xf32, #tpu.memory_space<vmem>>) dst(%dma_wait3A_208 : memref<10112x128xf32, #tpu.memory_space<vmem_shared>>)
        tpu.yield
      }) : () -> ()
      %scan3A_187 = arith.constant 0 : i32
      scf.yield %scan3A_187 : i32
    }
    %scan3A_50 = arith.constant 10 : i32
    %mul3A_51 = arith.constant 80 : i32
    %mul3A_52 = arith.muli %add3A, %mul3A_51 : i32
    %add3A_53 = arith.constant 40 : i32
    %add3A_54 = arith.addi %mul3A_52, %add3A_53 : i32
    "tpu.region"() ({
      %run_scoped3A = tpu.sem_alloc : memref<!tpu.dma_semaphore, #tpu.memory_space<semaphore_mem>>
      %dma_start3A_76 = arith.constant 0 : i32
      %dma_start3A_77 = arith.constant 0 : i32
      %dma_start3A_78 = tpu.memref_slice %arg3[%add3A_54, %dma_start3A_76, %dma_start3A_77] : memref<2560x2x128xi32, #tpu.memory_space<hbm>> -> memref<40x2x128xi32, #tpu.memory_space<hbm>>
      %dma_start3A_79 = arith.constant 0 : i32
      %dma_start3A_80 = arith.constant 0 : i32
      %dma_start3A_81 = tpu.memref_slice %arg3[%add3A_54, %dma_start3A_79, %dma_start3A_80] : memref<2560x2x128xi32, #tpu.memory_space<hbm>> -> memref<40x2x128xi32, #tpu.memory_space<hbm>>
      tpu.enqueue_dma source(%dma_start3A_81 : memref<40x2x128xi32, #tpu.memory_space<hbm>>) target(%arg7 : memref<40x2x128xi32, #tpu.memory_space<vmem>>) target_semaphore(%run_scoped3A : memref<!tpu.dma_semaphore, #tpu.memory_space<semaphore_mem>>)
      %dma_wait3A_82 = arith.constant 0 : i32
      %dma_wait3A_83 = arith.constant 0 : i32
      %dma_wait3A_84 = tpu.memref_slice %arg3[%add3A_54, %dma_wait3A_82, %dma_wait3A_83] : memref<2560x2x128xi32, #tpu.memory_space<hbm>> -> memref<40x2x128xi32, #tpu.memory_space<hbm>>
      %dma_wait3A_85 = arith.constant 0 : i32
      %dma_wait3A_86 = arith.constant 0 : i32
      %dma_wait3A_87 = tpu.memref_slice %arg3[%add3A_54, %dma_wait3A_85, %dma_wait3A_86] : memref<2560x2x128xi32, #tpu.memory_space<hbm>> -> memref<40x2x128xi32, #tpu.memory_space<hbm>>
      tpu.wait_dma2 semaphore(%run_scoped3A : memref<!tpu.dma_semaphore, #tpu.memory_space<semaphore_mem>>) src(%dma_wait3A_87 : memref<40x2x128xi32, #tpu.memory_space<hbm>>) dst(%arg7 : memref<40x2x128xi32, #tpu.memory_space<vmem>>)
      tpu.yield
    }) : () -> ()
    %dma_start3A_55 = arith.constant 0 : i32
    %dma_start3A_56 = arith.constant 0 : i32
    %dma_start3A_57 = arith.constant 0 : i32
    %dma_start3A_58 = arith.constant 0 : i32
    %dma_start3A_59 = arith.constant 0 : i32
    %dma_start3A_60 = tpu.memref_slice %arg8[%dma_start3A_57, %dma_start3A_58, %dma_start3A_59] : memref<2x128x128xf32, #tpu.memory_space<vmem>> -> memref<1x128x128xf32, #tpu.memory_space<vmem>>
    %dma_start3A_61 = tpu.memref_squeeze %dma_start3A_60 : memref<1x128x128xf32, #tpu.memory_space<vmem>> -> memref<128x128xf32, #tpu.memory_space<vmem>>
    %dma_start3A_62 = arith.constant 0 : i32
    %dma_start3A_63 = tpu.memref_slice %arg7[%dma_start3A_55, %dma_start3A_56, %dma_start3A_62] : memref<40x2x128xi32, #tpu.memory_space<vmem>> -> memref<1x1x128xi32, #tpu.memory_space<vmem>>
    %dma_start3A_64 = tpu.memref_squeeze %dma_start3A_63 : memref<1x1x128xi32, #tpu.memory_space<vmem>> -> memref<128xi32, #tpu.memory_space<vmem>>
    %dma_start3A_65 = arith.constant 0 : i32
    %dma_start3A_66 = arith.constant 0 : i32
    %dma_start3A_67 = tpu.memref_slice %arg2[%dma_start3A_65, %dma_start3A_66] : memref<10000x128xf32, #tpu.memory_space<hbm>> -> memref<10000x128xf32, #tpu.memory_space<hbm>>
    tpu.enqueue_indirect_dma source(%dma_start3A_67 : memref<10000x128xf32, #tpu.memory_space<hbm>>) target(%dma_start3A_61 : memref<128x128xf32, #tpu.memory_space<vmem>>) offsets(%dma_start3A_64 : memref<128xi32, #tpu.memory_space<vmem>>) semaphore(%arg10 : memref<!tpu.dma_semaphore, #tpu.memory_space<semaphore_mem>>)
    %scan3A_68 = arith.constant 0 : i32
    %scan3A_69 = arith.constant 0 : i32
    %scan3A_70 = arith.constant 10 : i32
    %scan3A_71 = arith.addi %scan3A_69, %scan3A_70 : i32
    %scan3A_72 = arith.constant 1 : i32
    %scan3A_73 = scf.for %scan3A_76 = %scan3A_69 to %scan3A_71 step %scan3A_72 iter_args(%scan3A_77 = %scan3A_68) -> (i32)  : i32 {
      %mul3A_78 = arith.constant 4 : i32
      %mul3A_79 = arith.muli %scan3A_76, %mul3A_78 : i32
      %add3A_80 = arith.constant 0 : i32
      %add3A_81 = arith.addi %mul3A_79, %add3A_80 : i32
      %add3A_82 = arith.constant 2 : i32
      %add3A_83 = arith.addi %add3A_81, %add3A_82 : i32
      %sub3A = arith.constant 1 : i32
      %sub3A_84 = arith.subi %add3A_83, %sub3A : i32
      %lt3A = arith.constant 40 : i32
      %lt3A_85 = arith.cmpi slt, %sub3A_84, %lt3A : i32
      %convert_element_type3A = arith.extui %lt3A_85 : i1 to i32
      %cond3A = arith.constant 0 : i32
      %cond3A_86 = arith.cmpi ne, %convert_element_type3A, %cond3A : i32
      scf.if %cond3A_86 {
        %add3A_188 = arith.constant 2 : i32
        %add3A_189 = arith.addi %add3A_81, %add3A_188 : i32
        %sub3A_190 = arith.constant 1 : i32
        %sub3A_191 = arith.subi %add3A_189, %sub3A_190 : i32
        %dma_start3A_192 = arith.constant 0 : i32
        %dma_start3A_193 = arith.constant 1 : i32
        %dma_start3A_194 = arith.constant 0 : i32
        %dma_start3A_195 = arith.constant 0 : i32
        %dma_start3A_196 = tpu.memref_slice %arg8[%dma_start3A_193, %dma_start3A_194, %dma_start3A_195] : memref<2x128x128xf32, #tpu.memory_space<vmem>> -> memref<1x128x128xf32, #tpu.memory_space<vmem>>
        %dma_start3A_197 = tpu.memref_squeeze %dma_start3A_196 : memref<1x128x128xf32, #tpu.memory_space<vmem>> -> memref<128x128xf32, #tpu.memory_space<vmem>>
        %dma_start3A_198 = arith.constant 0 : i32
        %dma_start3A_199 = tpu.memref_slice %arg7[%sub3A_191, %dma_start3A_192, %dma_start3A_198] : memref<40x2x128xi32, #tpu.memory_space<vmem>> -> memref<1x1x128xi32, #tpu.memory_space<vmem>>
        %dma_start3A_200 = tpu.memref_squeeze %dma_start3A_199 : memref<1x1x128xi32, #tpu.memory_space<vmem>> -> memref<128xi32, #tpu.memory_space<vmem>>
        %dma_start3A_201 = arith.constant 0 : i32
        %dma_start3A_202 = arith.constant 0 : i32
        %dma_start3A_203 = tpu.memref_slice %arg2[%dma_start3A_201, %dma_start3A_202] : memref<10000x128xf32, #tpu.memory_space<hbm>> -> memref<10000x128xf32, #tpu.memory_space<hbm>>
        tpu.enqueue_indirect_dma source(%dma_start3A_203 : memref<10000x128xf32, #tpu.memory_space<hbm>>) target(%dma_start3A_197 : memref<128x128xf32, #tpu.memory_space<vmem>>) offsets(%dma_start3A_200 : memref<128xi32, #tpu.memory_space<vmem>>) semaphore(%arg11 : memref<!tpu.dma_semaphore, #tpu.memory_space<semaphore_mem>>)
      } else {
      }
      %dma_wait3A_87 = arith.constant 0 : i32
      %dma_wait3A_88 = arith.constant 0 : i32
      %dma_wait3A_89 = arith.constant 0 : i32
      %dma_wait3A_90 = tpu.memref_slice %arg8[%dma_wait3A_87, %dma_wait3A_88, %dma_wait3A_89] : memref<2x128x128xf32, #tpu.memory_space<vmem>> -> memref<1x128x128xf32, #tpu.memory_space<vmem>>
      %dma_wait3A_91 = tpu.memref_squeeze %dma_wait3A_90 : memref<1x128x128xf32, #tpu.memory_space<vmem>> -> memref<128x128xf32, #tpu.memory_space<vmem>>
      %dma_wait3A_92 = arith.constant 0 : i32
      %dma_wait3A_93 = arith.constant 0 : i32
      %dma_wait3A_94 = tpu.memref_slice %arg2[%dma_wait3A_92, %dma_wait3A_93] : memref<10000x128xf32, #tpu.memory_space<hbm>> -> memref<128x128xf32, #tpu.memory_space<hbm>>
      %dma_wait3A_95 = arith.constant 0 : i32
      %dma_wait3A_96 = arith.constant 0 : i32
      %dma_wait3A_97 = tpu.memref_slice %arg8[%dma_wait3A_87, %dma_wait3A_95, %dma_wait3A_96] : memref<2x128x128xf32, #tpu.memory_space<vmem>> -> memref<1x128x128xf32, #tpu.memory_space<vmem>>
      %dma_wait3A_98 = tpu.memref_squeeze %dma_wait3A_97 : memref<1x128x128xf32, #tpu.memory_space<vmem>> -> memref<128x128xf32, #tpu.memory_space<vmem>>
      %dma_wait3A_99 = arith.constant 0 : i32
      %dma_wait3A_100 = arith.constant 0 : i32
      %dma_wait3A_101 = tpu.memref_slice %arg2[%dma_wait3A_99, %dma_wait3A_100] : memref<10000x128xf32, #tpu.memory_space<hbm>> -> memref<128x128xf32, #tpu.memory_space<hbm>>
      tpu.wait_dma2 semaphore(%arg10 : memref<!tpu.dma_semaphore, #tpu.memory_space<semaphore_mem>>) src(%dma_wait3A_101 : memref<128x128xf32, #tpu.memory_space<hbm>>) dst(%dma_wait3A_98 : memref<128x128xf32, #tpu.memory_space<vmem>>)
      %run_scoped3A = arith.constant 0 : i32
      %run_scoped3A_102 = arith.constant 1 : i32
      "tpu.region"() ({
        %run_scoped3A_188 = tpu.sem_alloc : memref<!tpu.dma_semaphore, #tpu.memory_space<semaphore_mem>>
        %dma_start3A_189 = arith.constant 0 : i32
        %dma_start3A_190 = arith.constant 0 : i32
        %dma_start3A_191 = tpu.memref_slice %arg8[%run_scoped3A, %dma_start3A_189, %dma_start3A_190] : memref<2x128x128xf32, #tpu.memory_space<vmem>> -> memref<1x128x128xf32, #tpu.memory_space<vmem>>
        %dma_start3A_192 = tpu.memref_squeeze %dma_start3A_191 : memref<1x128x128xf32, #tpu.memory_space<vmem>> -> memref<128x128xf32, #tpu.memory_space<vmem>>
        %dma_start3A_193 = arith.constant 0 : i32
        %dma_start3A_194 = tpu.memref_slice %arg7[%add3A_81, %run_scoped3A_102, %dma_start3A_193] : memref<40x2x128xi32, #tpu.memory_space<vmem>> -> memref<1x1x128xi32, #tpu.memory_space<vmem>>
        %dma_start3A_195 = tpu.memref_squeeze %dma_start3A_194 : memref<1x1x128xi32, #tpu.memory_space<vmem>> -> memref<128xi32, #tpu.memory_space<vmem>>
        %dma_start3A_196 = arith.constant 0 : i32
        %dma_start3A_197 = arith.constant 0 : i32
        %dma_start3A_198 = tpu.memref_slice %arg6[%dma_start3A_196, %dma_start3A_197] : memref<10112x128xf32, #tpu.memory_space<vmem_shared>> -> memref<10112x128xf32, #tpu.memory_space<vmem_shared>>
        tpu.enqueue_indirect_dma source(%dma_start3A_192 : memref<128x128xf32, #tpu.memory_space<vmem>>) target(%dma_start3A_198 : memref<10112x128xf32, #tpu.memory_space<vmem_shared>>) offsets(%dma_start3A_195 : memref<128xi32, #tpu.memory_space<vmem>>) semaphore(%run_scoped3A_188 : memref<!tpu.dma_semaphore, #tpu.memory_space<semaphore_mem>>) {add = true}
        %dma_wait3A_199 = arith.constant 0 : i32
        %dma_wait3A_200 = arith.constant 0 : i32
        %dma_wait3A_201 = tpu.memref_slice %arg8[%run_scoped3A, %dma_wait3A_199, %dma_wait3A_200] : memref<2x128x128xf32, #tpu.memory_space<vmem>> -> memref<1x128x128xf32, #tpu.memory_space<vmem>>
        %dma_wait3A_202 = tpu.memref_squeeze %dma_wait3A_201 : memref<1x128x128xf32, #tpu.memory_space<vmem>> -> memref<128x128xf32, #tpu.memory_space<vmem>>
        %dma_wait3A_203 = arith.constant 0 : i32
        %dma_wait3A_204 = tpu.memref_slice %arg7[%add3A_81, %run_scoped3A_102, %dma_wait3A_203] : memref<40x2x128xi32, #tpu.memory_space<vmem>> -> memref<1x1x128xi32, #tpu.memory_space<vmem>>
        %dma_wait3A_205 = tpu.memref_squeeze %dma_wait3A_204 : memref<1x1x128xi32, #tpu.memory_space<vmem>> -> memref<128xi32, #tpu.memory_space<vmem>>
        %dma_wait3A_206 = arith.constant 0 : i32
        %dma_wait3A_207 = arith.constant 0 : i32
        %dma_wait3A_208 = tpu.memref_slice %arg6[%dma_wait3A_206, %dma_wait3A_207] : memref<10112x128xf32, #tpu.memory_space<vmem_shared>> -> memref<10112x128xf32, #tpu.memory_space<vmem_shared>>
        tpu.wait_indirect_dma semaphore(%run_scoped3A_188 : memref<!tpu.dma_semaphore, #tpu.memory_space<semaphore_mem>>) src(%dma_wait3A_202 : memref<128x128xf32, #tpu.memory_space<vmem>>) dst(%dma_wait3A_208 : memref<10112x128xf32, #tpu.memory_space<vmem_shared>>)
        tpu.yield
      }) : () -> ()
      %add3A_103 = arith.constant 1 : i32
      %add3A_104 = arith.addi %mul3A_79, %add3A_103 : i32
      %add3A_105 = arith.constant 2 : i32
      %add3A_106 = arith.addi %add3A_104, %add3A_105 : i32
      %sub3A_107 = arith.constant 1 : i32
      %sub3A_108 = arith.subi %add3A_106, %sub3A_107 : i32
      %lt3A_109 = arith.constant 40 : i32
      %lt3A_110 = arith.cmpi slt, %sub3A_108, %lt3A_109 : i32
      %convert_element_type3A_111 = arith.extui %lt3A_110 : i1 to i32
      %cond3A_112 = arith.constant 0 : i32
      %cond3A_113 = arith.cmpi ne, %convert_element_type3A_111, %cond3A_112 : i32
      scf.if %cond3A_113 {
        %add3A_188 = arith.constant 2 : i32
        %add3A_189 = arith.addi %add3A_104, %add3A_188 : i32
        %sub3A_190 = arith.constant 1 : i32
        %sub3A_191 = arith.subi %add3A_189, %sub3A_190 : i32
        %dma_start3A_192 = arith.constant 0 : i32
        %dma_start3A_193 = arith.constant 0 : i32
        %dma_start3A_194 = arith.constant 0 : i32
        %dma_start3A_195 = arith.constant 0 : i32
        %dma_start3A_196 = tpu.memref_slice %arg8[%dma_start3A_193, %dma_start3A_194, %dma_start3A_195] : memref<2x128x128xf32, #tpu.memory_space<vmem>> -> memref<1x128x128xf32, #tpu.memory_space<vmem>>
        %dma_start3A_197 = tpu.memref_squeeze %dma_start3A_196 : memref<1x128x128xf32, #tpu.memory_space<vmem>> -> memref<128x128xf32, #tpu.memory_space<vmem>>
        %dma_start3A_198 = arith.constant 0 : i32
        %dma_start3A_199 = tpu.memref_slice %arg7[%sub3A_191, %dma_start3A_192, %dma_start3A_198] : memref<40x2x128xi32, #tpu.memory_space<vmem>> -> memref<1x1x128xi32, #tpu.memory_space<vmem>>
        %dma_start3A_200 = tpu.memref_squeeze %dma_start3A_199 : memref<1x1x128xi32, #tpu.memory_space<vmem>> -> memref<128xi32, #tpu.memory_space<vmem>>
        %dma_start3A_201 = arith.constant 0 : i32
        %dma_start3A_202 = arith.constant 0 : i32
        %dma_start3A_203 = tpu.memref_slice %arg2[%dma_start3A_201, %dma_start3A_202] : memref<10000x128xf32, #tpu.memory_space<hbm>> -> memref<10000x128xf32, #tpu.memory_space<hbm>>
        tpu.enqueue_indirect_dma source(%dma_start3A_203 : memref<10000x128xf32, #tpu.memory_space<hbm>>) target(%dma_start3A_197 : memref<128x128xf32, #tpu.memory_space<vmem>>) offsets(%dma_start3A_200 : memref<128xi32, #tpu.memory_space<vmem>>) semaphore(%arg10 : memref<!tpu.dma_semaphore, #tpu.memory_space<semaphore_mem>>)
      } else {
      }
      %dma_wait3A_114 = arith.constant 1 : i32
      %dma_wait3A_115 = arith.constant 0 : i32
      %dma_wait3A_116 = arith.constant 0 : i32
      %dma_wait3A_117 = tpu.memref_slice %arg8[%dma_wait3A_114, %dma_wait3A_115, %dma_wait3A_116] : memref<2x128x128xf32, #tpu.memory_space<vmem>> -> memref<1x128x128xf32, #tpu.memory_space<vmem>>
      %dma_wait3A_118 = tpu.memref_squeeze %dma_wait3A_117 : memref<1x128x128xf32, #tpu.memory_space<vmem>> -> memref<128x128xf32, #tpu.memory_space<vmem>>
      %dma_wait3A_119 = arith.constant 0 : i32
      %dma_wait3A_120 = arith.constant 0 : i32
      %dma_wait3A_121 = tpu.memref_slice %arg2[%dma_wait3A_119, %dma_wait3A_120] : memref<10000x128xf32, #tpu.memory_space<hbm>> -> memref<128x128xf32, #tpu.memory_space<hbm>>
      %dma_wait3A_122 = arith.constant 0 : i32
      %dma_wait3A_123 = arith.constant 0 : i32
      %dma_wait3A_124 = tpu.memref_slice %arg8[%dma_wait3A_114, %dma_wait3A_122, %dma_wait3A_123] : memref<2x128x128xf32, #tpu.memory_space<vmem>> -> memref<1x128x128xf32, #tpu.memory_space<vmem>>
      %dma_wait3A_125 = tpu.memref_squeeze %dma_wait3A_124 : memref<1x128x128xf32, #tpu.memory_space<vmem>> -> memref<128x128xf32, #tpu.memory_space<vmem>>
      %dma_wait3A_126 = arith.constant 0 : i32
      %dma_wait3A_127 = arith.constant 0 : i32
      %dma_wait3A_128 = tpu.memref_slice %arg2[%dma_wait3A_126, %dma_wait3A_127] : memref<10000x128xf32, #tpu.memory_space<hbm>> -> memref<128x128xf32, #tpu.memory_space<hbm>>
      tpu.wait_dma2 semaphore(%arg11 : memref<!tpu.dma_semaphore, #tpu.memory_space<semaphore_mem>>) src(%dma_wait3A_128 : memref<128x128xf32, #tpu.memory_space<hbm>>) dst(%dma_wait3A_125 : memref<128x128xf32, #tpu.memory_space<vmem>>)
      %run_scoped3A_129 = arith.constant 1 : i32
      %run_scoped3A_130 = arith.constant 1 : i32
      "tpu.region"() ({
        %run_scoped3A_188 = tpu.sem_alloc : memref<!tpu.dma_semaphore, #tpu.memory_space<semaphore_mem>>
        %dma_start3A_189 = arith.constant 0 : i32
        %dma_start3A_190 = arith.constant 0 : i32
        %dma_start3A_191 = tpu.memref_slice %arg8[%run_scoped3A_129, %dma_start3A_189, %dma_start3A_190] : memref<2x128x128xf32, #tpu.memory_space<vmem>> -> memref<1x128x128xf32, #tpu.memory_space<vmem>>
        %dma_start3A_192 = tpu.memref_squeeze %dma_start3A_191 : memref<1x128x128xf32, #tpu.memory_space<vmem>> -> memref<128x128xf32, #tpu.memory_space<vmem>>
        %dma_start3A_193 = arith.constant 0 : i32
        %dma_start3A_194 = tpu.memref_slice %arg7[%add3A_104, %run_scoped3A_130, %dma_start3A_193] : memref<40x2x128xi32, #tpu.memory_space<vmem>> -> memref<1x1x128xi32, #tpu.memory_space<vmem>>
        %dma_start3A_195 = tpu.memref_squeeze %dma_start3A_194 : memref<1x1x128xi32, #tpu.memory_space<vmem>> -> memref<128xi32, #tpu.memory_space<vmem>>
        %dma_start3A_196 = arith.constant 0 : i32
        %dma_start3A_197 = arith.constant 0 : i32
        %dma_start3A_198 = tpu.memref_slice %arg6[%dma_start3A_196, %dma_start3A_197] : memref<10112x128xf32, #tpu.memory_space<vmem_shared>> -> memref<10112x128xf32, #tpu.memory_space<vmem_shared>>
        tpu.enqueue_indirect_dma source(%dma_start3A_192 : memref<128x128xf32, #tpu.memory_space<vmem>>) target(%dma_start3A_198 : memref<10112x128xf32, #tpu.memory_space<vmem_shared>>) offsets(%dma_start3A_195 : memref<128xi32, #tpu.memory_space<vmem>>) semaphore(%run_scoped3A_188 : memref<!tpu.dma_semaphore, #tpu.memory_space<semaphore_mem>>) {add = true}
        %dma_wait3A_199 = arith.constant 0 : i32
        %dma_wait3A_200 = arith.constant 0 : i32
        %dma_wait3A_201 = tpu.memref_slice %arg8[%run_scoped3A_129, %dma_wait3A_199, %dma_wait3A_200] : memref<2x128x128xf32, #tpu.memory_space<vmem>> -> memref<1x128x128xf32, #tpu.memory_space<vmem>>
        %dma_wait3A_202 = tpu.memref_squeeze %dma_wait3A_201 : memref<1x128x128xf32, #tpu.memory_space<vmem>> -> memref<128x128xf32, #tpu.memory_space<vmem>>
        %dma_wait3A_203 = arith.constant 0 : i32
        %dma_wait3A_204 = tpu.memref_slice %arg7[%add3A_104, %run_scoped3A_130, %dma_wait3A_203] : memref<40x2x128xi32, #tpu.memory_space<vmem>> -> memref<1x1x128xi32, #tpu.memory_space<vmem>>
        %dma_wait3A_205 = tpu.memref_squeeze %dma_wait3A_204 : memref<1x1x128xi32, #tpu.memory_space<vmem>> -> memref<128xi32, #tpu.memory_space<vmem>>
        %dma_wait3A_206 = arith.constant 0 : i32
        %dma_wait3A_207 = arith.constant 0 : i32
        %dma_wait3A_208 = tpu.memref_slice %arg6[%dma_wait3A_206, %dma_wait3A_207] : memref<10112x128xf32, #tpu.memory_space<vmem_shared>> -> memref<10112x128xf32, #tpu.memory_space<vmem_shared>>
        tpu.wait_indirect_dma semaphore(%run_scoped3A_188 : memref<!tpu.dma_semaphore, #tpu.memory_space<semaphore_mem>>) src(%dma_wait3A_202 : memref<128x128xf32, #tpu.memory_space<vmem>>) dst(%dma_wait3A_208 : memref<10112x128xf32, #tpu.memory_space<vmem_shared>>)
        tpu.yield
      }) : () -> ()
      %add3A_131 = arith.constant 2 : i32
      %add3A_132 = arith.addi %mul3A_79, %add3A_131 : i32
      %add3A_133 = arith.constant 2 : i32
      %add3A_134 = arith.addi %add3A_132, %add3A_133 : i32
      %sub3A_135 = arith.constant 1 : i32
      %sub3A_136 = arith.subi %add3A_134, %sub3A_135 : i32
      %lt3A_137 = arith.constant 40 : i32
      %lt3A_138 = arith.cmpi slt, %sub3A_136, %lt3A_137 : i32
      %convert_element_type3A_139 = arith.extui %lt3A_138 : i1 to i32
      %cond3A_140 = arith.constant 0 : i32
      %cond3A_141 = arith.cmpi ne, %convert_element_type3A_139, %cond3A_140 : i32
      scf.if %cond3A_141 {
        %add3A_188 = arith.constant 2 : i32
        %add3A_189 = arith.addi %add3A_132, %add3A_188 : i32
        %sub3A_190 = arith.constant 1 : i32
        %sub3A_191 = arith.subi %add3A_189, %sub3A_190 : i32
        %dma_start3A_192 = arith.constant 0 : i32
        %dma_start3A_193 = arith.constant 1 : i32
        %dma_start3A_194 = arith.constant 0 : i32
        %dma_start3A_195 = arith.constant 0 : i32
        %dma_start3A_196 = tpu.memref_slice %arg8[%dma_start3A_193, %dma_start3A_194, %dma_start3A_195] : memref<2x128x128xf32, #tpu.memory_space<vmem>> -> memref<1x128x128xf32, #tpu.memory_space<vmem>>
        %dma_start3A_197 = tpu.memref_squeeze %dma_start3A_196 : memref<1x128x128xf32, #tpu.memory_space<vmem>> -> memref<128x128xf32, #tpu.memory_space<vmem>>
        %dma_start3A_198 = arith.constant 0 : i32
        %dma_start3A_199 = tpu.memref_slice %arg7[%sub3A_191, %dma_start3A_192, %dma_start3A_198] : memref<40x2x128xi32, #tpu.memory_space<vmem>> -> memref<1x1x128xi32, #tpu.memory_space<vmem>>
        %dma_start3A_200 = tpu.memref_squeeze %dma_start3A_199 : memref<1x1x128xi32, #tpu.memory_space<vmem>> -> memref<128xi32, #tpu.memory_space<vmem>>
        %dma_start3A_201 = arith.constant 0 : i32
        %dma_start3A_202 = arith.constant 0 : i32
        %dma_start3A_203 = tpu.memref_slice %arg2[%dma_start3A_201, %dma_start3A_202] : memref<10000x128xf32, #tpu.memory_space<hbm>> -> memref<10000x128xf32, #tpu.memory_space<hbm>>
        tpu.enqueue_indirect_dma source(%dma_start3A_203 : memref<10000x128xf32, #tpu.memory_space<hbm>>) target(%dma_start3A_197 : memref<128x128xf32, #tpu.memory_space<vmem>>) offsets(%dma_start3A_200 : memref<128xi32, #tpu.memory_space<vmem>>) semaphore(%arg11 : memref<!tpu.dma_semaphore, #tpu.memory_space<semaphore_mem>>)
      } else {
      }
      %dma_wait3A_142 = arith.constant 0 : i32
      %dma_wait3A_143 = arith.constant 0 : i32
      %dma_wait3A_144 = arith.constant 0 : i32
      %dma_wait3A_145 = tpu.memref_slice %arg8[%dma_wait3A_142, %dma_wait3A_143, %dma_wait3A_144] : memref<2x128x128xf32, #tpu.memory_space<vmem>> -> memref<1x128x128xf32, #tpu.memory_space<vmem>>
      %dma_wait3A_146 = tpu.memref_squeeze %dma_wait3A_145 : memref<1x128x128xf32, #tpu.memory_space<vmem>> -> memref<128x128xf32, #tpu.memory_space<vmem>>
      %dma_wait3A_147 = arith.constant 0 : i32
      %dma_wait3A_148 = arith.constant 0 : i32
      %dma_wait3A_149 = tpu.memref_slice %arg2[%dma_wait3A_147, %dma_wait3A_148] : memref<10000x128xf32, #tpu.memory_space<hbm>> -> memref<128x128xf32, #tpu.memory_space<hbm>>
      %dma_wait3A_150 = arith.constant 0 : i32
      %dma_wait3A_151 = arith.constant 0 : i32
      %dma_wait3A_152 = tpu.memref_slice %arg8[%dma_wait3A_142, %dma_wait3A_150, %dma_wait3A_151] : memref<2x128x128xf32, #tpu.memory_space<vmem>> -> memref<1x128x128xf32, #tpu.memory_space<vmem>>
      %dma_wait3A_153 = tpu.memref_squeeze %dma_wait3A_152 : memref<1x128x128xf32, #tpu.memory_space<vmem>> -> memref<128x128xf32, #tpu.memory_space<vmem>>
      %dma_wait3A_154 = arith.constant 0 : i32
      %dma_wait3A_155 = arith.constant 0 : i32
      %dma_wait3A_156 = tpu.memref_slice %arg2[%dma_wait3A_154, %dma_wait3A_155] : memref<10000x128xf32, #tpu.memory_space<hbm>> -> memref<128x128xf32, #tpu.memory_space<hbm>>
      tpu.wait_dma2 semaphore(%arg10 : memref<!tpu.dma_semaphore, #tpu.memory_space<semaphore_mem>>) src(%dma_wait3A_156 : memref<128x128xf32, #tpu.memory_space<hbm>>) dst(%dma_wait3A_153 : memref<128x128xf32, #tpu.memory_space<vmem>>)
      %run_scoped3A_157 = arith.constant 0 : i32
      %run_scoped3A_158 = arith.constant 1 : i32
      "tpu.region"() ({
        %run_scoped3A_188 = tpu.sem_alloc : memref<!tpu.dma_semaphore, #tpu.memory_space<semaphore_mem>>
        %dma_start3A_189 = arith.constant 0 : i32
        %dma_start3A_190 = arith.constant 0 : i32
        %dma_start3A_191 = tpu.memref_slice %arg8[%run_scoped3A_157, %dma_start3A_189, %dma_start3A_190] : memref<2x128x128xf32, #tpu.memory_space<vmem>> -> memref<1x128x128xf32, #tpu.memory_space<vmem>>
        %dma_start3A_192 = tpu.memref_squeeze %dma_start3A_191 : memref<1x128x128xf32, #tpu.memory_space<vmem>> -> memref<128x128xf32, #tpu.memory_space<vmem>>
        %dma_start3A_193 = arith.constant 0 : i32
        %dma_start3A_194 = tpu.memref_slice %arg7[%add3A_132, %run_scoped3A_158, %dma_start3A_193] : memref<40x2x128xi32, #tpu.memory_space<vmem>> -> memref<1x1x128xi32, #tpu.memory_space<vmem>>
        %dma_start3A_195 = tpu.memref_squeeze %dma_start3A_194 : memref<1x1x128xi32, #tpu.memory_space<vmem>> -> memref<128xi32, #tpu.memory_space<vmem>>
        %dma_start3A_196 = arith.constant 0 : i32
        %dma_start3A_197 = arith.constant 0 : i32
        %dma_start3A_198 = tpu.memref_slice %arg6[%dma_start3A_196, %dma_start3A_197] : memref<10112x128xf32, #tpu.memory_space<vmem_shared>> -> memref<10112x128xf32, #tpu.memory_space<vmem_shared>>
        tpu.enqueue_indirect_dma source(%dma_start3A_192 : memref<128x128xf32, #tpu.memory_space<vmem>>) target(%dma_start3A_198 : memref<10112x128xf32, #tpu.memory_space<vmem_shared>>) offsets(%dma_start3A_195 : memref<128xi32, #tpu.memory_space<vmem>>) semaphore(%run_scoped3A_188 : memref<!tpu.dma_semaphore, #tpu.memory_space<semaphore_mem>>) {add = true}
        %dma_wait3A_199 = arith.constant 0 : i32
        %dma_wait3A_200 = arith.constant 0 : i32
        %dma_wait3A_201 = tpu.memref_slice %arg8[%run_scoped3A_157, %dma_wait3A_199, %dma_wait3A_200] : memref<2x128x128xf32, #tpu.memory_space<vmem>> -> memref<1x128x128xf32, #tpu.memory_space<vmem>>
        %dma_wait3A_202 = tpu.memref_squeeze %dma_wait3A_201 : memref<1x128x128xf32, #tpu.memory_space<vmem>> -> memref<128x128xf32, #tpu.memory_space<vmem>>
        %dma_wait3A_203 = arith.constant 0 : i32
        %dma_wait3A_204 = tpu.memref_slice %arg7[%add3A_132, %run_scoped3A_158, %dma_wait3A_203] : memref<40x2x128xi32, #tpu.memory_space<vmem>> -> memref<1x1x128xi32, #tpu.memory_space<vmem>>
        %dma_wait3A_205 = tpu.memref_squeeze %dma_wait3A_204 : memref<1x1x128xi32, #tpu.memory_space<vmem>> -> memref<128xi32, #tpu.memory_space<vmem>>
        %dma_wait3A_206 = arith.constant 0 : i32
        %dma_wait3A_207 = arith.constant 0 : i32
        %dma_wait3A_208 = tpu.memref_slice %arg6[%dma_wait3A_206, %dma_wait3A_207] : memref<10112x128xf32, #tpu.memory_space<vmem_shared>> -> memref<10112x128xf32, #tpu.memory_space<vmem_shared>>
        tpu.wait_indirect_dma semaphore(%run_scoped3A_188 : memref<!tpu.dma_semaphore, #tpu.memory_space<semaphore_mem>>) src(%dma_wait3A_202 : memref<128x128xf32, #tpu.memory_space<vmem>>) dst(%dma_wait3A_208 : memref<10112x128xf32, #tpu.memory_space<vmem_shared>>)
        tpu.yield
      }) : () -> ()
      %add3A_159 = arith.constant 3 : i32
      %add3A_160 = arith.addi %mul3A_79, %add3A_159 : i32
      %add3A_161 = arith.constant 2 : i32
      %add3A_162 = arith.addi %add3A_160, %add3A_161 : i32
      %sub3A_163 = arith.constant 1 : i32
      %sub3A_164 = arith.subi %add3A_162, %sub3A_163 : i32
      %lt3A_165 = arith.constant 40 : i32
      %lt3A_166 = arith.cmpi slt, %sub3A_164, %lt3A_165 : i32
      %convert_element_type3A_167 = arith.extui %lt3A_166 : i1 to i32
      %cond3A_168 = arith.constant 0 : i32
      %cond3A_169 = arith.cmpi ne, %convert_element_type3A_167, %cond3A_168 : i32
      scf.if %cond3A_169 {
        %add3A_188 = arith.constant 2 : i32
        %add3A_189 = arith.addi %add3A_160, %add3A_188 : i32
        %sub3A_190 = arith.constant 1 : i32
        %sub3A_191 = arith.subi %add3A_189, %sub3A_190 : i32
        %dma_start3A_192 = arith.constant 0 : i32
        %dma_start3A_193 = arith.constant 0 : i32
        %dma_start3A_194 = arith.constant 0 : i32
        %dma_start3A_195 = arith.constant 0 : i32
        %dma_start3A_196 = tpu.memref_slice %arg8[%dma_start3A_193, %dma_start3A_194, %dma_start3A_195] : memref<2x128x128xf32, #tpu.memory_space<vmem>> -> memref<1x128x128xf32, #tpu.memory_space<vmem>>
        %dma_start3A_197 = tpu.memref_squeeze %dma_start3A_196 : memref<1x128x128xf32, #tpu.memory_space<vmem>> -> memref<128x128xf32, #tpu.memory_space<vmem>>
        %dma_start3A_198 = arith.constant 0 : i32
        %dma_start3A_199 = tpu.memref_slice %arg7[%sub3A_191, %dma_start3A_192, %dma_start3A_198] : memref<40x2x128xi32, #tpu.memory_space<vmem>> -> memref<1x1x128xi32, #tpu.memory_space<vmem>>
        %dma_start3A_200 = tpu.memref_squeeze %dma_start3A_199 : memref<1x1x128xi32, #tpu.memory_space<vmem>> -> memref<128xi32, #tpu.memory_space<vmem>>
        %dma_start3A_201 = arith.constant 0 : i32
        %dma_start3A_202 = arith.constant 0 : i32
        %dma_start3A_203 = tpu.memref_slice %arg2[%dma_start3A_201, %dma_start3A_202] : memref<10000x128xf32, #tpu.memory_space<hbm>> -> memref<10000x128xf32, #tpu.memory_space<hbm>>
        tpu.enqueue_indirect_dma source(%dma_start3A_203 : memref<10000x128xf32, #tpu.memory_space<hbm>>) target(%dma_start3A_197 : memref<128x128xf32, #tpu.memory_space<vmem>>) offsets(%dma_start3A_200 : memref<128xi32, #tpu.memory_space<vmem>>) semaphore(%arg10 : memref<!tpu.dma_semaphore, #tpu.memory_space<semaphore_mem>>)
      } else {
      }
      %dma_wait3A_170 = arith.constant 1 : i32
      %dma_wait3A_171 = arith.constant 0 : i32
      %dma_wait3A_172 = arith.constant 0 : i32
      %dma_wait3A_173 = tpu.memref_slice %arg8[%dma_wait3A_170, %dma_wait3A_171, %dma_wait3A_172] : memref<2x128x128xf32, #tpu.memory_space<vmem>> -> memref<1x128x128xf32, #tpu.memory_space<vmem>>
      %dma_wait3A_174 = tpu.memref_squeeze %dma_wait3A_173 : memref<1x128x128xf32, #tpu.memory_space<vmem>> -> memref<128x128xf32, #tpu.memory_space<vmem>>
      %dma_wait3A_175 = arith.constant 0 : i32
      %dma_wait3A_176 = arith.constant 0 : i32
      %dma_wait3A_177 = tpu.memref_slice %arg2[%dma_wait3A_175, %dma_wait3A_176] : memref<10000x128xf32, #tpu.memory_space<hbm>> -> memref<128x128xf32, #tpu.memory_space<hbm>>
      %dma_wait3A_178 = arith.constant 0 : i32
      %dma_wait3A_179 = arith.constant 0 : i32
      %dma_wait3A_180 = tpu.memref_slice %arg8[%dma_wait3A_170, %dma_wait3A_178, %dma_wait3A_179] : memref<2x128x128xf32, #tpu.memory_space<vmem>> -> memref<1x128x128xf32, #tpu.memory_space<vmem>>
      %dma_wait3A_181 = tpu.memref_squeeze %dma_wait3A_180 : memref<1x128x128xf32, #tpu.memory_space<vmem>> -> memref<128x128xf32, #tpu.memory_space<vmem>>
      %dma_wait3A_182 = arith.constant 0 : i32
      %dma_wait3A_183 = arith.constant 0 : i32
      %dma_wait3A_184 = tpu.memref_slice %arg2[%dma_wait3A_182, %dma_wait3A_183] : memref<10000x128xf32, #tpu.memory_space<hbm>> -> memref<128x128xf32, #tpu.memory_space<hbm>>
      tpu.wait_dma2 semaphore(%arg11 : memref<!tpu.dma_semaphore, #tpu.memory_space<semaphore_mem>>) src(%dma_wait3A_184 : memref<128x128xf32, #tpu.memory_space<hbm>>) dst(%dma_wait3A_181 : memref<128x128xf32, #tpu.memory_space<vmem>>)
      %run_scoped3A_185 = arith.constant 1 : i32
      %run_scoped3A_186 = arith.constant 1 : i32
      "tpu.region"() ({
        %run_scoped3A_188 = tpu.sem_alloc : memref<!tpu.dma_semaphore, #tpu.memory_space<semaphore_mem>>
        %dma_start3A_189 = arith.constant 0 : i32
        %dma_start3A_190 = arith.constant 0 : i32
        %dma_start3A_191 = tpu.memref_slice %arg8[%run_scoped3A_185, %dma_start3A_189, %dma_start3A_190] : memref<2x128x128xf32, #tpu.memory_space<vmem>> -> memref<1x128x128xf32, #tpu.memory_space<vmem>>
        %dma_start3A_192 = tpu.memref_squeeze %dma_start3A_191 : memref<1x128x128xf32, #tpu.memory_space<vmem>> -> memref<128x128xf32, #tpu.memory_space<vmem>>
        %dma_start3A_193 = arith.constant 0 : i32
        %dma_start3A_194 = tpu.memref_slice %arg7[%add3A_160, %run_scoped3A_186, %dma_start3A_193] : memref<40x2x128xi32, #tpu.memory_space<vmem>> -> memref<1x1x128xi32, #tpu.memory_space<vmem>>
        %dma_start3A_195 = tpu.memref_squeeze %dma_start3A_194 : memref<1x1x128xi32, #tpu.memory_space<vmem>> -> memref<128xi32, #tpu.memory_space<vmem>>
        %dma_start3A_196 = arith.constant 0 : i32
        %dma_start3A_197 = arith.constant 0 : i32
        %dma_start3A_198 = tpu.memref_slice %arg6[%dma_start3A_196, %dma_start3A_197] : memref<10112x128xf32, #tpu.memory_space<vmem_shared>> -> memref<10112x128xf32, #tpu.memory_space<vmem_shared>>
        tpu.enqueue_indirect_dma source(%dma_start3A_192 : memref<128x128xf32, #tpu.memory_space<vmem>>) target(%dma_start3A_198 : memref<10112x128xf32, #tpu.memory_space<vmem_shared>>) offsets(%dma_start3A_195 : memref<128xi32, #tpu.memory_space<vmem>>) semaphore(%run_scoped3A_188 : memref<!tpu.dma_semaphore, #tpu.memory_space<semaphore_mem>>) {add = true}
        %dma_wait3A_199 = arith.constant 0 : i32
        %dma_wait3A_200 = arith.constant 0 : i32
        %dma_wait3A_201 = tpu.memref_slice %arg8[%run_scoped3A_185, %dma_wait3A_199, %dma_wait3A_200] : memref<2x128x128xf32, #tpu.memory_space<vmem>> -> memref<1x128x128xf32, #tpu.memory_space<vmem>>
        %dma_wait3A_202 = tpu.memref_squeeze %dma_wait3A_201 : memref<1x128x128xf32, #tpu.memory_space<vmem>> -> memref<128x128xf32, #tpu.memory_space<vmem>>
        %dma_wait3A_203 = arith.constant 0 : i32
        %dma_wait3A_204 = tpu.memref_slice %arg7[%add3A_160, %run_scoped3A_186, %dma_wait3A_203] : memref<40x2x128xi32, #tpu.memory_space<vmem>> -> memref<1x1x128xi32, #tpu.memory_space<vmem>>
        %dma_wait3A_205 = tpu.memref_squeeze %dma_wait3A_204 : memref<1x1x128xi32, #tpu.memory_space<vmem>> -> memref<128xi32, #tpu.memory_space<vmem>>
        %dma_wait3A_206 = arith.constant 0 : i32
        %dma_wait3A_207 = arith.constant 0 : i32
        %dma_wait3A_208 = tpu.memref_slice %arg6[%dma_wait3A_206, %dma_wait3A_207] : memref<10112x128xf32, #tpu.memory_space<vmem_shared>> -> memref<10112x128xf32, #tpu.memory_space<vmem_shared>>
        tpu.wait_indirect_dma semaphore(%run_scoped3A_188 : memref<!tpu.dma_semaphore, #tpu.memory_space<semaphore_mem>>) src(%dma_wait3A_202 : memref<128x128xf32, #tpu.memory_space<vmem>>) dst(%dma_wait3A_208 : memref<10112x128xf32, #tpu.memory_space<vmem_shared>>)
        tpu.yield
      }) : () -> ()
      %scan3A_187 = arith.constant 0 : i32
      scf.yield %scan3A_187 : i32
    }
    %scan3A_74 = arith.constant 10 : i32
    %barrier3A_75 = arith.constant 0 : index
    tpu.barrier barrier_id(%barrier3A_75)
    "tpu.region"() ({
      %run_scoped3A = tpu.sem_alloc : memref<!tpu.dma_semaphore, #tpu.memory_space<semaphore_mem>>
      %dma_start3A_76 = arith.constant 0 : i32
      %dma_start3A_77 = tpu.memref_slice %arg4[%arg0, %mul3A_0, %dma_start3A_76] : memref<2x10112x128xf32, #tpu.memory_space<hbm>> -> memref<1x632x128xf32, #tpu.memory_space<hbm>>
      %dma_start3A_78 = tpu.memref_squeeze %dma_start3A_77 : memref<1x632x128xf32, #tpu.memory_space<hbm>> -> memref<632x128xf32, #tpu.memory_space<hbm>>
      %dma_start3A_79 = arith.constant 0 : i32
      %dma_start3A_80 = tpu.memref_slice %arg6[%mul3A_0, %dma_start3A_79] : memref<10112x128xf32, #tpu.memory_space<vmem_shared>> -> memref<632x128xf32, #tpu.memory_space<vmem_shared>>
      tpu.enqueue_dma source(%dma_start3A_80 : memref<632x128xf32, #tpu.memory_space<vmem_shared>>) target(%dma_start3A_78 : memref<632x128xf32, #tpu.memory_space<hbm>>) target_semaphore(%run_scoped3A : memref<!tpu.dma_semaphore, #tpu.memory_space<semaphore_mem>>)
      %dma_wait3A_81 = arith.constant 0 : i32
      %dma_wait3A_82 = tpu.memref_slice %arg4[%arg0, %mul3A_0, %dma_wait3A_81] : memref<2x10112x128xf32, #tpu.memory_space<hbm>> -> memref<1x632x128xf32, #tpu.memory_space<hbm>>
      %dma_wait3A_83 = tpu.memref_squeeze %dma_wait3A_82 : memref<1x632x128xf32, #tpu.memory_space<hbm>> -> memref<632x128xf32, #tpu.memory_space<hbm>>
      %dma_wait3A_84 = arith.constant 0 : i32
      %dma_wait3A_85 = tpu.memref_slice %arg6[%mul3A_0, %dma_wait3A_84] : memref<10112x128xf32, #tpu.memory_space<vmem_shared>> -> memref<632x128xf32, #tpu.memory_space<vmem_shared>>
      tpu.wait_dma2 semaphore(%run_scoped3A : memref<!tpu.dma_semaphore, #tpu.memory_space<semaphore_mem>>) src(%dma_wait3A_85 : memref<632x128xf32, #tpu.memory_space<vmem_shared>>) dst(%dma_wait3A_83 : memref<632x128xf32, #tpu.memory_space<hbm>>)
      tpu.yield
    }) : () -> ()
    return
  }
}

module attributes {stable_mosaic.version = 14 : i64} {
  func.func @body(%arg0: i32, %arg1: memref<2x1000x128xf32, #tpu.memory_space<vmem>>, %arg2: memref<2x1000x128xf32, #tpu.memory_space<vmem>>, %arg3: memref<1000x128xf32, #tpu.memory_space<vmem>>, %arg4: memref<128x128xf32, #tpu.memory_space<vmem>>, %arg5: memref<1x128xf32, #tpu.memory_space<vmem>>, %arg6: memref<128x128xf32, #tpu.memory_space<vmem>>, %arg7: memref<1000x128xf32, #tpu.memory_space<vmem>>) attributes {dimension_semantics = [#tpu.dimension_semantics<arbitrary>], iteration_bounds = array<i64: 10>, scalar_prefetch = 0 : i64, scratch_operands = 0 : i64, tpu.core_type = #tpu.core_type<tc>, window_params = [{transform_indices = @transform_0, window_bounds = array<i64: 2, 1000, 128>}, {transform_indices = @transform_1, window_bounds = array<i64: 2, 1000, 128>}, {transform_indices = @transform_2, window_bounds = array<i64: 1000, 128>}, {pipeline_mode = #tpu.pipeline_mode<synchronous>, transform_indices = @transform_3, window_bounds = array<i64: 128, 128>}, {pipeline_mode = #tpu.pipeline_mode<synchronous>, transform_indices = @transform_4, window_bounds = array<i64: 1, 128>}, {pipeline_mode = #tpu.pipeline_mode<synchronous>, transform_indices = @transform_5, window_bounds = array<i64: 128, 128>}, {transform_indices = @transform_6, window_bounds = array<i64: 1000, 128>}]} {
    %get3A = arith.constant 0 : index
    %get3A_0 = arith.constant 0 : index
    %get3A_1 = arith.constant 0 : index
    %get3A_2 = vector.load %arg1[%get3A, %get3A_0, %get3A_1] : memref<2x1000x128xf32, #tpu.memory_space<vmem>>, vector<1x1000x128xf32>
    %get3A_3 = vector.shape_cast %get3A_2 : vector<1x1000x128xf32> to vector<1000x128xf32>
    %get3A_4 = arith.constant 1 : index
    %get3A_5 = arith.constant 0 : index
    %get3A_6 = arith.constant 0 : index
    %get3A_7 = vector.load %arg1[%get3A_4, %get3A_5, %get3A_6] : memref<2x1000x128xf32, #tpu.memory_space<vmem>>, vector<1x1000x128xf32>
    %get3A_8 = vector.shape_cast %get3A_7 : vector<1x1000x128xf32> to vector<1000x128xf32>
    %add3A = arith.addf %get3A_3, %get3A_8 : vector<1000x128xf32>
    %get3A_9 = arith.constant 0 : index
    %get3A_10 = arith.constant 0 : index
    %get3A_11 = arith.constant 0 : index
    %get3A_12 = vector.load %arg2[%get3A_9, %get3A_10, %get3A_11] : memref<2x1000x128xf32, #tpu.memory_space<vmem>>, vector<1x1000x1xf32>
    %get3A_13 = vector.shape_cast %get3A_12 : vector<1x1000x1xf32> to vector<1000x1xf32>
    %get3A_14 = arith.constant 1 : index
    %get3A_15 = arith.constant 0 : index
    %get3A_16 = arith.constant 0 : index
    %get3A_17 = vector.load %arg2[%get3A_14, %get3A_15, %get3A_16] : memref<2x1000x128xf32, #tpu.memory_space<vmem>>, vector<1x1000x1xf32>
    %get3A_18 = vector.shape_cast %get3A_17 : vector<1x1000x1xf32> to vector<1000x1xf32>
    %add3A_19 = arith.addf %get3A_13, %get3A_18 : vector<1000x1xf32>
    %max3A = arith.constant 1.000000e+00 : f32
    %max3A_20 = vector.broadcast %max3A : f32 to vector<1000x1xf32>
    %max3A_21 = arith.maximumf %add3A_19, %max3A_20 : vector<1000x1xf32>
    %div3A = arith.constant 1.000000e+00 : f32
    %div3A_22 = vector.broadcast %div3A : f32 to vector<1000x1xf32>
    %div3A_23 = arith.divf %div3A_22, %max3A_21 : vector<1000x1xf32>
    %mul3A = vector.broadcast %div3A_23 : vector<1000x1xf32> to vector<1000x128xf32>
    %mul3A_24 = arith.mulf %add3A, %mul3A : vector<1000x128xf32>
    %get3A_25 = arith.constant 0 : index
    %get3A_26 = arith.constant 0 : index
    %get3A_27 = vector.load %arg4[%get3A_25, %get3A_26] : memref<128x128xf32, #tpu.memory_space<vmem>>, vector<128x128xf32>
    %dot_general3A = arith.constant dense<0.000000e+00> : vector<1000x128xf32>
    %dot_general3A_28 = tpu.matmul %mul3A_24, %get3A_27, %dot_general3A {dimension_numbers = #tpu.dot_dimension_numbers<[1], [0], [0], [1], [0, 0, 1, 1], [], []>, transpose_lhs_hint = false} : vector<1000x128xf32>, vector<128x128xf32>, vector<1000x128xf32> -> vector<1000x128xf32>
    %get3A_29 = arith.constant 0 : index
    %get3A_30 = arith.constant 0 : index
    %get3A_31 = vector.load %arg5[%get3A_29, %get3A_30] : memref<1x128xf32, #tpu.memory_space<vmem>>, vector<1x128xf32>
    %add3A_32 = vector.broadcast %get3A_31 : vector<1x128xf32> to vector<1000x128xf32>
    %add3A_33 = arith.addf %dot_general3A_28, %add3A_32 : vector<1000x128xf32>
    %get3A_34 = arith.constant 0 : index
    %get3A_35 = arith.constant 0 : index
    %get3A_36 = vector.load %arg3[%get3A_34, %get3A_35] : memref<1000x128xf32, #tpu.memory_space<vmem>>, vector<1000x128xf32>
    %get3A_37 = arith.constant 0 : index
    %get3A_38 = arith.constant 0 : index
    %get3A_39 = vector.load %arg6[%get3A_37, %get3A_38] : memref<128x128xf32, #tpu.memory_space<vmem>>, vector<128x128xf32>
    %dot_general3A_40 = arith.constant dense<0.000000e+00> : vector<1000x128xf32>
    %dot_general3A_41 = tpu.matmul %get3A_36, %get3A_39, %dot_general3A_40 {dimension_numbers = #tpu.dot_dimension_numbers<[1], [0], [0], [1], [0, 0, 1, 1], [], []>, transpose_lhs_hint = false} : vector<1000x128xf32>, vector<128x128xf32>, vector<1000x128xf32> -> vector<1000x128xf32>
    %add3A_42 = arith.addf %add3A_33, %dot_general3A_41 : vector<1000x128xf32>
    %max3A_43 = arith.constant 0.000000e+00 : f32
    %max3A_44 = vector.broadcast %max3A_43 : f32 to vector<1000x128xf32>
    %max3A_45 = arith.maximumf %add3A_42, %max3A_44 : vector<1000x128xf32>
    %swap3A = arith.constant 0 : index
    %swap3A_46 = arith.constant 0 : index
    %swap3A_47 = vector.load %arg7[%swap3A, %swap3A_46] : memref<1000x128xf32, #tpu.memory_space<vmem>>, vector<1000x128xf32>
    tpu.vector_store %arg7[%swap3A, %swap3A_46], %max3A_45 {strides = array<i32>} : memref<1000x128xf32, #tpu.memory_space<vmem>>, vector<1000x128xf32>,
    return
  }
  func.func @transform_0(%arg0: i32) -> (i32, i32, i32) {
    %c0_i32 = arith.constant 0 : i32
    %c0_i32_0 = arith.constant 0 : i32
    %c0_i32_1 = arith.constant 0 : i32
    return %c0_i32, %arg0, %c0_i32_0 : i32, i32, i32
  }
  func.func @transform_1(%arg0: i32) -> (i32, i32, i32) {
    %c0_i32 = arith.constant 0 : i32
    %c0_i32_0 = arith.constant 0 : i32
    %c0_i32_1 = arith.constant 0 : i32
    return %c0_i32, %arg0, %c0_i32_0 : i32, i32, i32
  }
  func.func @transform_2(%arg0: i32) -> (i32, i32) {
    %c0_i32 = arith.constant 0 : i32
    %c0_i32_0 = arith.constant 0 : i32
    return %arg0, %c0_i32 : i32, i32
  }
  func.func @transform_3(%arg0: i32) -> (i32, i32) {
    %c0_i32 = arith.constant 0 : i32
    %c0_i32_0 = arith.constant 0 : i32
    %c0_i32_1 = arith.constant 0 : i32
    return %c0_i32, %c0_i32_0 : i32, i32
  }
  func.func @transform_4(%arg0: i32) -> (i32, i32) {
    %c0_i32 = arith.constant 0 : i32
    %c0_i32_0 = arith.constant 0 : i32
    %c0_i32_1 = arith.constant 0 : i32
    return %c0_i32, %c0_i32_0 : i32, i32
  }
  func.func @transform_5(%arg0: i32) -> (i32, i32) {
    %c0_i32 = arith.constant 0 : i32
    %c0_i32_0 = arith.constant 0 : i32
    %c0_i32_1 = arith.constant 0 : i32
    return %c0_i32, %c0_i32_0 : i32, i32
  }
  func.func @transform_6(%arg0: i32) -> (i32, i32) {
    %c0_i32 = arith.constant 0 : i32
    %c0_i32_0 = arith.constant 0 : i32
    return %arg0, %c0_i32 : i32, i32
  }
}

module attributes {stable_mosaic.version = 14 : i64} {
  func.func @body(%arg0: i32, %arg1: memref<2x1000x128xf32, #tpu.memory_space<vmem>>, %arg2: memref<2x1000x128xf32, #tpu.memory_space<vmem>>, %arg3: memref<1000x128xf32, #tpu.memory_space<vmem>>, %arg4: memref<128x128xf32, #tpu.memory_space<vmem>>, %arg5: memref<1x128xf32, #tpu.memory_space<vmem>>, %arg6: memref<128x128xf32, #tpu.memory_space<vmem>>, %arg7: memref<1000x128xf32, #tpu.memory_space<vmem>>) attributes {dimension_semantics = [#tpu.dimension_semantics<arbitrary>], iteration_bounds = array<i64: 10>, scalar_prefetch = 0 : i64, scratch_operands = 0 : i64, tpu.core_type = #tpu.core_type<tc>, window_params = [{transform_indices = @transform_0, window_bounds = array<i64: 2, 1000, 128>}, {transform_indices = @transform_1, window_bounds = array<i64: 2, 1000, 128>}, {transform_indices = @transform_2, window_bounds = array<i64: 1000, 128>}, {pipeline_mode = #tpu.pipeline_mode<synchronous>, transform_indices = @transform_3, window_bounds = array<i64: 128, 128>}, {pipeline_mode = #tpu.pipeline_mode<synchronous>, transform_indices = @transform_4, window_bounds = array<i64: 1, 128>}, {pipeline_mode = #tpu.pipeline_mode<synchronous>, transform_indices = @transform_5, window_bounds = array<i64: 128, 128>}, {transform_indices = @transform_6, window_bounds = array<i64: 1000, 128>}]} {
    %get3A = arith.constant 0 : index
    %get3A_0 = arith.constant 0 : index
    %get3A_1 = arith.constant 0 : index
    %get3A_2 = vector.load %arg1[%get3A, %get3A_0, %get3A_1] : memref<2x1000x128xf32, #tpu.memory_space<vmem>>, vector<1x1000x128xf32>
    %get3A_3 = vector.shape_cast %get3A_2 : vector<1x1000x128xf32> to vector<1000x128xf32>
    %get3A_4 = arith.constant 1 : index
    %get3A_5 = arith.constant 0 : index
    %get3A_6 = arith.constant 0 : index
    %get3A_7 = vector.load %arg1[%get3A_4, %get3A_5, %get3A_6] : memref<2x1000x128xf32, #tpu.memory_space<vmem>>, vector<1x1000x128xf32>
    %get3A_8 = vector.shape_cast %get3A_7 : vector<1x1000x128xf32> to vector<1000x128xf32>
    %add3A = arith.addf %get3A_3, %get3A_8 : vector<1000x128xf32>
    %get3A_9 = arith.constant 0 : index
    %get3A_10 = arith.constant 0 : index
    %get3A_11 = arith.constant 0 : index
    %get3A_12 = vector.load %arg2[%get3A_9, %get3A_10, %get3A_11] : memref<2x1000x128xf32, #tpu.memory_space<vmem>>, vector<1x1000x1xf32>
    %get3A_13 = vector.shape_cast %get3A_12 : vector<1x1000x1xf32> to vector<1000x1xf32>
    %get3A_14 = arith.constant 1 : index
    %get3A_15 = arith.constant 0 : index
    %get3A_16 = arith.constant 0 : index
    %get3A_17 = vector.load %arg2[%get3A_14, %get3A_15, %get3A_16] : memref<2x1000x128xf32, #tpu.memory_space<vmem>>, vector<1x1000x1xf32>
    %get3A_18 = vector.shape_cast %get3A_17 : vector<1x1000x1xf32> to vector<1000x1xf32>
    %add3A_19 = arith.addf %get3A_13, %get3A_18 : vector<1000x1xf32>
    %max3A = arith.constant 1.000000e+00 : f32
    %max3A_20 = vector.broadcast %max3A : f32 to vector<1000x1xf32>
    %max3A_21 = arith.maximumf %add3A_19, %max3A_20 : vector<1000x1xf32>
    %div3A = arith.constant 1.000000e+00 : f32
    %div3A_22 = vector.broadcast %div3A : f32 to vector<1000x1xf32>
    %div3A_23 = arith.divf %div3A_22, %max3A_21 : vector<1000x1xf32>
    %mul3A = vector.broadcast %div3A_23 : vector<1000x1xf32> to vector<1000x128xf32>
    %mul3A_24 = arith.mulf %add3A, %mul3A : vector<1000x128xf32>
    %get3A_25 = arith.constant 0 : index
    %get3A_26 = arith.constant 0 : index
    %get3A_27 = vector.load %arg4[%get3A_25, %get3A_26] : memref<128x128xf32, #tpu.memory_space<vmem>>, vector<128x128xf32>
    %dot_general3A = arith.constant dense<0.000000e+00> : vector<1000x128xf32>
    %dot_general3A_28 = tpu.matmul %mul3A_24, %get3A_27, %dot_general3A {dimension_numbers = #tpu.dot_dimension_numbers<[1], [0], [0], [1], [0, 0, 1, 1], [], []>, transpose_lhs_hint = false} : vector<1000x128xf32>, vector<128x128xf32>, vector<1000x128xf32> -> vector<1000x128xf32>
    %get3A_29 = arith.constant 0 : index
    %get3A_30 = arith.constant 0 : index
    %get3A_31 = vector.load %arg5[%get3A_29, %get3A_30] : memref<1x128xf32, #tpu.memory_space<vmem>>, vector<1x128xf32>
    %add3A_32 = vector.broadcast %get3A_31 : vector<1x128xf32> to vector<1000x128xf32>
    %add3A_33 = arith.addf %dot_general3A_28, %add3A_32 : vector<1000x128xf32>
    %get3A_34 = arith.constant 0 : index
    %get3A_35 = arith.constant 0 : index
    %get3A_36 = vector.load %arg3[%get3A_34, %get3A_35] : memref<1000x128xf32, #tpu.memory_space<vmem>>, vector<1000x128xf32>
    %get3A_37 = arith.constant 0 : index
    %get3A_38 = arith.constant 0 : index
    %get3A_39 = vector.load %arg6[%get3A_37, %get3A_38] : memref<128x128xf32, #tpu.memory_space<vmem>>, vector<128x128xf32>
    %dot_general3A_40 = arith.constant dense<0.000000e+00> : vector<1000x128xf32>
    %dot_general3A_41 = tpu.matmul %get3A_36, %get3A_39, %dot_general3A_40 {dimension_numbers = #tpu.dot_dimension_numbers<[1], [0], [0], [1], [0, 0, 1, 1], [], []>, transpose_lhs_hint = false} : vector<1000x128xf32>, vector<128x128xf32>, vector<1000x128xf32> -> vector<1000x128xf32>
    %add3A_42 = arith.addf %add3A_33, %dot_general3A_41 : vector<1000x128xf32>
    %swap3A = arith.constant 0 : index
    %swap3A_43 = arith.constant 0 : index
    %swap3A_44 = vector.load %arg7[%swap3A, %swap3A_43] : memref<1000x128xf32, #tpu.memory_space<vmem>>, vector<1000x128xf32>
    tpu.vector_store %arg7[%swap3A, %swap3A_43], %add3A_42 {strides = array<i32>} : memref<1000x128xf32, #tpu.memory_space<vmem>>, vector<1000x128xf32>,
    return
  }
  func.func @transform_0(%arg0: i32) -> (i32, i32, i32) {
    %c0_i32 = arith.constant 0 : i32
    %c0_i32_0 = arith.constant 0 : i32
    %c0_i32_1 = arith.constant 0 : i32
    return %c0_i32, %arg0, %c0_i32_0 : i32, i32, i32
  }
  func.func @transform_1(%arg0: i32) -> (i32, i32, i32) {
    %c0_i32 = arith.constant 0 : i32
    %c0_i32_0 = arith.constant 0 : i32
    %c0_i32_1 = arith.constant 0 : i32
    return %c0_i32, %arg0, %c0_i32_0 : i32, i32, i32
  }
  func.func @transform_2(%arg0: i32) -> (i32, i32) {
    %c0_i32 = arith.constant 0 : i32
    %c0_i32_0 = arith.constant 0 : i32
    return %arg0, %c0_i32 : i32, i32
  }
  func.func @transform_3(%arg0: i32) -> (i32, i32) {
    %c0_i32 = arith.constant 0 : i32
    %c0_i32_0 = arith.constant 0 : i32
    %c0_i32_1 = arith.constant 0 : i32
    return %c0_i32, %c0_i32_0 : i32, i32
  }
  func.func @transform_4(%arg0: i32) -> (i32, i32) {
    %c0_i32 = arith.constant 0 : i32
    %c0_i32_0 = arith.constant 0 : i32
    %c0_i32_1 = arith.constant 0 : i32
    return %c0_i32, %c0_i32_0 : i32, i32
  }
  func.func @transform_5(%arg0: i32) -> (i32, i32) {
    %c0_i32 = arith.constant 0 : i32
    %c0_i32_0 = arith.constant 0 : i32
    %c0_i32_1 = arith.constant 0 : i32
    return %c0_i32, %c0_i32_0 : i32, i32
  }
  func.func @transform_6(%arg0: i32) -> (i32, i32) {
    %c0_i32 = arith.constant 0 : i32
    %c0_i32_0 = arith.constant 0 : i32
    return %arg0, %c0_i32 : i32, i32
  }
}

</mosaic_0001>

<sc_bundles>
// kernel: kernel.6.cloned.1.call-start
scs
__scs_entry_jumppad:
0x0: {  	(pc) =	sbr.rel $0x88, $3  }
0x1: {  	(tag) =	ssettag $0x0;
	lr =	simm.s32 $0x1  }
0x2: {  	[smem:$0x3F99] =	sst lr;
	_ =	strace $0xD0000000  }
0x3: {  	_ = 	snop  }
0x4: {  	_ = 	snop  }
0x5: {  	_ = 	snop  }
0x6: {  	_ = 	snop  }
0x7: {  	_ = 	snop  }
__scs_overlays_trampoline_lowered:
0x8: {  	[smem:$0x3FA8] =	sst s0  }
0x9: {  	[smem:$0x3FA9] =	sst s1  }
0xa: {  	[smem:$0x3FAA] =	sst s2  }
0xb: {  	[smem:$0x3FAB] =	sst s3  }
0xc: {  	[smem:$0x3FAC] =	sst s4  }
0xd: {  	[smem:$0x3FAD] =	sst s5  }
0xe: {  	[smem:$0x3FAE] =	sst s6  }
0xf: {  	[smem:$0x3FAF] =	sst s7  }
0x10: {  	[smem:$0x3FB0] =	sst s8  }
0x11: {  	[smem:$0x3FB1] =	sst s9;
	s0 =	simm.s32 @!p0 $0x0  }
0x12: {  	s1 =	sld [smem:$0x3F97];
	s0 =	simm.s32 @p0 $0x1  }
0x13: {  	[smem:$0x3FB2] =	sst s0;
	s0 =	simm.s32 @!p1 $0x0  }
0x14: {  	s2 =	sld [smem:$0x3F96];
	s0 =	simm.s32 @p1 $0x1  }
0x15: {  	[smem:$0x3FB3] =	sst s0;
	s0 =	simm.s32 @!p2 $0x0  }
0x16: {  	s3 =	sld [smem:$0x3FDB];
	s0 =	simm.s32 @p2 $0x1  }
0x17: {  	s4 =	simm.s32 $0x1BF5;
	[smem:$0x3FB5] =	sst s0  }
0x18: {  	s0 =	sld [smem:$0x3F98];
	_ =	swait.ge [sflag:s4], $0x0  }
0x19: {  	s7 =	sld [smem:$0x3F99]  }
0x1a: {  	s8 =	sadd.s32 $0xFFFFE003, lr  }
0x1b: {  	s9 =	sadd.s32 $0xFFFFFEF7, lr;
	s5 =	simm.s32 $0xFFFFFFFF;
	p2 =	slt.u32 s8, $0xFFFFF086  }
0x1c: {  	p1 =	slt.u32 s9, $0xF7A;
	s5 =	simm.s32 @!p2 $0x0  }
0x1d: {  	s5 =	simm.s32 @p1 $0x1;
	p0 =	seq.s32 s7, s2  }
0x1e: {  	s7 =	smul.u32 @!p0 $0xF7A, s2;
	p2 =	seq.s32 @!p0 s5, $0x0  }
0x1f: {  	s9 =	smul.u32 $0xF7A, s1;
	s8 =	simm.s32 @!p0 $0x1BF5;
	p2 =	por !p2, p0  }
0x20: {  	[sflag:s8] =	ssyncset.s32 @!p0 $0xFFFFF086;
	s6 =	sadd.s32 @!p0 s3, s7;
	s7 =	simm.s32 @!p0 $0x108  }
0x21: {  	s3 =	sadd.s32 s3, s9;
	s6 =	sadd.s32 @!p0 $0x88, s6;
	s7 =	simm.s32 @p2 $0x1082  }
0x22: {  	[simem:s7], [sflag:s8] =	dma.local @!p0 [hbm:s6], $0xF7A  }
0x23: {  	s9 =	sor.u32 $0xD0000000, s2;
	s6 =	simm.s32 $0x108;
	_ =	swait.ge @!p0 [sflag:s8], $0x0  }
0x24: {  	s3 =	sadd.s32 $0x88, s3;
	s6 =	simm.s32 @!p1 $0x1082;
	[sflag:s4] =	ssyncset.s32 $0xFFFFF086  }
0x25: {  	[simem:s6], [sflag:s4] =	dma.local [hbm:s3], $0xF7A  }
0x26: {  	[smem:$0x3F99] =	sst s1;
	(tag) =	ssettag s2;
	_ =	strace s9  }
0x27: {  	s1 =	sld [smem:$0x3FA9]  }
0x28: {  	s2 =	sld [smem:$0x3FAA]  }
0x29: {  	s4 =	sld [smem:$0x3FAC]  }
0x2a: {  	p0 =	seq.s32 s5, $0x0;
	s5 =	sld [smem:$0x3FAD]  }
0x2b: {  	s6 =	sld [smem:$0x3FAE]  }
0x2c: {  	s7 =	sld [smem:$0x3FAF]  }
0x2d: {  	s3 =	simm.s32 $0x108;
	s8 =	sld [smem:$0x3FB0]  }
0x2e: {  	s3 =	simm.s32 @!p0 $0x1082;
	s9 =	sld [smem:$0x3FB1]  }
0x2f: {  	lr =	sadd.s32 s0, s3;
	s0 =	sld [smem:$0x3FA8]  }
0x30: {  	s3 =	sld [smem:$0x3FAB]  }
0x31: {  	[smem:$0x3FB4] =	sst s10  }
0x32: {  	s10 =	sld [smem:$0x3FB2];
	_ =	sdelay $0x3  }
0x33: {  	p0 =	seq.s32 s10, $0x1;
	s10 =	sld [smem:$0x3FB4];
	_ =	sdelay $0x3  }
0x34: {  	[smem:$0x3FB4] =	sst s10  }
0x35: {  	s10 =	sld [smem:$0x3FB3];
	_ =	sdelay $0x3  }
0x36: {  	p1 =	seq.s32 s10, $0x1;
	s10 =	sld [smem:$0x3FB4];
	_ =	sdelay $0x3  }
0x37: {  	[smem:$0x3FB4] =	sst s10  }
0x38: {  	s10 =	sld [smem:$0x3FB5]  }
0x39: {  	_ = 	snop;
	(pc) =	sbr.ind lr, $3  }
0x3a: {  	_ = 	snop  }
0x3b: {  	_ = 	snop  }
0x3c: {  	p2 =	seq.s32 s10, $0x1;
	s10 =	sld [smem:$0x3FB4]  }
0x3d: {  	_ =	shalt  }
0x3e: {  	_ =	shalt  }
0x3f: {  	_ =	shalt  }
0x40: {  	_ =	shalt  }
0x41: {  	_ =	shalt  }
0x42: {  	_ =	shalt  }
0x43: {  	_ =	shalt  }
0x44: {  	_ =	shalt  }
0x45: {  	_ =	shalt  }
0x46: {  	_ =	shalt  }
0x47: {  	_ =	shalt  }
0x48: {  	_ =	shalt  }
0x49: {  	_ =	shalt  }
0x4a: {  	_ =	shalt  }
0x4b: {  	_ =	shalt  }
0x4c: {  	_ =	shalt  }
0x4d: {  	_ =	shalt  }
0x4e: {  	_ =	shalt  }
0x4f: {  	_ =	shalt  }
0x50: {  	_ =	shalt  }
0x51: {  	_ =	shalt  }
0x52: {  	_ =	shalt  }
0x53: {  	_ =	shalt  }
0x54: {  	_ =	shalt  }
0x55: {  	_ =	shalt  }
0x56: {  	_ =	shalt  }
0x57: {  	_ =	shalt  }
0x58: {  	_ =	shalt  }
0x59: {  	_ =	shalt  }
0x5a: {  	_ =	shalt  }
0x5b: {  	_ =	shalt  }
0x5c: {  	_ =	shalt  }
0x5d: {  	_ =	shalt  }
0x5e: {  	_ =	shalt  }
0x5f: {  	_ =	shalt  }
0x60: {  	_ =	shalt  }
0x61: {  	_ =	shalt  }
0x62: {  	_ =	shalt  }
0x63: {  	_ =	shalt  }
0x64: {  	_ =	shalt  }
0x65: {  	_ =	shalt  }
0x66: {  	_ =	shalt  }
0x67: {  	_ =	shalt  }
0x68: {  	_ =	shalt  }
0x69: {  	_ =	shalt  }
0x6a: {  	_ =	shalt  }
0x6b: {  	_ =	shalt  }
0x6c: {  	_ =	shalt  }
0x6d: {  	_ =	shalt  }
0x6e: {  	_ =	shalt  }
0x6f: {  	_ =	shalt  }
0x70: {  	_ =	shalt  }
0x71: {  	_ =	shalt  }
0x72: {  	_ =	shalt  }
0x73: {  	_ =	shalt  }
0x74: {  	_ =	shalt  }
0x75: {  	_ =	shalt  }
0x76: {  	_ =	shalt  }
0x77: {  	_ =	shalt  }
0x78: {  	_ =	shalt  }
0x79: {  	_ =	shalt  }
0x7a: {  	_ =	shalt  }
0x7b: {  	_ =	shalt  }
0x7c: {  	_ =	shalt  }
0x7d: {  	_ =	shalt  }
0x7e: {  	_ =	shalt  }
0x7f: {  	_ =	shalt  }
0x80: {  	_ =	shalt  }
0x81: {  	_ =	shalt  }
0x82: {  	_ =	shalt  }
0x83: {  	_ =	shalt  }
0x84: {  	_ =	shalt  }
0x85: {  	_ =	shalt  }
0x86: {  	_ =	shalt  }
0x87: {  	_ =	shalt  }
.Lfunc_end0:
.L_simem_size_0:
called_computation_lowered:
.L_overlay_start_0:
0x88: {  	s2 =	sld [smem:$0x3FD9]  }
0x89: {  	s3 =	sld [smem:$0x3FFE];
	_ =	sdelay $0x1  }
0x8a: {  	s1 =	srdreg.scid  }
0x8b: {  	s0 =	sand.u32 $0x1, s1  }
0x8c: {  	s17 =	sshll.u32 s0, $0xA;
	s2 =	sadd.s32 s3, s2  }
0x8d: {  	s2 =	sadd.s32 s2, s17  }
0x8e: {  	[smem:$0x3FC0] =	sst s2  }
0x8f: {  	_ = 	snop  }
0x90: {  	s2 =	sld [smem:$0x3FC9];
	(tm) =	ssettm $0x1  }
0x91: {  	s18 =	sld [smem:$0x3FFB];
	_ =	sdelay $0x3  }
0x92: {  	_ =	strace s18  }
0x93: {  	s3 =	sld [smem:$0x3FFC];
	_ =	sdelay $0x3  }
0x94: {  	_ =	strace s3  }
0x95: {  	s3 =	sld [smem:$0x3FFD];
	_ =	sdelay $0x3  }
0x96: {  	_ =	strace s3  }
0x97: {  	_ =	strace $0x8FFFFFFF  }
0x98: {  	s19 =	sld [smem:$0x3FDB];
	_ =	sdelay $0x1  }
0x99: {  	s4 =	simm.s32 $_scs_section_size  }
0x9a: {  	s5 =	simm.s32 $_size__tile_overlayer_lowered;
	s6 =	simm.s32 $_tile_overlayer_lowered  }
0x9b: {  	s22 =	simm.s32 $0x1BFF;
	s21 =	sshll.u32 s6, $0x1;
	s3 =	sadd.s32 s4, s19  }
0x9c: {  	s7 =	simm.s32 $0x0;
	s20 =	sshll.u32 s5, $0x1;
	s5 =	sadd.s32 s21, s3  }
0x9d: {  	[timem:s7], [sflag:s22] =	dma.local [hbm:s5], s20  }
0x9e: {  	_ =	swait.ge [sflag:s22], s20  }
0x9f: {  	s4 =	ssub.s32 $0x0, s20;
	[sflag:s22] =	ssyncset.done $0x0  }
0xa0: {  	[sflag:s22] =	ssyncadd.s32 s4;
	_ =	sdelay $0x1  }
0xa1: {  	s23 =	simm.s32 $0x1B8B  }
0xa2: {  	_ =	swait.ge [sflag:s23], $0x1  }
0xa3: {  	[sflag:s23] =	ssyncset.done $0x0  }
0xa4: {  	s25 =	simm.s32 $0x1B8E;
	s24 =	sld [smem:$0x3FFE];
	[sflag:s23] =	ssyncadd.s32 $0xFFFFFFFF  }
0xa5: {  	s26 =	simm.s32 $execute0_lowered;
	[smem:$0x3FD2] =	sst s25  }
0xa6: {  	s5 =	sshll.u32 s26, $0x1;
	_ =	strace $0x80000046;
	[dreg:$0x1] =	wrdreg $0xFFFFFFFF  }
0xa7: {  	s28 =	simm.s32 $_size_execute0_lowered;
	s3 =	sadd.s32 s3, s5;
	[dreg:$0x0] =	wrdreg $0x0  }
0xa8: {  	s5 =	sshll.u32 s28, $0x1;
	[dreg:$0x2] =	wrdreg s3  }
0xa9: {  	[dreg:$0x3] =	wrdreg s5  }
0xaa: {  	[dreg:$0x4] =	wrdreg $0xC0  }
0xab: {  	_ =	task [dreg:s7], $0x5FFFF  }
0xac: {  	[dreg:$0x1] =	wrdreg $0xFFFFFFFF  }
0xad: {  	[dreg:$0x0] =	wrdreg $0x60  }
0xae: {  	[dreg:$0x2] =	wrdreg s2  }
0xaf: {  	[dreg:$0x3] =	wrdreg s24  }
0xb0: {  	[dreg:$0x4] =	wrdreg $0x4000  }
0xb1: {  	[dreg:$0x5] =	wrdreg $0x9  }
0xb2: {  	_ =	task.clear_ibuf [dreg:s7], $0x6FFFF;
	_ =	strace $0x90000046  }
0xb3: {  	s29 =	simm.s32 $0x9;
	_ =	strace $0x80000048  }
0xb4: {  	_ =	swait.ge [sflag:s29], $0x1  }
0xb5: {  	[sflag:s29] =	ssyncadd.s32 $0xFFFFFFFF  }
0xb6: {  	_ =	strace $0x90000048  }
0xb7: {  	_ =	sfence  }
0xb8: {  	s30 =	sld [smem:$0x0];
	_ =	sdelay $0x2  }
0xb9: {  	s31 =	sshll.u32 s1, $0xD;
	s1 =	sshrl.u32 s1, $0x2  }
0xba: {  	s3 =	sand.u32 $0x4000, s31;
	s1 =	sadd.s32 s1, s30  }
0xbb: {  	s0 =	sor.u32 s3, s0;
	s1 =	sshll.u32 s1, $0x11  }
0xbc: {  	s0 =	sor.u32 s1, s0  }
0xbd: {  	s0 =	sadd.s32 $0x8F2B, s0  }
0xbe: {  	[sflag:s0] =	ssyncadd.remote.s32 $0x1  }
0xbf: {  	_ =	sfence.sel $0xFFFF  }
0xc0: {  	[dreg:$0x0] =	wrdreg $0xFFFFFFFF;
	(pc) =	sbr.abs _section_cstart, $3  }
0xc1: {  	[dreg:$0x1] =	wrdreg $0xFFFFFFFF  }
0xc2: {  	_ =	task.clear_ibuf [dreg:s7], $0x2FFFF;
	_ =	strace $0x9FFFFFFF  }
0xc3: {  	(tm) =	ssettm $0x7FFFFFFF  }
tec
execute0_lowered:
.L_overlay_start_1:
0x0: {  	(tag) =	ssettag $0x1  }
0x1: {  	s1 =	rddreg [dreg:$0x0]  }
0x2: {  	s0 =	rddreg [dreg:$0x1]  }
0x3: {  	s2 =	rddreg [dreg:$0x2];
	s3 =	srdreg.scid  }
0x4: {  	s4 =	simm.s32 $0x0;
	s10 =	stileid.u32;
	s11 =	simm.s32 $0x14000  }
0x5: {  	s12 =	simm.s32 $0x4;
	s13 =	simm.s32 $0x1;
	s14 =	simm.s32 $0x80  }
0x6: {  	s15 =	simm.s32 $0x1A800;
	s16 =	simm.s32 $0x16800;
	s17 =	simm.s32 $0x2  }
0x7: {  	s18 =	simm.s32 $0x3;
	s19 =	simm.s32 $0x16500;
	s20 =	simm.s32 $0x16480  }
0x8: {  	s21 =	simm.s32 $0x16600;
	s22 =	simm.s32 $0x16580;
	s23 =	simm.s32 $0x16700  }
0x9: {  	s24 =	simm.s32 $0x16680;
	s25 =	simm.s32 $0x16780;
	s26 =	simm.s32 $0x0  }
0xa: {  	s3 =	sand.u32 $0x1, s3;
	[smem:$0x7FF] =	sst s4;
	s7 =	smul.u32 $0x13C00, s10  }
0xb: {  	s8 =	sadd.s32 $0x2200, s0;
	s5 =	smul.u32 $0x13C000, s3;
	s6 =	sshll.u32 s3, $0x4  }
0xc: {  	s3 =	ssub.s32 $0x2, s3;
	s6 =	sor.u32 s10, s6;
	s10 =	smul.u32 $0x4F000, s10  }
0xd: {  	_ =	strace $0x80000047;
	s29 =	sshrl.u32 s3, $0x1;
	s9 =	smul.u32 $0xA00, s6  }
0xe: {  	s5 =	sadd.s32 s7, s5;
	s6 =	smul.u32 $0x5000, s6;
	s3 =	ssub.s32 s3, s29  }
0xf: {  	s5 =	sshrl.u32 s5, $0x3;
	s30 =	sshrl.u32 s10, $0x2;
	s10 =	smax.u32 s3, $0x1  }
0x10: {  	s0 =	sadd.s32 s5, s0;
	s6 =	sshrl.u32 s6, $0x3;
	s5 =	sadd.s32 s8, s9  }
0x11: {  	s8 =	sadd.s32 s8, s6;
	s6 =	sadd.s32 s30, s2;
	s31 =	sadd.s32 $0x65200, s0  }
0x12: {  	v0 =	vimm.f32 $0.0e+00;
	v1 =	vimm.f32 $1.000000000e+00;
	s9 =	sadd.s32 $0x16200, s0;
	s7 =	sadd.s32 $0x500, s8;
	[dreg:$0x4] =	wrdreg s31  }
.LBB2_1:
0x13: {  	[tilespmem:s11], [sflag:$0x1] =	stream.linear.gather [hbm4b:s5+s4], $0x2800, $0x38;
	[tilespmem:$0x1E800] =	vst v63  }
0x14: {  	[tilespmem:$0x0] =	vst v0  }
0x15: {  	[tilespmem:$0x10] =	vst v0  }
0x16: {  	[tilespmem:$0x20] =	vst v0  }
0x17: {  	[tilespmem:$0x30] =	vst v0  }
0x18: {  	[tilespmem:$0x40] =	vst v0  }
0x19: {  	[tilespmem:$0x50] =	vst v0  }
0x1a: {  	[tilespmem:$0x60] =	vst v0  }
0x1b: {  	[tilespmem:$0x70] =	vst v0  }
0x1c: {  	[tilespmem:$0x80] =	vst v0  }
0x1d: {  	[tilespmem:$0x90] =	vst v0  }
0x1e: {  	[tilespmem:$0xA0] =	vst v0  }
0x1f: {  	[tilespmem:$0xB0] =	vst v0  }
0x20: {  	[tilespmem:$0xC0] =	vst v0  }
0x21: {  	[tilespmem:$0xD0] =	vst v0  }
0x22: {  	[tilespmem:$0xE0] =	vst v0  }
0x23: {  	[tilespmem:$0xF0] =	vst v0  }
0x24: {  	[tilespmem:$0x100] =	vst v0  }
0x25: {  	[tilespmem:$0x110] =	vst v0  }
0x26: {  	[tilespmem:$0x120] =	vst v0  }
0x27: {  	[tilespmem:$0x130] =	vst v0  }
0x28: {  	[tilespmem:$0x140] =	vst v0  }
0x29: {  	[tilespmem:$0x150] =	vst v0  }
0x2a: {  	[tilespmem:$0x160] =	vst v0  }
0x2b: {  	[tilespmem:$0x170] =	vst v0  }
0x2c: {  	[tilespmem:$0x180] =	vst v0  }
0x2d: {  	[tilespmem:$0x190] =	vst v0  }
0x2e: {  	[tilespmem:$0x1A0] =	vst v0  }
0x2f: {  	[tilespmem:$0x1B0] =	vst v0  }
0x30: {  	[tilespmem:$0x1C0] =	vst v0  }
0x31: {  	[tilespmem:$0x1D0] =	vst v0  }
0x32: {  	[tilespmem:$0x1E0] =	vst v0  }
0x33: {  	[tilespmem:$0x1F0] =	vst v0  }
0x34: {  	[tilespmem:$0x200] =	vst v0  }
0x35: {  	[tilespmem:$0x210] =	vst v0  }
0x36: {  	[tilespmem:$0x220] =	vst v0  }
0x37: {  	[tilespmem:$0x230] =	vst v0  }
0x38: {  	[tilespmem:$0x240] =	vst v0  }
0x39: {  	[tilespmem:$0x250] =	vst v0  }
0x3a: {  	[tilespmem:$0x260] =	vst v0  }
0x3b: {  	[tilespmem:$0x270] =	vst v0  }
0x3c: {  	[tilespmem:$0x280] =	vst v0  }
0x3d: {  	[tilespmem:$0x290] =	vst v0  }
0x3e: {  	[tilespmem:$0x2A0] =	vst v0  }
0x3f: {  	[tilespmem:$0x2B0] =	vst v0  }
0x40: {  	[tilespmem:$0x2C0] =	vst v0  }
0x41: {  	[tilespmem:$0x2D0] =	vst v0  }
0x42: {  	[tilespmem:$0x2E0] =	vst v0  }
0x43: {  	[tilespmem:$0x2F0] =	vst v0  }
0x44: {  	[tilespmem:$0x300] =	vst v0  }
0x45: {  	[tilespmem:$0x310] =	vst v0  }
0x46: {  	[tilespmem:$0x320] =	vst v0  }
0x47: {  	[tilespmem:$0x330] =	vst v0  }
0x48: {  	[tilespmem:$0x340] =	vst v0  }
0x49: {  	[tilespmem:$0x350] =	vst v0  }
0x4a: {  	[tilespmem:$0x360] =	vst v0  }
0x4b: {  	[tilespmem:$0x370] =	vst v0  }
0x4c: {  	[tilespmem:$0x380] =	vst v0  }
0x4d: {  	[tilespmem:$0x390] =	vst v0  }
0x4e: {  	[tilespmem:$0x3A0] =	vst v0  }
0x4f: {  	[tilespmem:$0x3B0] =	vst v0  }
0x50: {  	[tilespmem:$0x3C0] =	vst v0  }
0x51: {  	[tilespmem:$0x3D0] =	vst v0  }
0x52: {  	[tilespmem:$0x3E0] =	vst v0  }
0x53: {  	s0 =	simm.s32 $0x0;
	s28 =	simm.s32 $0x200;
	[tilespmem:$0x3F0] =	vst v0  }
.LBB2_2:
0x54: {  	p0 =	sne.s32 s28, $0xFE00;
	[tilespmem:s0+$0x1A870] =	vst v1  }
0x55: {  	[tilespmem:s0+$0x1A800] =	vst v1  }
0x56: {  	[tilespmem:s0+$0x1A810] =	vst v1  }
.Ltmp0:
0x57: {  	[tilespmem:s0+$0x1A820] =	vst v1;
	(pc) =	sbr.rel @p0 .LBB2_2-.Ltmp0, $4  }
0x58: {  	[tilespmem:s0+$0x1A830] =	vst v1  }
0x59: {  	[tilespmem:s0+$0x1A840] =	vst v1  }
0x5a: {  	[tilespmem:s0+$0x1A850] =	vst v1  }
0x5b: {  	[tilespmem:s0+$0x1A860] =	vst v1;
	s0 =	sshra.s32 s28, $0x2;
	s28 =	sadd.s32 $0x200, s28  }
0x5c: {  	[tilespmem:s0+$0x1A870] =	vst v1  }
0x5d: {  	[tilespmem:s0+$0x1A800] =	vst v1  }
0x5e: {  	[tilespmem:s0+$0x1A810] =	vst v1  }
0x5f: {  	[tilespmem:s0+$0x1A820] =	vst v1  }
0x60: {  	[tilespmem:s0+$0x1A830] =	vst v1  }
0x61: {  	[tilespmem:s0+$0x1A840] =	vst v1  }
0x62: {  	[tilespmem:s0+$0x1A850] =	vst v1  }
0x63: {  	[tilespmem:s0+$0x1A860] =	vst v1;
	s31 =	sadd.s32 $0x0, s6  }
0x64: {  	[spmem:s31] =	stream.linear.scatter [tilespmem:s4], [sflag:$0x4], $0x400, $0x38;
	[tilespmem:$0x1E800] =	vst v63  }
0x65: {  	s0 =	simm.s32 $0x1000;
	_ =	swait.ge [sflag:s12], $0x400  }
.LBB2_4:
0x66: {  	s3 =	sshra.s32 s0, $0x2;
	[sflag:s12] =	ssyncset.done $0x0;
	p0 =	sne.s32 s0, $0x4E000  }
.Ltmp1:
0x67: {  	s3 =	sadd.s32 s3, s6;
	[sflag:s12] =	ssyncadd.s32 $0xFFFFFC00;
	(pc) =	sbr.rel @p0 .LBB2_4-.Ltmp1, $3  }
0x68: {  	[spmem:s3] =	stream.linear.scatter [tilespmem:s4], [sflag:$0x4], $0x400, $0x38;
	[tilespmem:$0x1E800] =	vst v63  }
0x69: {  	s0 =	sadd.s32 $0x1000, s0;
	_ =	sdelay $0x1  }
0x6a: {  	_ =	swait.ge [sflag:s12], $0x400  }
0x6b: {  	[sflag:s12] =	ssyncset.done $0x0  }
0x6c: {  	[sflag:s12] =	ssyncadd.s32 $0xFFFFFC00  }
0x6d: {  	_ =	swait.ge [sflag:s13], $0x2800  }
0x6e: {  	[sflag:s13] =	ssyncset.done $0x0  }
0x6f: {  	[sflag:s13] =	ssyncadd.s32 $0xFFFFD800  }
0x70: {  	s0 =	simm.s32 $0x14080;
	[bflag:$0x0] =	sbarrier.arrive $0xFFFF  }
0x71: {  	[spmem:s2] =	stream.indirect.scatter.add.f32 [tilespmem:s15], [sflag:$0x4], $0x80, s0, s14, $0xb8;
	[tilespmem:$0x1E800] =	vst v63  }
0x72: {  	s0 =	simm.s32 $0x600;
	_ =	swait.ge [sflag:s12], $0x4000  }
.LBB2_6:
0x73: {  	s3 =	sshra.s32 s0, $0x2;
	[sflag:s12] =	ssyncset.done $0x0;
	p0 =	sne.s32 s0, $0x9E00  }
.Ltmp2:
0x74: {  	s3 =	sadd.s32 $0x14000, s3;
	[sflag:s12] =	ssyncadd.s32 $0xFFFFC000;
	(pc) =	sbr.rel @p0 .LBB2_6-.Ltmp2, $3  }
0x75: {  	[spmem:s2] =	stream.indirect.scatter.add.f32 [tilespmem:s15], [sflag:$0x4], $0x80, s3, s14, $0xb8;
	[tilespmem:$0x1E800] =	vst v63  }
0x76: {  	s0 =	sadd.s32 $0x400, s0;
	_ =	sdelay $0x1  }
0x77: {  	_ =	swait.ge [sflag:s12], $0x4000  }
0x78: {  	[sflag:s12] =	ssyncset.done $0x0  }
0x79: {  	[sflag:s12] =	ssyncadd.s32 $0xFFFFC000  }
0x7a: {  	[tilespmem:s11], [sflag:$0x4] =	stream.linear.gather [hbm4b:s7+s4], $0x2800, $0x38;
	[tilespmem:$0x1E800] =	vst v63  }
0x7b: {  	_ =	swait.ge [sflag:s12], $0x2800  }
0x7c: {  	[sflag:s12] =	ssyncset.done $0x0  }
0x7d: {  	s0 =	simm.s32 $0x14080;
	[sflag:s12] =	ssyncadd.s32 $0xFFFFD800  }
0x7e: {  	[spmem:s2] =	stream.indirect.scatter.add.f32 [tilespmem:s15], [sflag:$0x4], $0x80, s0, s14, $0xb8;
	[tilespmem:$0x1E800] =	vst v63  }
0x7f: {  	s0 =	simm.s32 $0x600;
	_ =	swait.ge [sflag:s12], $0x4000  }
.LBB2_8:
0x80: {  	s3 =	sshra.s32 s0, $0x2;
	[sflag:s12] =	ssyncset.done $0x0;
	p0 =	sne.s32 s0, $0x9E00  }
.Ltmp3:
0x81: {  	s3 =	sadd.s32 $0x14000, s3;
	[sflag:s12] =	ssyncadd.s32 $0xFFFFC000;
	(pc) =	sbr.rel @p0 .LBB2_8-.Ltmp3, $3  }
0x82: {  	[spmem:s2] =	stream.indirect.scatter.add.f32 [tilespmem:s15], [sflag:$0x4], $0x80, s3, s14, $0xb8;
	[tilespmem:$0x1E800] =	vst v63  }
0x83: {  	s0 =	sadd.s32 $0x400, s0;
	_ =	sdelay $0x1  }
0x84: {  	_ =	swait.ge [sflag:s12], $0x4000  }
0x85: {  	[sflag:s12] =	ssyncset.done $0x0  }
0x86: {  	s0 =	stileid.u32;
	[sflag:s12] =	ssyncadd.s32 $0xFFFFC000  }
0x87: {  	s0 =	sshll.u32 s0, $0x6;
	[bflag:$0x0] =	sbarrier.arrive $0xFFFF  }
0x88: {  	s29 =	sshrl.u32 s6, $0x3;
	s28 =	sor.u32 $0x1C04, s0;
	s30 =	rddreg [dreg:$0x4]  }
0x89: {  	[hbm:s30], [sflag:s28] =	dma.local [spmem:s29], $0x2780  }
0x8a: {  	_ =	swait.ge [sflag:s12], $0x2780  }
0x8b: {  	[sflag:s12] =	ssyncset.done $0x0  }
0x8c: {  	s31 =	sadd.s32 $0x0, s6;
	[sflag:s12] =	ssyncadd.s32 $0xFFFFD880  }
0x8d: {  	[spmem:s31] =	stream.linear.scatter [tilespmem:s4], [sflag:$0x4], $0x400, $0x38;
	[tilespmem:$0x1E800] =	vst v63  }
0x8e: {  	s0 =	simm.s32 $0x1000;
	_ =	swait.ge [sflag:s12], $0x400  }
.LBB2_10:
0x8f: {  	s3 =	sshra.s32 s0, $0x2;
	[sflag:s12] =	ssyncset.done $0x0;
	p0 =	sne.s32 s0, $0x4E000  }
.Ltmp4:
0x90: {  	s3 =	sadd.s32 s3, s6;
	[sflag:s12] =	ssyncadd.s32 $0xFFFFFC00;
	(pc) =	sbr.rel @p0 .LBB2_10-.Ltmp4, $3  }
0x91: {  	[spmem:s3] =	stream.linear.scatter [tilespmem:s4], [sflag:$0x4], $0x400, $0x38;
	[tilespmem:$0x1E800] =	vst v63  }
0x92: {  	s0 =	sadd.s32 $0x1000, s0;
	_ =	sdelay $0x1  }
0x93: {  	_ =	swait.ge [sflag:s12], $0x400  }
0x94: {  	[sflag:s12] =	ssyncset.done $0x0  }
0x95: {  	[sflag:s12] =	ssyncadd.s32 $0xFFFFFC00  }
0x96: {  	s0 =	simm.s32 $0x0;
	[bflag:$0x0] =	sbarrier.arrive $0xFFFF  }
0x97: {  	[tilespmem:s11], [sflag:$0x4] =	stream.linear.gather [hbm4b:s5+s0], $0x2800, $0x38;
	[tilespmem:$0x1E800] =	vst v63  }
0x98: {  	_ =	swait.ge [sflag:s12], $0x2800  }
0x99: {  	[sflag:s12] =	ssyncset.done $0x0  }
0x9a: {  	[sflag:s12] =	ssyncadd.s32 $0xFFFFD800  }
0x9b: {  	[tilespmem:s16], [sflag:$0x2] =	stream.indirect.gather [hbm4b:s1+s14], $0x80, s11, s14, $0xb8;
	[tilespmem:$0x1E800] =	vst v63  }
0x9c: {  	s3 =	simm.s32 $0x14100  }
0x9d: {  	[tilespmem:s15], [sflag:$0x3] =	stream.indirect.gather [hbm4b:s1+s14], $0x80, s3, s14, $0xb8;
	[tilespmem:$0x1E800] =	vst v63  }
0x9e: {  	_ =	swait.ge [sflag:s17], $0x4000  }
0x9f: {  	[sflag:s17] =	ssyncset.done $0x0  }
0xa0: {  	s8 =	simm.s32 $0x14080;
	[sflag:s17] =	ssyncadd.s32 $0xFFFFC000  }
0xa1: {  	[spmem:s2] =	stream.indirect.scatter.add.f32 [tilespmem:s16], [sflag:$0x4], $0x80, s8, s14, $0xb8;
	[tilespmem:$0x1E800] =	vst v63  }
0xa2: {  	_ =	swait.ge [sflag:s12], $0x4000  }
0xa3: {  	[sflag:s12] =	ssyncset.done $0x0  }
0xa4: {  	s3 =	simm.s32 $0x14200;
	[sflag:s12] =	ssyncadd.s32 $0xFFFFC000  }
0xa5: {  	[tilespmem:s16], [sflag:$0x2] =	stream.indirect.gather [hbm4b:s1+s14], $0x80, s3, s14, $0xb8;
	[tilespmem:$0x1E800] =	vst v63  }
0xa6: {  	_ =	swait.ge [sflag:s18], $0x4000  }
0xa7: {  	[sflag:s18] =	ssyncset.done $0x0  }
0xa8: {  	s8 =	simm.s32 $0x14180;
	[sflag:s18] =	ssyncadd.s32 $0xFFFFC000  }
0xa9: {  	[spmem:s2] =	stream.indirect.scatter.add.f32 [tilespmem:s15], [sflag:$0x4], $0x80, s8, s14, $0xb8;
	[tilespmem:$0x1E800] =	vst v63  }
0xaa: {  	_ =	swait.ge [sflag:s12], $0x4000  }
0xab: {  	[sflag:s12] =	ssyncset.done $0x0  }
0xac: {  	s3 =	simm.s32 $0x14300;
	[sflag:s12] =	ssyncadd.s32 $0xFFFFC000  }
0xad: {  	[tilespmem:s15], [sflag:$0x3] =	stream.indirect.gather [hbm4b:s1+s14], $0x80, s3, s14, $0xb8;
	[tilespmem:$0x1E800] =	vst v63  }
0xae: {  	_ =	swait.ge [sflag:s17], $0x4000  }
0xaf: {  	[sflag:s17] =	ssyncset.done $0x0  }
0xb0: {  	s8 =	simm.s32 $0x14280;
	[sflag:s17] =	ssyncadd.s32 $0xFFFFC000  }
0xb1: {  	[spmem:s2] =	stream.indirect.scatter.add.f32 [tilespmem:s16], [sflag:$0x4], $0x80, s8, s14, $0xb8;
	[tilespmem:$0x1E800] =	vst v63  }
0xb2: {  	_ =	swait.ge [sflag:s12], $0x4000  }
0xb3: {  	[sflag:s12] =	ssyncset.done $0x0  }
0xb4: {  	s3 =	simm.s32 $0x14400;
	[sflag:s12] =	ssyncadd.s32 $0xFFFFC000  }
0xb5: {  	[tilespmem:s16], [sflag:$0x2] =	stream.indirect.gather [hbm4b:s1+s14], $0x80, s3, s14, $0xb8;
	[tilespmem:$0x1E800] =	vst v63  }
0xb6: {  	_ =	swait.ge [sflag:s18], $0x4000  }
0xb7: {  	[sflag:s18] =	ssyncset.done $0x0  }
0xb8: {  	s8 =	simm.s32 $0x14380;
	[sflag:s18] =	ssyncadd.s32 $0xFFFFC000  }
0xb9: {  	[spmem:s2] =	stream.indirect.scatter.add.f32 [tilespmem:s15], [sflag:$0x4], $0x80, s8, s14, $0xb8;
	[tilespmem:$0x1E800] =	vst v63  }
0xba: {  	_ =	swait.ge [sflag:s12], $0x4000  }
0xbb: {  	s31 =	simm.s32 $0x2000;
	s30 =	simm.s32 $0x400;
	[sflag:s12] =	ssyncset.done $0x0  }
.LBB2_12:
0xbc: {  	s8 =	sadd.s32 $0x14100, s30  }
0xbd: {  	[sflag:s12] =	ssyncadd.s32 $0xFFFFC000;
	s0 =	smov.u32 s31;
	s3 =	sadd.s32 $0x1000, s31  }
0xbe: {  	[tilespmem:s15], [sflag:$0x3] =	stream.indirect.gather [hbm4b:s1+s14], $0x80, s8, s14, $0xb8;
	[tilespmem:$0x1E800] =	vst v63  }
0xbf: {  	p0 =	sne.s32 s31, $0x8000;
	_ =	swait.ge [sflag:s17], $0x4000  }
0xc0: {  	[sflag:s17] =	ssyncset.done $0x0  }
0xc1: {  	s8 =	sadd.s32 $0x14080, s30;
	[sflag:s17] =	ssyncadd.s32 $0xFFFFC000  }
0xc2: {  	[spmem:s2] =	stream.indirect.scatter.add.f32 [tilespmem:s16], [sflag:$0x4], $0x80, s8, s14, $0xb8;
	[tilespmem:$0x1E800] =	vst v63  }
0xc3: {  	_ =	swait.ge [sflag:s12], $0x4000  }
0xc4: {  	[sflag:s12] =	ssyncset.done $0x0  }
0xc5: {  	s8 =	sadd.s32 $0x14200, s30;
	[sflag:s12] =	ssyncadd.s32 $0xFFFFC000  }
0xc6: {  	[tilespmem:s16], [sflag:$0x2] =	stream.indirect.gather [hbm4b:s1+s14], $0x80, s8, s14, $0xb8;
	[tilespmem:$0x1E800] =	vst v63  }
0xc7: {  	_ =	swait.ge [sflag:s18], $0x4000  }
0xc8: {  	[sflag:s18] =	ssyncset.done $0x0  }
0xc9: {  	s8 =	sadd.s32 $0x14180, s30;
	[sflag:s18] =	ssyncadd.s32 $0xFFFFC000  }
0xca: {  	[spmem:s2] =	stream.indirect.scatter.add.f32 [tilespmem:s15], [sflag:$0x4], $0x80, s8, s14, $0xb8;
	[tilespmem:$0x1E800] =	vst v63  }
0xcb: {  	_ =	swait.ge [sflag:s12], $0x4000  }
0xcc: {  	[sflag:s12] =	ssyncset.done $0x0  }
0xcd: {  	s8 =	sadd.s32 $0x14300, s30;
	[sflag:s12] =	ssyncadd.s32 $0xFFFFC000  }
0xce: {  	[tilespmem:s15], [sflag:$0x3] =	stream.indirect.gather [hbm4b:s1+s14], $0x80, s8, s14, $0xb8;
	[tilespmem:$0x1E800] =	vst v63  }
0xcf: {  	_ =	swait.ge [sflag:s17], $0x4000  }
0xd0: {  	[sflag:s17] =	ssyncset.done $0x0  }
0xd1: {  	s8 =	sadd.s32 $0x14280, s30;
	[sflag:s17] =	ssyncadd.s32 $0xFFFFC000  }
0xd2: {  	[spmem:s2] =	stream.indirect.scatter.add.f32 [tilespmem:s16], [sflag:$0x4], $0x80, s8, s14, $0xb8;
	[tilespmem:$0x1E800] =	vst v63  }
0xd3: {  	_ =	swait.ge [sflag:s12], $0x4000  }
0xd4: {  	[sflag:s12] =	ssyncset.done $0x0  }
0xd5: {  	s8 =	sadd.s32 $0x14400, s30;
	[sflag:s12] =	ssyncadd.s32 $0xFFFFC000  }
0xd6: {  	[tilespmem:s16], [sflag:$0x2] =	stream.indirect.gather [hbm4b:s1+s14], $0x80, s8, s14, $0xb8;
	[tilespmem:$0x1E800] =	vst v63  }
0xd7: {  	_ =	swait.ge [sflag:s18], $0x4000  }
.Ltmp5:
0xd8: {  	[sflag:s18] =	ssyncset.done $0x0;
	(pc) =	sbr.rel @p0 .LBB2_12-.Ltmp5, $4  }
0xd9: {  	s8 =	sadd.s32 $0x14380, s30;
	[sflag:s18] =	ssyncadd.s32 $0xFFFFC000  }
0xda: {  	[spmem:s2] =	stream.indirect.scatter.add.f32 [tilespmem:s15], [sflag:$0x4], $0x80, s8, s14, $0xb8;
	[tilespmem:$0x1E800] =	vst v63  }
0xdb: {  	_ =	swait.ge [sflag:s12], $0x4000  }
0xdc: {  	s31 =	smov.u32 s3;
	s30 =	sshra.s32 s0, $0x2;
	[sflag:s12] =	ssyncset.done $0x0  }
0xdd: {  	s0 =	sadd.s32 $0x14100, s30;
	[sflag:s12] =	ssyncadd.s32 $0xFFFFC000  }
0xde: {  	[tilespmem:s15], [sflag:$0x3] =	stream.indirect.gather [hbm4b:s1+s14], $0x80, s0, s14, $0xb8;
	[tilespmem:$0x1E800] =	vst v63  }
0xdf: {  	_ =	swait.ge [sflag:s17], $0x4000  }
0xe0: {  	[sflag:s17] =	ssyncset.done $0x0  }
0xe1: {  	s31 =	sadd.s32 $0x14080, s30;
	[sflag:s17] =	ssyncadd.s32 $0xFFFFC000  }
0xe2: {  	[spmem:s2] =	stream.indirect.scatter.add.f32 [tilespmem:s16], [sflag:$0x4], $0x80, s31, s14, $0xb8;
	[tilespmem:$0x1E800] =	vst v63  }
0xe3: {  	_ =	swait.ge [sflag:s12], $0x4000  }
0xe4: {  	[sflag:s12] =	ssyncset.done $0x0  }
0xe5: {  	s3 =	sadd.s32 $0x14200, s30;
	[sflag:s12] =	ssyncadd.s32 $0xFFFFC000  }
0xe6: {  	[tilespmem:s16], [sflag:$0x2] =	stream.indirect.gather [hbm4b:s1+s14], $0x80, s3, s14, $0xb8;
	[tilespmem:$0x1E800] =	vst v63  }
0xe7: {  	_ =	swait.ge [sflag:s18], $0x4000  }
0xe8: {  	[sflag:s18] =	ssyncset.done $0x0  }
0xe9: {  	s8 =	sadd.s32 $0x14180, s30;
	[sflag:s18] =	ssyncadd.s32 $0xFFFFC000  }
0xea: {  	[spmem:s2] =	stream.indirect.scatter.add.f32 [tilespmem:s15], [sflag:$0x4], $0x80, s8, s14, $0xb8;
	[tilespmem:$0x1E800] =	vst v63  }
0xeb: {  	_ =	swait.ge [sflag:s12], $0x4000  }
0xec: {  	[sflag:s12] =	ssyncset.done $0x0  }
0xed: {  	s31 =	sadd.s32 $0x14300, s30;
	[sflag:s12] =	ssyncadd.s32 $0xFFFFC000  }
0xee: {  	[tilespmem:s15], [sflag:$0x3] =	stream.indirect.gather [hbm4b:s1+s14], $0x80, s31, s14, $0xb8;
	[tilespmem:$0x1E800] =	vst v63  }
0xef: {  	_ =	swait.ge [sflag:s17], $0x4000  }
0xf0: {  	[sflag:s17] =	ssyncset.done $0x0  }
0xf1: {  	s3 =	sadd.s32 $0x14280, s30;
	[sflag:s17] =	ssyncadd.s32 $0xFFFFC000  }
0xf2: {  	[spmem:s2] =	stream.indirect.scatter.add.f32 [tilespmem:s16], [sflag:$0x4], $0x80, s3, s14, $0xb8;
	[tilespmem:$0x1E800] =	vst v63  }
0xf3: {  	_ =	swait.ge [sflag:s12], $0x4000  }
0xf4: {  	[sflag:s12] =	ssyncset.done $0x0  }
0xf5: {  	s8 =	sadd.s32 $0x14400, s30;
	[sflag:s12] =	ssyncadd.s32 $0xFFFFC000  }
0xf6: {  	[tilespmem:s16], [sflag:$0x2] =	stream.indirect.gather [hbm4b:s1+s14], $0x80, s8, s14, $0xb8;
	[tilespmem:$0x1E800] =	vst v63  }
0xf7: {  	_ =	swait.ge [sflag:s18], $0x4000  }
0xf8: {  	[sflag:s18] =	ssyncset.done $0x0  }
0xf9: {  	s31 =	sadd.s32 $0x14380, s30;
	[sflag:s18] =	ssyncadd.s32 $0xFFFFC000  }
0xfa: {  	[spmem:s2] =	stream.indirect.scatter.add.f32 [tilespmem:s15], [sflag:$0x4], $0x80, s31, s14, $0xb8;
	[tilespmem:$0x1E800] =	vst v63  }
0xfb: {  	_ =	swait.ge [sflag:s12], $0x4000  }
0xfc: {  	[sflag:s12] =	ssyncset.done $0x0  }
0xfd: {  	[sflag:s12] =	ssyncadd.s32 $0xFFFFC000  }
0xfe: {  	[tilespmem:s15], [sflag:$0x3] =	stream.indirect.gather [hbm4b:s1+s14], $0x80, s19, s14, $0xb8;
	[tilespmem:$0x1E800] =	vst v63  }
0xff: {  	_ =	swait.ge [sflag:s17], $0x4000  }
0x100: {  	[sflag:s17] =	ssyncset.done $0x0  }
0x101: {  	[sflag:s17] =	ssyncadd.s32 $0xFFFFC000  }
0x102: {  	[spmem:s2] =	stream.indirect.scatter.add.f32 [tilespmem:s16], [sflag:$0x4], $0x80, s20, s14, $0xb8;
	[tilespmem:$0x1E800] =	vst v63  }
0x103: {  	_ =	swait.ge [sflag:s12], $0x4000  }
0x104: {  	[sflag:s12] =	ssyncset.done $0x0  }
0x105: {  	[sflag:s12] =	ssyncadd.s32 $0xFFFFC000  }
0x106: {  	[tilespmem:s16], [sflag:$0x2] =	stream.indirect.gather [hbm4b:s1+s14], $0x80, s21, s14, $0xb8;
	[tilespmem:$0x1E800] =	vst v63  }
0x107: {  	_ =	swait.ge [sflag:s18], $0x4000  }
0x108: {  	[sflag:s18] =	ssyncset.done $0x0  }
0x109: {  	[sflag:s18] =	ssyncadd.s32 $0xFFFFC000  }
0x10a: {  	[spmem:s2] =	stream.indirect.scatter.add.f32 [tilespmem:s15], [sflag:$0x4], $0x80, s22, s14, $0xb8;
	[tilespmem:$0x1E800] =	vst v63  }
0x10b: {  	_ =	swait.ge [sflag:s12], $0x4000  }
0x10c: {  	[sflag:s12] =	ssyncset.done $0x0  }
0x10d: {  	[sflag:s12] =	ssyncadd.s32 $0xFFFFC000  }
0x10e: {  	[tilespmem:s15], [sflag:$0x3] =	stream.indirect.gather [hbm4b:s1+s14], $0x80, s23, s14, $0xb8;
	[tilespmem:$0x1E800] =	vst v63  }
0x10f: {  	_ =	swait.ge [sflag:s17], $0x4000  }
0x110: {  	[sflag:s17] =	ssyncset.done $0x0  }
0x111: {  	[sflag:s17] =	ssyncadd.s32 $0xFFFFC000  }
0x112: {  	[spmem:s2] =	stream.indirect.scatter.add.f32 [tilespmem:s16], [sflag:$0x4], $0x80, s24, s14, $0xb8;
	[tilespmem:$0x1E800] =	vst v63  }
0x113: {  	_ =	swait.ge [sflag:s12], $0x4000  }
0x114: {  	[sflag:s12] =	ssyncset.done $0x0  }
0x115: {  	[sflag:s12] =	ssyncadd.s32 $0xFFFFC000  }
0x116: {  	_ =	swait.ge [sflag:s18], $0x4000  }
0x117: {  	[sflag:s18] =	ssyncset.done $0x0  }
0x118: {  	[sflag:s18] =	ssyncadd.s32 $0xFFFFC000  }
0x119: {  	[spmem:s2] =	stream.indirect.scatter.add.f32 [tilespmem:s15], [sflag:$0x4], $0x80, s25, s14, $0xb8;
	[tilespmem:$0x1E800] =	vst v63  }
0x11a: {  	_ =	swait.ge [sflag:s12], $0x4000  }
0x11b: {  	[sflag:s12] =	ssyncset.done $0x0  }
0x11c: {  	s3 =	simm.s32 $0x0;
	[sflag:s12] =	ssyncadd.s32 $0xFFFFC000  }
0x11d: {  	[tilespmem:s11], [sflag:$0x4] =	stream.linear.gather [hbm4b:s7+s3], $0x2800, $0x38;
	[tilespmem:$0x1E800] =	vst v63  }
0x11e: {  	_ =	swait.ge [sflag:s12], $0x2800  }
0x11f: {  	[sflag:s12] =	ssyncset.done $0x0  }
0x120: {  	[sflag:s12] =	ssyncadd.s32 $0xFFFFD800  }
0x121: {  	[tilespmem:s16], [sflag:$0x2] =	stream.indirect.gather [hbm4b:s1+s14], $0x80, s11, s14, $0xb8;
	[tilespmem:$0x1E800] =	vst v63  }
0x122: {  	s8 =	simm.s32 $0x14100  }
0x123: {  	[tilespmem:s15], [sflag:$0x3] =	stream.indirect.gather [hbm4b:s1+s14], $0x80, s8, s14, $0xb8;
	[tilespmem:$0x1E800] =	vst v63  }
0x124: {  	_ =	swait.ge [sflag:s17], $0x4000  }
0x125: {  	[sflag:s17] =	ssyncset.done $0x0  }
0x126: {  	s31 =	simm.s32 $0x14080;
	[sflag:s17] =	ssyncadd.s32 $0xFFFFC000  }
0x127: {  	[spmem:s2] =	stream.indirect.scatter.add.f32 [tilespmem:s16], [sflag:$0x4], $0x80, s31, s14, $0xb8;
	[tilespmem:$0x1E800] =	vst v63  }
0x128: {  	_ =	swait.ge [sflag:s12], $0x4000  }
0x129: {  	[sflag:s12] =	ssyncset.done $0x0  }
0x12a: {  	s3 =	simm.s32 $0x14200;
	[sflag:s12] =	ssyncadd.s32 $0xFFFFC000  }
0x12b: {  	[tilespmem:s16], [sflag:$0x2] =	stream.indirect.gather [hbm4b:s1+s14], $0x80, s3, s14, $0xb8;
	[tilespmem:$0x1E800] =	vst v63  }
0x12c: {  	_ =	swait.ge [sflag:s18], $0x4000  }
0x12d: {  	[sflag:s18] =	ssyncset.done $0x0  }
0x12e: {  	s8 =	simm.s32 $0x14180;
	[sflag:s18] =	ssyncadd.s32 $0xFFFFC000  }
0x12f: {  	[spmem:s2] =	stream.indirect.scatter.add.f32 [tilespmem:s15], [sflag:$0x4], $0x80, s8, s14, $0xb8;
	[tilespmem:$0x1E800] =	vst v63  }
0x130: {  	_ =	swait.ge [sflag:s12], $0x4000  }
0x131: {  	[sflag:s12] =	ssyncset.done $0x0  }
0x132: {  	s31 =	simm.s32 $0x14300;
	[sflag:s12] =	ssyncadd.s32 $0xFFFFC000  }
0x133: {  	[tilespmem:s15], [sflag:$0x3] =	stream.indirect.gather [hbm4b:s1+s14], $0x80, s31, s14, $0xb8;
	[tilespmem:$0x1E800] =	vst v63  }
0x134: {  	_ =	swait.ge [sflag:s17], $0x4000  }
0x135: {  	[sflag:s17] =	ssyncset.done $0x0  }
0x136: {  	s3 =	simm.s32 $0x14280;
	[sflag:s17] =	ssyncadd.s32 $0xFFFFC000  }
0x137: {  	[spmem:s2] =	stream.indirect.scatter.add.f32 [tilespmem:s16], [sflag:$0x4], $0x80, s3, s14, $0xb8;
	[tilespmem:$0x1E800] =	vst v63  }
0x138: {  	_ =	swait.ge [sflag:s12], $0x4000  }
0x139: {  	[sflag:s12] =	ssyncset.done $0x0  }
0x13a: {  	s8 =	simm.s32 $0x14400;
	[sflag:s12] =	ssyncadd.s32 $0xFFFFC000  }
0x13b: {  	[tilespmem:s16], [sflag:$0x2] =	stream.indirect.gather [hbm4b:s1+s14], $0x80, s8, s14, $0xb8;
	[tilespmem:$0x1E800] =	vst v63  }
0x13c: {  	_ =	swait.ge [sflag:s18], $0x4000  }
0x13d: {  	[sflag:s18] =	ssyncset.done $0x0  }
0x13e: {  	s31 =	simm.s32 $0x14380;
	[sflag:s18] =	ssyncadd.s32 $0xFFFFC000  }
0x13f: {  	[spmem:s2] =	stream.indirect.scatter.add.f32 [tilespmem:s15], [sflag:$0x4], $0x80, s31, s14, $0xb8;
	[tilespmem:$0x1E800] =	vst v63  }
0x140: {  	_ =	swait.ge [sflag:s12], $0x4000  }
0x141: {  	s30 =	simm.s32 $0x400;
	s3 =	simm.s32 $0x2000;
	[sflag:s12] =	ssyncset.done $0x0  }
.LBB2_14:
0x142: {  	s8 =	sadd.s32 $0x14100, s30  }
0x143: {  	[sflag:s12] =	ssyncadd.s32 $0xFFFFC000;
	s0 =	smov.u32 s3;
	s31 =	sadd.s32 $0x1000, s3  }
0x144: {  	[tilespmem:s15], [sflag:$0x3] =	stream.indirect.gather [hbm4b:s1+s14], $0x80, s8, s14, $0xb8;
	[tilespmem:$0x1E800] =	vst v63  }
0x145: {  	p0 =	sne.s32 s3, $0x8000;
	_ =	swait.ge [sflag:s17], $0x4000  }
0x146: {  	[sflag:s17] =	ssyncset.done $0x0  }
0x147: {  	s3 =	sadd.s32 $0x14080, s30;
	[sflag:s17] =	ssyncadd.s32 $0xFFFFC000  }
0x148: {  	[spmem:s2] =	stream.indirect.scatter.add.f32 [tilespmem:s16], [sflag:$0x4], $0x80, s3, s14, $0xb8;
	[tilespmem:$0x1E800] =	vst v63  }
0x149: {  	_ =	swait.ge [sflag:s12], $0x4000  }
0x14a: {  	[sflag:s12] =	ssyncset.done $0x0  }
0x14b: {  	s3 =	sadd.s32 $0x14200, s30;
	[sflag:s12] =	ssyncadd.s32 $0xFFFFC000  }
0x14c: {  	[tilespmem:s16], [sflag:$0x2] =	stream.indirect.gather [hbm4b:s1+s14], $0x80, s3, s14, $0xb8;
	[tilespmem:$0x1E800] =	vst v63  }
0x14d: {  	_ =	swait.ge [sflag:s18], $0x4000  }
0x14e: {  	[sflag:s18] =	ssyncset.done $0x0  }
0x14f: {  	s3 =	sadd.s32 $0x14180, s30;
	[sflag:s18] =	ssyncadd.s32 $0xFFFFC000  }
0x150: {  	[spmem:s2] =	stream.indirect.scatter.add.f32 [tilespmem:s15], [sflag:$0x4], $0x80, s3, s14, $0xb8;
	[tilespmem:$0x1E800] =	vst v63  }
0x151: {  	_ =	swait.ge [sflag:s12], $0x4000  }
0x152: {  	[sflag:s12] =	ssyncset.done $0x0  }
0x153: {  	s3 =	sadd.s32 $0x14300, s30;
	[sflag:s12] =	ssyncadd.s32 $0xFFFFC000  }
0x154: {  	[tilespmem:s15], [sflag:$0x3] =	stream.indirect.gather [hbm4b:s1+s14], $0x80, s3, s14, $0xb8;
	[tilespmem:$0x1E800] =	vst v63  }
0x155: {  	_ =	swait.ge [sflag:s17], $0x4000  }
0x156: {  	[sflag:s17] =	ssyncset.done $0x0  }
0x157: {  	s3 =	sadd.s32 $0x14280, s30;
	[sflag:s17] =	ssyncadd.s32 $0xFFFFC000  }
0x158: {  	[spmem:s2] =	stream.indirect.scatter.add.f32 [tilespmem:s16], [sflag:$0x4], $0x80, s3, s14, $0xb8;
	[tilespmem:$0x1E800] =	vst v63  }
0x159: {  	_ =	swait.ge [sflag:s12], $0x4000  }
0x15a: {  	[sflag:s12] =	ssyncset.done $0x0  }
0x15b: {  	s3 =	sadd.s32 $0x14400, s30;
	[sflag:s12] =	ssyncadd.s32 $0xFFFFC000  }
0x15c: {  	[tilespmem:s16], [sflag:$0x2] =	stream.indirect.gather [hbm4b:s1+s14], $0x80, s3, s14, $0xb8;
	[tilespmem:$0x1E800] =	vst v63  }
0x15d: {  	_ =	swait.ge [sflag:s18], $0x4000  }
.Ltmp6:
0x15e: {  	[sflag:s18] =	ssyncset.done $0x0;
	(pc) =	sbr.rel @p0 .LBB2_14-.Ltmp6, $4  }
0x15f: {  	s3 =	sadd.s32 $0x14380, s30;
	[sflag:s18] =	ssyncadd.s32 $0xFFFFC000  }
0x160: {  	[spmem:s2] =	stream.indirect.scatter.add.f32 [tilespmem:s15], [sflag:$0x4], $0x80, s3, s14, $0xb8;
	[tilespmem:$0x1E800] =	vst v63  }
0x161: {  	_ =	swait.ge [sflag:s12], $0x4000  }
0x162: {  	s30 =	sshra.s32 s0, $0x2;
	s3 =	smov.u32 s31;
	[sflag:s12] =	ssyncset.done $0x0  }
0x163: {  	s0 =	sadd.s32 $0x14100, s30;
	[sflag:s12] =	ssyncadd.s32 $0xFFFFC000  }
0x164: {  	[tilespmem:s15], [sflag:$0x3] =	stream.indirect.gather [hbm4b:s1+s14], $0x80, s0, s14, $0xb8;
	[tilespmem:$0x1E800] =	vst v63  }
0x165: {  	_ =	swait.ge [sflag:s17], $0x4000  }
0x166: {  	[sflag:s17] =	ssyncset.done $0x0  }
0x167: {  	s31 =	sadd.s32 $0x14080, s30;
	[sflag:s17] =	ssyncadd.s32 $0xFFFFC000  }
0x168: {  	[spmem:s2] =	stream.indirect.scatter.add.f32 [tilespmem:s16], [sflag:$0x4], $0x80, s31, s14, $0xb8;
	[tilespmem:$0x1E800] =	vst v63  }
0x169: {  	_ =	swait.ge [sflag:s12], $0x4000  }
0x16a: {  	[sflag:s12] =	ssyncset.done $0x0  }
0x16b: {  	s3 =	sadd.s32 $0x14200, s30;
	[sflag:s12] =	ssyncadd.s32 $0xFFFFC000  }
0x16c: {  	[tilespmem:s16], [sflag:$0x2] =	stream.indirect.gather [hbm4b:s1+s14], $0x80, s3, s14, $0xb8;
	[tilespmem:$0x1E800] =	vst v63  }
0x16d: {  	_ =	swait.ge [sflag:s18], $0x4000  }
0x16e: {  	[sflag:s18] =	ssyncset.done $0x0  }
0x16f: {  	s8 =	sadd.s32 $0x14180, s30;
	[sflag:s18] =	ssyncadd.s32 $0xFFFFC000  }
0x170: {  	[spmem:s2] =	stream.indirect.scatter.add.f32 [tilespmem:s15], [sflag:$0x4], $0x80, s8, s14, $0xb8;
	[tilespmem:$0x1E800] =	vst v63  }
0x171: {  	_ =	swait.ge [sflag:s12], $0x4000  }
0x172: {  	[sflag:s12] =	ssyncset.done $0x0  }
0x173: {  	s31 =	sadd.s32 $0x14300, s30;
	[sflag:s12] =	ssyncadd.s32 $0xFFFFC000  }
0x174: {  	[tilespmem:s15], [sflag:$0x3] =	stream.indirect.gather [hbm4b:s1+s14], $0x80, s31, s14, $0xb8;
	[tilespmem:$0x1E800] =	vst v63  }
0x175: {  	_ =	swait.ge [sflag:s17], $0x4000  }
0x176: {  	[sflag:s17] =	ssyncset.done $0x0  }
0x177: {  	s3 =	sadd.s32 $0x14280, s30;
	[sflag:s17] =	ssyncadd.s32 $0xFFFFC000  }
0x178: {  	[spmem:s2] =	stream.indirect.scatter.add.f32 [tilespmem:s16], [sflag:$0x4], $0x80, s3, s14, $0xb8;
	[tilespmem:$0x1E800] =	vst v63  }
0x179: {  	_ =	swait.ge [sflag:s12], $0x4000  }
0x17a: {  	[sflag:s12] =	ssyncset.done $0x0  }
0x17b: {  	s8 =	sadd.s32 $0x14400, s30;
	[sflag:s12] =	ssyncadd.s32 $0xFFFFC000  }
0x17c: {  	[tilespmem:s16], [sflag:$0x2] =	stream.indirect.gather [hbm4b:s1+s14], $0x80, s8, s14, $0xb8;
	[tilespmem:$0x1E800] =	vst v63  }
0x17d: {  	_ =	swait.ge [sflag:s18], $0x4000  }
0x17e: {  	[sflag:s18] =	ssyncset.done $0x0  }
0x17f: {  	s31 =	sadd.s32 $0x14380, s30;
	[sflag:s18] =	ssyncadd.s32 $0xFFFFC000  }
0x180: {  	[spmem:s2] =	stream.indirect.scatter.add.f32 [tilespmem:s15], [sflag:$0x4], $0x80, s31, s14, $0xb8;
	[tilespmem:$0x1E800] =	vst v63  }
0x181: {  	_ =	swait.ge [sflag:s12], $0x4000  }
0x182: {  	[sflag:s12] =	ssyncset.done $0x0  }
0x183: {  	[sflag:s12] =	ssyncadd.s32 $0xFFFFC000  }
0x184: {  	[tilespmem:s15], [sflag:$0x3] =	stream.indirect.gather [hbm4b:s1+s14], $0x80, s19, s14, $0xb8;
	[tilespmem:$0x1E800] =	vst v63  }
0x185: {  	_ =	swait.ge [sflag:s17], $0x4000  }
0x186: {  	[sflag:s17] =	ssyncset.done $0x0  }
0x187: {  	[sflag:s17] =	ssyncadd.s32 $0xFFFFC000  }
0x188: {  	[spmem:s2] =	stream.indirect.scatter.add.f32 [tilespmem:s16], [sflag:$0x4], $0x80, s20, s14, $0xb8;
	[tilespmem:$0x1E800] =	vst v63  }
0x189: {  	_ =	swait.ge [sflag:s12], $0x4000  }
0x18a: {  	[sflag:s12] =	ssyncset.done $0x0  }
0x18b: {  	[sflag:s12] =	ssyncadd.s32 $0xFFFFC000  }
0x18c: {  	[tilespmem:s16], [sflag:$0x2] =	stream.indirect.gather [hbm4b:s1+s14], $0x80, s21, s14, $0xb8;
	[tilespmem:$0x1E800] =	vst v63  }
0x18d: {  	_ =	swait.ge [sflag:s18], $0x4000  }
0x18e: {  	[sflag:s18] =	ssyncset.done $0x0  }
0x18f: {  	[sflag:s18] =	ssyncadd.s32 $0xFFFFC000  }
0x190: {  	[spmem:s2] =	stream.indirect.scatter.add.f32 [tilespmem:s15], [sflag:$0x4], $0x80, s22, s14, $0xb8;
	[tilespmem:$0x1E800] =	vst v63  }
0x191: {  	_ =	swait.ge [sflag:s12], $0x4000  }
0x192: {  	[sflag:s12] =	ssyncset.done $0x0  }
0x193: {  	[sflag:s12] =	ssyncadd.s32 $0xFFFFC000  }
0x194: {  	[tilespmem:s15], [sflag:$0x3] =	stream.indirect.gather [hbm4b:s1+s14], $0x80, s23, s14, $0xb8;
	[tilespmem:$0x1E800] =	vst v63  }
0x195: {  	_ =	swait.ge [sflag:s17], $0x4000  }
0x196: {  	[sflag:s17] =	ssyncset.done $0x0  }
0x197: {  	[sflag:s17] =	ssyncadd.s32 $0xFFFFC000  }
0x198: {  	[spmem:s2] =	stream.indirect.scatter.add.f32 [tilespmem:s16], [sflag:$0x4], $0x80, s24, s14, $0xb8;
	[tilespmem:$0x1E800] =	vst v63  }
0x199: {  	_ =	swait.ge [sflag:s12], $0x4000  }
0x19a: {  	[sflag:s12] =	ssyncset.done $0x0  }
0x19b: {  	[sflag:s12] =	ssyncadd.s32 $0xFFFFC000  }
0x19c: {  	_ =	swait.ge [sflag:s18], $0x4000  }
0x19d: {  	[sflag:s18] =	ssyncset.done $0x0  }
0x19e: {  	[sflag:s18] =	ssyncadd.s32 $0xFFFFC000  }
0x19f: {  	[spmem:s2] =	stream.indirect.scatter.add.f32 [tilespmem:s15], [sflag:$0x4], $0x80, s25, s14, $0xb8;
	[tilespmem:$0x1E800] =	vst v63  }
0x1a0: {  	_ =	swait.ge [sflag:s12], $0x4000  }
0x1a1: {  	s26 =	sadd.s32 $0x1, s26;
	[sflag:s12] =	ssyncset.done $0x0  }
0x1a2: {  	p0 =	sne.s32 s26, s10;
	[sflag:s12] =	ssyncadd.s32 $0xFFFFC000  }
.Ltmp7:
0x1a3: {  	[bflag:$0x0] =	sbarrier.arrive $0xFFFF;
	(pc) =	sbr.rel @p0 .LBB2_1-.Ltmp7, $4  }
0x1a4: {  	[hbm:s9], [sflag:s28] =	dma.local [spmem:s29], $0x2780  }
0x1a5: {  	_ =	swait.ge [sflag:s12], $0x2780  }
0x1a6: {  	[sflag:s12] =	ssyncset.done $0x0  }
0x1a7: {  	[sflag:s12] =	ssyncadd.s32 $0xFFFFD880  }
0x1a8: {  	_ =	sfence.sel $0x180000  }
0x1a9: {  	[bflag:$0x0] =	sbarrier.arrive $0xFFFF  }
0x1aa: {  	_ =	strace $0x90000047  }
0x1ab: {  	s0 =	stileid.u32;
	[bflag:$0x2] =	sbarrier.arrive $0xFFFF  }
0x1ac: {  	p0 =	sne.s32 s0, $0x0;
	s0 =	rddreg [dreg:$0x3]  }
0x1ad: {  	s0 =	sadd.s32 @!p0 $0x100000, s0  }
0x1ae: {  	[sflag:s0] =	ssyncadd.tile.s32 @!p0 $0x1;
	_ =	shalt  }
.Lfunc_end2:
_tile_overlayer_lowered:
.L_overlay_start_2:
0x1af: {  	(tag) =	ssettag $0x2  }
0x1b0: {  	s0 =	rddreg [dreg:$0x0];
	s2 =	stileid.u32  }
0x1b1: {  	s1 =	rddreg [dreg:$0x1];
	p0 =	sne.s32 s2, $0x0  }
0x1b2: {  	s3 =	rddreg [dreg:$0x2];
	[bflag:$0x3] =	sbarrier.arrive $0xFFFF;
	s2 =	simm.s32 @!p0 $0x1C04  }
0x1b3: {  	[timem:s3], [sflag:s2] =	dma.local @!p0 [hbm:s0], s1  }
0x1b4: {  	s0 =	simm.s32 @!p0 $0x4  }
0x1b5: {  	_ =	swait.ge @!p0 [sflag:s0], s1  }
0x1b6: {  	s1 =	ssub.s32 @!p0 $0x0, s1;
	[sflag:s0] =	ssyncset.done @!p0 $0x0  }
0x1b7: {  	[sflag:s0] =	ssyncadd.s32 @!p0 s1  }
0x1b8: {  	[bflag:$0x3] =	sbarrier.arrive $0xFFFF  }
0x1b9: {  	_ =	shalt  }

// kernel: kernel.9.cloned.1.call-start
scs
__scs_entry_jumppad:
0x0: {  	(pc) =	sbr.rel $0x88, $3  }
0x1: {  	(tag) =	ssettag $0x0;
	lr =	simm.s32 $0x1  }
0x2: {  	[smem:$0x3F99] =	sst lr;
	_ =	strace $0xD0000000  }
0x3: {  	_ = 	snop  }
0x4: {  	_ = 	snop  }
0x5: {  	_ = 	snop  }
0x6: {  	_ = 	snop  }
0x7: {  	_ = 	snop  }
__scs_overlays_trampoline_lowered:
0x8: {  	[smem:$0x3FA8] =	sst s0  }
0x9: {  	[smem:$0x3FA9] =	sst s1  }
0xa: {  	[smem:$0x3FAA] =	sst s2  }
0xb: {  	[smem:$0x3FAB] =	sst s3  }
0xc: {  	[smem:$0x3FAC] =	sst s4  }
0xd: {  	[smem:$0x3FAD] =	sst s5  }
0xe: {  	[smem:$0x3FAE] =	sst s6  }
0xf: {  	[smem:$0x3FAF] =	sst s7  }
0x10: {  	[smem:$0x3FB0] =	sst s8  }
0x11: {  	[smem:$0x3FB1] =	sst s9;
	s0 =	simm.s32 @!p0 $0x0  }
0x12: {  	s1 =	sld [smem:$0x3F97];
	s0 =	simm.s32 @p0 $0x1  }
0x13: {  	[smem:$0x3FB2] =	sst s0;
	s0 =	simm.s32 @!p1 $0x0  }
0x14: {  	s2 =	sld [smem:$0x3F96];
	s0 =	simm.s32 @p1 $0x1  }
0x15: {  	[smem:$0x3FB3] =	sst s0;
	s0 =	simm.s32 @!p2 $0x0  }
0x16: {  	s3 =	sld [smem:$0x3FDB];
	s0 =	simm.s32 @p2 $0x1  }
0x17: {  	s4 =	simm.s32 $0x1BF5;
	[smem:$0x3FB5] =	sst s0  }
0x18: {  	s0 =	sld [smem:$0x3F98];
	_ =	swait.ge [sflag:s4], $0x0  }
0x19: {  	s7 =	sld [smem:$0x3F99]  }
0x1a: {  	s8 =	sadd.s32 $0xFFFFE003, lr  }
0x1b: {  	s9 =	sadd.s32 $0xFFFFFEF7, lr;
	s5 =	simm.s32 $0xFFFFFFFF;
	p2 =	slt.u32 s8, $0xFFFFF086  }
0x1c: {  	p1 =	slt.u32 s9, $0xF7A;
	s5 =	simm.s32 @!p2 $0x0  }
0x1d: {  	s5 =	simm.s32 @p1 $0x1;
	p0 =	seq.s32 s7, s2  }
0x1e: {  	s7 =	smul.u32 @!p0 $0xF7A, s2;
	p2 =	seq.s32 @!p0 s5, $0x0  }
0x1f: {  	s9 =	smul.u32 $0xF7A, s1;
	s8 =	simm.s32 @!p0 $0x1BF5;
	p2 =	por !p2, p0  }
0x20: {  	[sflag:s8] =	ssyncset.s32 @!p0 $0xFFFFF086;
	s6 =	sadd.s32 @!p0 s3, s7;
	s7 =	simm.s32 @!p0 $0x108  }
0x21: {  	s3 =	sadd.s32 s3, s9;
	s6 =	sadd.s32 @!p0 $0x88, s6;
	s7 =	simm.s32 @p2 $0x1082  }
0x22: {  	[simem:s7], [sflag:s8] =	dma.local @!p0 [hbm:s6], $0xF7A  }
0x23: {  	s9 =	sor.u32 $0xD0000000, s2;
	s6 =	simm.s32 $0x108;
	_ =	swait.ge @!p0 [sflag:s8], $0x0  }
0x24: {  	s3 =	sadd.s32 $0x88, s3;
	s6 =	simm.s32 @!p1 $0x1082;
	[sflag:s4] =	ssyncset.s32 $0xFFFFF086  }
0x25: {  	[simem:s6], [sflag:s4] =	dma.local [hbm:s3], $0xF7A  }
0x26: {  	[smem:$0x3F99] =	sst s1;
	(tag) =	ssettag s2;
	_ =	strace s9  }
0x27: {  	s1 =	sld [smem:$0x3FA9]  }
0x28: {  	s2 =	sld [smem:$0x3FAA]  }
0x29: {  	s4 =	sld [smem:$0x3FAC]  }
0x2a: {  	p0 =	seq.s32 s5, $0x0;
	s5 =	sld [smem:$0x3FAD]  }
0x2b: {  	s6 =	sld [smem:$0x3FAE]  }
0x2c: {  	s7 =	sld [smem:$0x3FAF]  }
0x2d: {  	s3 =	simm.s32 $0x108;
	s8 =	sld [smem:$0x3FB0]  }
0x2e: {  	s3 =	simm.s32 @!p0 $0x1082;
	s9 =	sld [smem:$0x3FB1]  }
0x2f: {  	lr =	sadd.s32 s0, s3;
	s0 =	sld [smem:$0x3FA8]  }
0x30: {  	s3 =	sld [smem:$0x3FAB]  }
0x31: {  	[smem:$0x3FB4] =	sst s10  }
0x32: {  	s10 =	sld [smem:$0x3FB2];
	_ =	sdelay $0x3  }
0x33: {  	p0 =	seq.s32 s10, $0x1;
	s10 =	sld [smem:$0x3FB4];
	_ =	sdelay $0x3  }
0x34: {  	[smem:$0x3FB4] =	sst s10  }
0x35: {  	s10 =	sld [smem:$0x3FB3];
	_ =	sdelay $0x3  }
0x36: {  	p1 =	seq.s32 s10, $0x1;
	s10 =	sld [smem:$0x3FB4];
	_ =	sdelay $0x3  }
0x37: {  	[smem:$0x3FB4] =	sst s10  }
0x38: {  	s10 =	sld [smem:$0x3FB5]  }
0x39: {  	_ = 	snop;
	(pc) =	sbr.ind lr, $3  }
0x3a: {  	_ = 	snop  }
0x3b: {  	_ = 	snop  }
0x3c: {  	p2 =	seq.s32 s10, $0x1;
	s10 =	sld [smem:$0x3FB4]  }
0x3d: {  	_ =	shalt  }
0x3e: {  	_ =	shalt  }
0x3f: {  	_ =	shalt  }
0x40: {  	_ =	shalt  }
0x41: {  	_ =	shalt  }
0x42: {  	_ =	shalt  }
0x43: {  	_ =	shalt  }
0x44: {  	_ =	shalt  }
0x45: {  	_ =	shalt  }
0x46: {  	_ =	shalt  }
0x47: {  	_ =	shalt  }
0x48: {  	_ =	shalt  }
0x49: {  	_ =	shalt  }
0x4a: {  	_ =	shalt  }
0x4b: {  	_ =	shalt  }
0x4c: {  	_ =	shalt  }
0x4d: {  	_ =	shalt  }
0x4e: {  	_ =	shalt  }
0x4f: {  	_ =	shalt  }
0x50: {  	_ =	shalt  }
0x51: {  	_ =	shalt  }
0x52: {  	_ =	shalt  }
0x53: {  	_ =	shalt  }
0x54: {  	_ =	shalt  }
0x55: {  	_ =	shalt  }
0x56: {  	_ =	shalt  }
0x57: {  	_ =	shalt  }
0x58: {  	_ =	shalt  }
0x59: {  	_ =	shalt  }
0x5a: {  	_ =	shalt  }
0x5b: {  	_ =	shalt  }
0x5c: {  	_ =	shalt  }
0x5d: {  	_ =	shalt  }
0x5e: {  	_ =	shalt  }
0x5f: {  	_ =	shalt  }
0x60: {  	_ =	shalt  }
0x61: {  	_ =	shalt  }
0x62: {  	_ =	shalt  }
0x63: {  	_ =	shalt  }
0x64: {  	_ =	shalt  }
0x65: {  	_ =	shalt  }
0x66: {  	_ =	shalt  }
0x67: {  	_ =	shalt  }
0x68: {  	_ =	shalt  }
0x69: {  	_ =	shalt  }
0x6a: {  	_ =	shalt  }
0x6b: {  	_ =	shalt  }
0x6c: {  	_ =	shalt  }
0x6d: {  	_ =	shalt  }
0x6e: {  	_ =	shalt  }
0x6f: {  	_ =	shalt  }
0x70: {  	_ =	shalt  }
0x71: {  	_ =	shalt  }
0x72: {  	_ =	shalt  }
0x73: {  	_ =	shalt  }
0x74: {  	_ =	shalt  }
0x75: {  	_ =	shalt  }
0x76: {  	_ =	shalt  }
0x77: {  	_ =	shalt  }
0x78: {  	_ =	shalt  }
0x79: {  	_ =	shalt  }
0x7a: {  	_ =	shalt  }
0x7b: {  	_ =	shalt  }
0x7c: {  	_ =	shalt  }
0x7d: {  	_ =	shalt  }
0x7e: {  	_ =	shalt  }
0x7f: {  	_ =	shalt  }
0x80: {  	_ =	shalt  }
0x81: {  	_ =	shalt  }
0x82: {  	_ =	shalt  }
0x83: {  	_ =	shalt  }
0x84: {  	_ =	shalt  }
0x85: {  	_ =	shalt  }
0x86: {  	_ =	shalt  }
0x87: {  	_ =	shalt  }
.Lfunc_end0:
.L_simem_size_0:
called_computation.1_lowered:
.L_overlay_start_0:
0x88: {  	s2 =	sld [smem:$0x3FD9]  }
0x89: {  	s3 =	sld [smem:$0x3FFE];
	_ =	sdelay $0x1  }
0x8a: {  	s1 =	srdreg.scid  }
0x8b: {  	s0 =	sand.u32 $0x1, s1  }
0x8c: {  	s17 =	sshll.u32 s0, $0xA;
	s2 =	sadd.s32 s3, s2  }
0x8d: {  	s2 =	sadd.s32 s2, s17  }
0x8e: {  	[smem:$0x3FC0] =	sst s2  }
0x8f: {  	_ = 	snop  }
0x90: {  	s2 =	sld [smem:$0x3FD0];
	(tm) =	ssettm $0x1  }
0x91: {  	s18 =	sld [smem:$0x3FFB];
	_ =	sdelay $0x3  }
0x92: {  	_ =	strace s18  }
0x93: {  	s3 =	sld [smem:$0x3FFC];
	_ =	sdelay $0x3  }
0x94: {  	_ =	strace s3  }
0x95: {  	s3 =	sld [smem:$0x3FFD];
	_ =	sdelay $0x3  }
0x96: {  	_ =	strace s3  }
0x97: {  	_ =	strace $0x8FFFFFFF  }
0x98: {  	s19 =	sld [smem:$0x3FDB];
	_ =	sdelay $0x1  }
0x99: {  	s4 =	simm.s32 $_scs_section_size  }
0x9a: {  	s5 =	simm.s32 $_size__tile_overlayer_lowered;
	s6 =	simm.s32 $_tile_overlayer_lowered  }
0x9b: {  	s22 =	simm.s32 $0x1BFF;
	s21 =	sshll.u32 s6, $0x1;
	s3 =	sadd.s32 s4, s19  }
0x9c: {  	s7 =	simm.s32 $0x0;
	s20 =	sshll.u32 s5, $0x1;
	s5 =	sadd.s32 s21, s3  }
0x9d: {  	[timem:s7], [sflag:s22] =	dma.local [hbm:s5], s20  }
0x9e: {  	_ =	swait.ge [sflag:s22], s20  }
0x9f: {  	s4 =	ssub.s32 $0x0, s20;
	[sflag:s22] =	ssyncset.done $0x0  }
0xa0: {  	[sflag:s22] =	ssyncadd.s32 s4;
	_ =	sdelay $0x1  }
0xa1: {  	s23 =	simm.s32 $0x1B8B  }
0xa2: {  	_ =	swait.ge [sflag:s23], $0x1  }
0xa3: {  	[sflag:s23] =	ssyncset.done $0x0  }
0xa4: {  	s25 =	simm.s32 $0x1B8E;
	s24 =	sld [smem:$0x3FFE];
	[sflag:s23] =	ssyncadd.s32 $0xFFFFFFFF  }
0xa5: {  	s26 =	simm.s32 $execute0_lowered;
	[smem:$0x3FD2] =	sst s25  }
0xa6: {  	s5 =	sshll.u32 s26, $0x1;
	_ =	strace $0x80000049;
	[dreg:$0x1] =	wrdreg $0xFFFFFFFF  }
0xa7: {  	s28 =	simm.s32 $_size_execute0_lowered;
	s3 =	sadd.s32 s3, s5;
	[dreg:$0x0] =	wrdreg $0x0  }
0xa8: {  	s5 =	sshll.u32 s28, $0x1;
	[dreg:$0x2] =	wrdreg s3  }
0xa9: {  	[dreg:$0x3] =	wrdreg s5  }
0xaa: {  	[dreg:$0x4] =	wrdreg $0xC0  }
0xab: {  	_ =	task [dreg:s7], $0x5FFFF  }
0xac: {  	[dreg:$0x1] =	wrdreg $0xFFFFFFFF  }
0xad: {  	[dreg:$0x0] =	wrdreg $0x60  }
0xae: {  	[dreg:$0x2] =	wrdreg s2  }
0xaf: {  	[dreg:$0x3] =	wrdreg s24  }
0xb0: {  	[dreg:$0x4] =	wrdreg $0x4000  }
0xb1: {  	[dreg:$0x5] =	wrdreg $0x9  }
0xb2: {  	_ =	task.clear_ibuf [dreg:s7], $0x6FFFF;
	_ =	strace $0x90000049  }
0xb3: {  	s29 =	simm.s32 $0x9;
	_ =	strace $0x8000004B  }
0xb4: {  	_ =	swait.ge [sflag:s29], $0x1  }
0xb5: {  	[sflag:s29] =	ssyncadd.s32 $0xFFFFFFFF  }
0xb6: {  	_ =	strace $0x9000004B  }
0xb7: {  	_ =	sfence  }
0xb8: {  	s30 =	sld [smem:$0x0];
	_ =	sdelay $0x2  }
0xb9: {  	s31 =	sshll.u32 s1, $0xD;
	s1 =	sshrl.u32 s1, $0x2  }
0xba: {  	s3 =	sand.u32 $0x4000, s31;
	s1 =	sadd.s32 s1, s30  }
0xbb: {  	s0 =	sor.u32 s3, s0;
	s1 =	sshll.u32 s1, $0x11  }
0xbc: {  	s0 =	sor.u32 s1, s0  }
0xbd: {  	s0 =	sadd.s32 $0x8F2B, s0  }
0xbe: {  	[sflag:s0] =	ssyncadd.remote.s32 $0x1  }
0xbf: {  	_ =	sfence.sel $0xFFFF  }
0xc0: {  	[dreg:$0x0] =	wrdreg $0xFFFFFFFF;
	(pc) =	sbr.abs _section_cstart, $3  }
0xc1: {  	[dreg:$0x1] =	wrdreg $0xFFFFFFFF  }
0xc2: {  	_ =	task.clear_ibuf [dreg:s7], $0x2FFFF;
	_ =	strace $0x9FFFFFFF  }
0xc3: {  	(tm) =	ssettm $0x7FFFFFFF  }
tec
execute0_lowered:
.L_overlay_start_1:
0x0: {  	(tag) =	ssettag $0x1  }
0x1: {  	s0 =	rddreg [dreg:$0x0]  }
0x2: {  	s5 =	rddreg [dreg:$0x1];
	s1 =	srdreg.scid  }
0x3: {  	s3 =	rddreg [dreg:$0x2];
	s2 =	stileid.u32;
	s4 =	simm.s32 $0x0  }
0x4: {  	s13 =	simm.s32 $0x80;
	s14 =	simm.s32 $0x16800;
	s15 =	simm.s32 $0x1A800  }
0x5: {  	s16 =	simm.s32 $0x2;
	s17 =	simm.s32 $0x3;
	s18 =	simm.s32 $0x16500  }
0x6: {  	s19 =	simm.s32 $0x16480;
	s20 =	simm.s32 $0x16600;
	s21 =	simm.s32 $0x16580  }
0x7: {  	s22 =	simm.s32 $0x16700;
	s23 =	simm.s32 $0x16680;
	s24 =	simm.s32 $0x16780  }
0x8: {  	s6 =	sand.u32 $0x1, s1;
	s1 =	rddreg [dreg:$0x3];
	s8 =	smul.u32 $0x13C00, s2  }
0x9: {  	[smem:$0x7FF] =	sst s4;
	s26 =	sadd.s32 $0x2200, s5;
	s29 =	smul.u32 $0x4F000, s2  }
0xa: {  	s7 =	smul.u32 $0x13C000, s6;
	s9 =	sshll.u32 s6, $0x4;
	s28 =	ssub.s32 $0x2, s6  }
0xb: {  	_ =	strace $0x8000004A;
	s25 =	sor.u32 s2, s9;
	s30 =	sshrl.u32 s28, $0x1  }
0xc: {  	s6 =	sshrl.u32 s29, $0x2;
	s7 =	sadd.s32 s8, s7;
	s10 =	smul.u32 $0x5000, s25  }
0xd: {  	s8 =	smul.u32 $0xA00, s25;
	s12 =	ssub.s32 s28, s30;
	s6 =	sadd.s32 s6, s3  }
0xe: {  	s25 =	simm.s32 $0x0;
	s7 =	sshrl.u32 s7, $0x3;
	s9 =	smax.u32 s12, $0x1  }
0xf: {  	s12 =	simm.s32 $0x1;
	s11 =	sadd.s32 s7, s5;
	s10 =	sshrl.u32 s10, $0x3  }
0x10: {  	s5 =	sadd.s32 s26, s8;
	s31 =	sadd.s32 s26, s10;
	s8 =	sadd.s32 $0x16200, s11  }
0x11: {  	v0 =	vimm.f32 $0.0e+00;
	s10 =	simm.s32 $0x14000;
	s11 =	simm.s32 $0x4;
	s7 =	sadd.s32 $0x500, s31  }
.LBB2_1:
0x12: {  	[tilespmem:s10], [sflag:$0x1] =	stream.linear.gather [hbm4b:s5+s4], $0x2800, $0x38;
	[tilespmem:$0x1E800] =	vst v63  }
0x13: {  	[tilespmem:$0x0] =	vst v0  }
0x14: {  	[tilespmem:$0x10] =	vst v0  }
0x15: {  	[tilespmem:$0x20] =	vst v0  }
0x16: {  	[tilespmem:$0x30] =	vst v0  }
0x17: {  	[tilespmem:$0x40] =	vst v0  }
0x18: {  	[tilespmem:$0x50] =	vst v0  }
0x19: {  	[tilespmem:$0x60] =	vst v0  }
0x1a: {  	[tilespmem:$0x70] =	vst v0  }
0x1b: {  	[tilespmem:$0x80] =	vst v0  }
0x1c: {  	[tilespmem:$0x90] =	vst v0  }
0x1d: {  	[tilespmem:$0xA0] =	vst v0  }
0x1e: {  	[tilespmem:$0xB0] =	vst v0  }
0x1f: {  	[tilespmem:$0xC0] =	vst v0  }
0x20: {  	[tilespmem:$0xD0] =	vst v0  }
0x21: {  	[tilespmem:$0xE0] =	vst v0  }
0x22: {  	[tilespmem:$0xF0] =	vst v0  }
0x23: {  	[tilespmem:$0x100] =	vst v0  }
0x24: {  	[tilespmem:$0x110] =	vst v0  }
0x25: {  	[tilespmem:$0x120] =	vst v0  }
0x26: {  	[tilespmem:$0x130] =	vst v0  }
0x27: {  	[tilespmem:$0x140] =	vst v0  }
0x28: {  	[tilespmem:$0x150] =	vst v0  }
0x29: {  	[tilespmem:$0x160] =	vst v0  }
0x2a: {  	[tilespmem:$0x170] =	vst v0  }
0x2b: {  	[tilespmem:$0x180] =	vst v0  }
0x2c: {  	[tilespmem:$0x190] =	vst v0  }
0x2d: {  	[tilespmem:$0x1A0] =	vst v0  }
0x2e: {  	[tilespmem:$0x1B0] =	vst v0  }
0x2f: {  	[tilespmem:$0x1C0] =	vst v0  }
0x30: {  	[tilespmem:$0x1D0] =	vst v0  }
0x31: {  	[tilespmem:$0x1E0] =	vst v0  }
0x32: {  	[tilespmem:$0x1F0] =	vst v0  }
0x33: {  	[tilespmem:$0x200] =	vst v0  }
0x34: {  	[tilespmem:$0x210] =	vst v0  }
0x35: {  	[tilespmem:$0x220] =	vst v0  }
0x36: {  	[tilespmem:$0x230] =	vst v0  }
0x37: {  	[tilespmem:$0x240] =	vst v0  }
0x38: {  	[tilespmem:$0x250] =	vst v0  }
0x39: {  	[tilespmem:$0x260] =	vst v0  }
0x3a: {  	[tilespmem:$0x270] =	vst v0  }
0x3b: {  	[tilespmem:$0x280] =	vst v0  }
0x3c: {  	[tilespmem:$0x290] =	vst v0  }
0x3d: {  	[tilespmem:$0x2A0] =	vst v0  }
0x3e: {  	[tilespmem:$0x2B0] =	vst v0  }
0x3f: {  	[tilespmem:$0x2C0] =	vst v0  }
0x40: {  	[tilespmem:$0x2D0] =	vst v0  }
0x41: {  	[tilespmem:$0x2E0] =	vst v0  }
0x42: {  	[tilespmem:$0x2F0] =	vst v0  }
0x43: {  	[tilespmem:$0x300] =	vst v0  }
0x44: {  	[tilespmem:$0x310] =	vst v0  }
0x45: {  	[tilespmem:$0x320] =	vst v0  }
0x46: {  	[tilespmem:$0x330] =	vst v0  }
0x47: {  	[tilespmem:$0x340] =	vst v0  }
0x48: {  	[tilespmem:$0x350] =	vst v0  }
0x49: {  	[tilespmem:$0x360] =	vst v0  }
0x4a: {  	[tilespmem:$0x370] =	vst v0  }
0x4b: {  	[tilespmem:$0x380] =	vst v0  }
0x4c: {  	[tilespmem:$0x390] =	vst v0  }
0x4d: {  	[tilespmem:$0x3A0] =	vst v0  }
0x4e: {  	[tilespmem:$0x3B0] =	vst v0  }
0x4f: {  	[tilespmem:$0x3C0] =	vst v0  }
0x50: {  	[tilespmem:$0x3D0] =	vst v0  }
0x51: {  	[tilespmem:$0x3E0] =	vst v0  }
0x52: {  	s26 =	sadd.s32 $0x0, s6;
	[tilespmem:$0x3F0] =	vst v0  }
0x53: {  	[spmem:s26] =	stream.linear.scatter [tilespmem:s4], [sflag:$0x4], $0x400, $0x38;
	[tilespmem:$0x1E800] =	vst v63  }
0x54: {  	s26 =	simm.s32 $0x1000;
	_ =	swait.ge [sflag:s11], $0x400  }
.LBB2_2:
0x55: {  	s28 =	sshra.s32 s26, $0x2;
	[sflag:s11] =	ssyncset.done $0x0;
	p0 =	sne.s32 s26, $0x4E000  }
.Ltmp0:
0x56: {  	s28 =	sadd.s32 s28, s6;
	[sflag:s11] =	ssyncadd.s32 $0xFFFFFC00;
	(pc) =	sbr.rel @p0 .LBB2_2-.Ltmp0, $3  }
0x57: {  	[spmem:s28] =	stream.linear.scatter [tilespmem:s4], [sflag:$0x4], $0x400, $0x38;
	[tilespmem:$0x1E800] =	vst v63  }
0x58: {  	s26 =	sadd.s32 $0x1000, s26;
	_ =	sdelay $0x1  }
0x59: {  	_ =	swait.ge [sflag:s11], $0x400  }
0x5a: {  	[sflag:s11] =	ssyncset.done $0x0  }
0x5b: {  	[sflag:s11] =	ssyncadd.s32 $0xFFFFFC00  }
0x5c: {  	_ =	swait.ge [sflag:s12], $0x2800  }
0x5d: {  	[sflag:s12] =	ssyncset.done $0x0  }
0x5e: {  	[sflag:s12] =	ssyncadd.s32 $0xFFFFD800  }
0x5f: {  	[bflag:$0x0] =	sbarrier.arrive $0xFFFF  }
0x60: {  	[tilespmem:s14], [sflag:$0x2] =	stream.indirect.gather [hbm4b:s0+s13], $0x80, s10, s13, $0xb8;
	[tilespmem:$0x1E800] =	vst v63  }
0x61: {  	s26 =	simm.s32 $0x14100  }
0x62: {  	[tilespmem:s15], [sflag:$0x3] =	stream.indirect.gather [hbm4b:s0+s13], $0x80, s26, s13, $0xb8;
	[tilespmem:$0x1E800] =	vst v63  }
0x63: {  	_ =	swait.ge [sflag:s16], $0x4000  }
0x64: {  	[sflag:s16] =	ssyncset.done $0x0  }
0x65: {  	s31 =	simm.s32 $0x14080;
	[sflag:s16] =	ssyncadd.s32 $0xFFFFC000  }
0x66: {  	[spmem:s3] =	stream.indirect.scatter.add.f32 [tilespmem:s14], [sflag:$0x4], $0x80, s31, s13, $0xb8;
	[tilespmem:$0x1E800] =	vst v63  }
0x67: {  	_ =	swait.ge [sflag:s11], $0x4000  }
0x68: {  	[sflag:s11] =	ssyncset.done $0x0  }
0x69: {  	s28 =	simm.s32 $0x14200;
	[sflag:s11] =	ssyncadd.s32 $0xFFFFC000  }
0x6a: {  	[tilespmem:s14], [sflag:$0x2] =	stream.indirect.gather [hbm4b:s0+s13], $0x80, s28, s13, $0xb8;
	[tilespmem:$0x1E800] =	vst v63  }
0x6b: {  	_ =	swait.ge [sflag:s17], $0x4000  }
0x6c: {  	[sflag:s17] =	ssyncset.done $0x0  }
0x6d: {  	s29 =	simm.s32 $0x14180;
	[sflag:s17] =	ssyncadd.s32 $0xFFFFC000  }
0x6e: {  	[spmem:s3] =	stream.indirect.scatter.add.f32 [tilespmem:s15], [sflag:$0x4], $0x80, s29, s13, $0xb8;
	[tilespmem:$0x1E800] =	vst v63  }
0x6f: {  	_ =	swait.ge [sflag:s11], $0x4000  }
0x70: {  	[sflag:s11] =	ssyncset.done $0x0  }
0x71: {  	s31 =	simm.s32 $0x14300;
	[sflag:s11] =	ssyncadd.s32 $0xFFFFC000  }
0x72: {  	[tilespmem:s15], [sflag:$0x3] =	stream.indirect.gather [hbm4b:s0+s13], $0x80, s31, s13, $0xb8;
	[tilespmem:$0x1E800] =	vst v63  }
0x73: {  	_ =	swait.ge [sflag:s16], $0x4000  }
0x74: {  	[sflag:s16] =	ssyncset.done $0x0  }
0x75: {  	s28 =	simm.s32 $0x14280;
	[sflag:s16] =	ssyncadd.s32 $0xFFFFC000  }
0x76: {  	[spmem:s3] =	stream.indirect.scatter.add.f32 [tilespmem:s14], [sflag:$0x4], $0x80, s28, s13, $0xb8;
	[tilespmem:$0x1E800] =	vst v63  }
0x77: {  	_ =	swait.ge [sflag:s11], $0x4000  }
0x78: {  	[sflag:s11] =	ssyncset.done $0x0  }
0x79: {  	s29 =	simm.s32 $0x14400;
	[sflag:s11] =	ssyncadd.s32 $0xFFFFC000  }
0x7a: {  	[tilespmem:s14], [sflag:$0x2] =	stream.indirect.gather [hbm4b:s0+s13], $0x80, s29, s13, $0xb8;
	[tilespmem:$0x1E800] =	vst v63  }
0x7b: {  	_ =	swait.ge [sflag:s17], $0x4000  }
0x7c: {  	[sflag:s17] =	ssyncset.done $0x0  }
0x7d: {  	s31 =	simm.s32 $0x14380;
	[sflag:s17] =	ssyncadd.s32 $0xFFFFC000  }
0x7e: {  	[spmem:s3] =	stream.indirect.scatter.add.f32 [tilespmem:s15], [sflag:$0x4], $0x80, s31, s13, $0xb8;
	[tilespmem:$0x1E800] =	vst v63  }
0x7f: {  	_ =	swait.ge [sflag:s11], $0x4000  }
0x80: {  	s30 =	simm.s32 $0x2000;
	s26 =	simm.s32 $0x400;
	[sflag:s11] =	ssyncset.done $0x0  }
.LBB2_4:
0x81: {  	s31 =	sadd.s32 $0x14100, s26  }
0x82: {  	[sflag:s11] =	ssyncadd.s32 $0xFFFFC000;
	s29 =	smov.u32 s30;
	s28 =	sadd.s32 $0x1000, s30  }
0x83: {  	[tilespmem:s15], [sflag:$0x3] =	stream.indirect.gather [hbm4b:s0+s13], $0x80, s31, s13, $0xb8;
	[tilespmem:$0x1E800] =	vst v63  }
0x84: {  	p0 =	sne.s32 s30, $0x8000;
	_ =	swait.ge [sflag:s16], $0x4000  }
0x85: {  	[sflag:s16] =	ssyncset.done $0x0  }
0x86: {  	s30 =	sadd.s32 $0x14080, s26;
	[sflag:s16] =	ssyncadd.s32 $0xFFFFC000  }
0x87: {  	[spmem:s3] =	stream.indirect.scatter.add.f32 [tilespmem:s14], [sflag:$0x4], $0x80, s30, s13, $0xb8;
	[tilespmem:$0x1E800] =	vst v63  }
0x88: {  	_ =	swait.ge [sflag:s11], $0x4000  }
0x89: {  	[sflag:s11] =	ssyncset.done $0x0  }
0x8a: {  	s30 =	sadd.s32 $0x14200, s26;
	[sflag:s11] =	ssyncadd.s32 $0xFFFFC000  }
0x8b: {  	[tilespmem:s14], [sflag:$0x2] =	stream.indirect.gather [hbm4b:s0+s13], $0x80, s30, s13, $0xb8;
	[tilespmem:$0x1E800] =	vst v63  }
0x8c: {  	_ =	swait.ge [sflag:s17], $0x4000  }
0x8d: {  	[sflag:s17] =	ssyncset.done $0x0  }
0x8e: {  	s30 =	sadd.s32 $0x14180, s26;
	[sflag:s17] =	ssyncadd.s32 $0xFFFFC000  }
0x8f: {  	[spmem:s3] =	stream.indirect.scatter.add.f32 [tilespmem:s15], [sflag:$0x4], $0x80, s30, s13, $0xb8;
	[tilespmem:$0x1E800] =	vst v63  }
0x90: {  	_ =	swait.ge [sflag:s11], $0x4000  }
0x91: {  	[sflag:s11] =	ssyncset.done $0x0  }
0x92: {  	s30 =	sadd.s32 $0x14300, s26;
	[sflag:s11] =	ssyncadd.s32 $0xFFFFC000  }
0x93: {  	[tilespmem:s15], [sflag:$0x3] =	stream.indirect.gather [hbm4b:s0+s13], $0x80, s30, s13, $0xb8;
	[tilespmem:$0x1E800] =	vst v63  }
0x94: {  	_ =	swait.ge [sflag:s16], $0x4000  }
0x95: {  	[sflag:s16] =	ssyncset.done $0x0  }
0x96: {  	s30 =	sadd.s32 $0x14280, s26;
	[sflag:s16] =	ssyncadd.s32 $0xFFFFC000  }
0x97: {  	[spmem:s3] =	stream.indirect.scatter.add.f32 [tilespmem:s14], [sflag:$0x4], $0x80, s30, s13, $0xb8;
	[tilespmem:$0x1E800] =	vst v63  }
0x98: {  	_ =	swait.ge [sflag:s11], $0x4000  }
0x99: {  	[sflag:s11] =	ssyncset.done $0x0  }
0x9a: {  	s30 =	sadd.s32 $0x14400, s26;
	[sflag:s11] =	ssyncadd.s32 $0xFFFFC000  }
0x9b: {  	[tilespmem:s14], [sflag:$0x2] =	stream.indirect.gather [hbm4b:s0+s13], $0x80, s30, s13, $0xb8;
	[tilespmem:$0x1E800] =	vst v63  }
0x9c: {  	_ =	swait.ge [sflag:s17], $0x4000  }
.Ltmp1:
0x9d: {  	[sflag:s17] =	ssyncset.done $0x0;
	(pc) =	sbr.rel @p0 .LBB2_4-.Ltmp1, $4  }
0x9e: {  	s26 =	sadd.s32 $0x14380, s26;
	[sflag:s17] =	ssyncadd.s32 $0xFFFFC000  }
0x9f: {  	[spmem:s3] =	stream.indirect.scatter.add.f32 [tilespmem:s15], [sflag:$0x4], $0x80, s26, s13, $0xb8;
	[tilespmem:$0x1E800] =	vst v63  }
0xa0: {  	_ =	swait.ge [sflag:s11], $0x4000  }
0xa1: {  	s30 =	smov.u32 s28;
	s26 =	sshra.s32 s29, $0x2;
	[sflag:s11] =	ssyncset.done $0x0  }
0xa2: {  	s28 =	sadd.s32 $0x14100, s26;
	[sflag:s11] =	ssyncadd.s32 $0xFFFFC000  }
0xa3: {  	[tilespmem:s15], [sflag:$0x3] =	stream.indirect.gather [hbm4b:s0+s13], $0x80, s28, s13, $0xb8;
	[tilespmem:$0x1E800] =	vst v63  }
0xa4: {  	_ =	swait.ge [sflag:s16], $0x4000  }
0xa5: {  	[sflag:s16] =	ssyncset.done $0x0  }
0xa6: {  	s31 =	sadd.s32 $0x14080, s26;
	[sflag:s16] =	ssyncadd.s32 $0xFFFFC000  }
0xa7: {  	[spmem:s3] =	stream.indirect.scatter.add.f32 [tilespmem:s14], [sflag:$0x4], $0x80, s31, s13, $0xb8;
	[tilespmem:$0x1E800] =	vst v63  }
0xa8: {  	_ =	swait.ge [sflag:s11], $0x4000  }
0xa9: {  	[sflag:s11] =	ssyncset.done $0x0  }
0xaa: {  	s29 =	sadd.s32 $0x14200, s26;
	[sflag:s11] =	ssyncadd.s32 $0xFFFFC000  }
0xab: {  	[tilespmem:s14], [sflag:$0x2] =	stream.indirect.gather [hbm4b:s0+s13], $0x80, s29, s13, $0xb8;
	[tilespmem:$0x1E800] =	vst v63  }
0xac: {  	_ =	swait.ge [sflag:s17], $0x4000  }
0xad: {  	[sflag:s17] =	ssyncset.done $0x0  }
0xae: {  	s31 =	sadd.s32 $0x14180, s26;
	[sflag:s17] =	ssyncadd.s32 $0xFFFFC000  }
0xaf: {  	[spmem:s3] =	stream.indirect.scatter.add.f32 [tilespmem:s15], [sflag:$0x4], $0x80, s31, s13, $0xb8;
	[tilespmem:$0x1E800] =	vst v63  }
0xb0: {  	_ =	swait.ge [sflag:s11], $0x4000  }
0xb1: {  	[sflag:s11] =	ssyncset.done $0x0  }
0xb2: {  	s29 =	sadd.s32 $0x14300, s26;
	[sflag:s11] =	ssyncadd.s32 $0xFFFFC000  }
0xb3: {  	[tilespmem:s15], [sflag:$0x3] =	stream.indirect.gather [hbm4b:s0+s13], $0x80, s29, s13, $0xb8;
	[tilespmem:$0x1E800] =	vst v63  }
0xb4: {  	_ =	swait.ge [sflag:s16], $0x4000  }
0xb5: {  	[sflag:s16] =	ssyncset.done $0x0  }
0xb6: {  	s31 =	sadd.s32 $0x14280, s26;
	[sflag:s16] =	ssyncadd.s32 $0xFFFFC000  }
0xb7: {  	[spmem:s3] =	stream.indirect.scatter.add.f32 [tilespmem:s14], [sflag:$0x4], $0x80, s31, s13, $0xb8;
	[tilespmem:$0x1E800] =	vst v63  }
0xb8: {  	_ =	swait.ge [sflag:s11], $0x4000  }
0xb9: {  	[sflag:s11] =	ssyncset.done $0x0  }
0xba: {  	s29 =	sadd.s32 $0x14400, s26;
	[sflag:s11] =	ssyncadd.s32 $0xFFFFC000  }
0xbb: {  	[tilespmem:s14], [sflag:$0x2] =	stream.indirect.gather [hbm4b:s0+s13], $0x80, s29, s13, $0xb8;
	[tilespmem:$0x1E800] =	vst v63  }
0xbc: {  	_ =	swait.ge [sflag:s17], $0x4000  }
0xbd: {  	[sflag:s17] =	ssyncset.done $0x0  }
0xbe: {  	s31 =	sadd.s32 $0x14380, s26;
	[sflag:s17] =	ssyncadd.s32 $0xFFFFC000  }
0xbf: {  	[spmem:s3] =	stream.indirect.scatter.add.f32 [tilespmem:s15], [sflag:$0x4], $0x80, s31, s13, $0xb8;
	[tilespmem:$0x1E800] =	vst v63  }
0xc0: {  	_ =	swait.ge [sflag:s11], $0x4000  }
0xc1: {  	[sflag:s11] =	ssyncset.done $0x0  }
0xc2: {  	[sflag:s11] =	ssyncadd.s32 $0xFFFFC000  }
0xc3: {  	[tilespmem:s15], [sflag:$0x3] =	stream.indirect.gather [hbm4b:s0+s13], $0x80, s18, s13, $0xb8;
	[tilespmem:$0x1E800] =	vst v63  }
0xc4: {  	_ =	swait.ge [sflag:s16], $0x4000  }
0xc5: {  	[sflag:s16] =	ssyncset.done $0x0  }
0xc6: {  	[sflag:s16] =	ssyncadd.s32 $0xFFFFC000  }
0xc7: {  	[spmem:s3] =	stream.indirect.scatter.add.f32 [tilespmem:s14], [sflag:$0x4], $0x80, s19, s13, $0xb8;
	[tilespmem:$0x1E800] =	vst v63  }
0xc8: {  	_ =	swait.ge [sflag:s11], $0x4000  }
0xc9: {  	[sflag:s11] =	ssyncset.done $0x0  }
0xca: {  	[sflag:s11] =	ssyncadd.s32 $0xFFFFC000  }
0xcb: {  	[tilespmem:s14], [sflag:$0x2] =	stream.indirect.gather [hbm4b:s0+s13], $0x80, s20, s13, $0xb8;
	[tilespmem:$0x1E800] =	vst v63  }
0xcc: {  	_ =	swait.ge [sflag:s17], $0x4000  }
0xcd: {  	[sflag:s17] =	ssyncset.done $0x0  }
0xce: {  	[sflag:s17] =	ssyncadd.s32 $0xFFFFC000  }
0xcf: {  	[spmem:s3] =	stream.indirect.scatter.add.f32 [tilespmem:s15], [sflag:$0x4], $0x80, s21, s13, $0xb8;
	[tilespmem:$0x1E800] =	vst v63  }
0xd0: {  	_ =	swait.ge [sflag:s11], $0x4000  }
0xd1: {  	[sflag:s11] =	ssyncset.done $0x0  }
0xd2: {  	[sflag:s11] =	ssyncadd.s32 $0xFFFFC000  }
0xd3: {  	[tilespmem:s15], [sflag:$0x3] =	stream.indirect.gather [hbm4b:s0+s13], $0x80, s22, s13, $0xb8;
	[tilespmem:$0x1E800] =	vst v63  }
0xd4: {  	_ =	swait.ge [sflag:s16], $0x4000  }
0xd5: {  	[sflag:s16] =	ssyncset.done $0x0  }
0xd6: {  	[sflag:s16] =	ssyncadd.s32 $0xFFFFC000  }
0xd7: {  	[spmem:s3] =	stream.indirect.scatter.add.f32 [tilespmem:s14], [sflag:$0x4], $0x80, s23, s13, $0xb8;
	[tilespmem:$0x1E800] =	vst v63  }
0xd8: {  	_ =	swait.ge [sflag:s11], $0x4000  }
0xd9: {  	[sflag:s11] =	ssyncset.done $0x0  }
0xda: {  	[sflag:s11] =	ssyncadd.s32 $0xFFFFC000  }
0xdb: {  	_ =	swait.ge [sflag:s17], $0x4000  }
0xdc: {  	[sflag:s17] =	ssyncset.done $0x0  }
0xdd: {  	[sflag:s17] =	ssyncadd.s32 $0xFFFFC000  }
0xde: {  	[spmem:s3] =	stream.indirect.scatter.add.f32 [tilespmem:s15], [sflag:$0x4], $0x80, s24, s13, $0xb8;
	[tilespmem:$0x1E800] =	vst v63  }
0xdf: {  	_ =	swait.ge [sflag:s11], $0x4000  }
0xe0: {  	[sflag:s11] =	ssyncset.done $0x0  }
0xe1: {  	s28 =	simm.s32 $0x0;
	[sflag:s11] =	ssyncadd.s32 $0xFFFFC000  }
0xe2: {  	[tilespmem:s10], [sflag:$0x4] =	stream.linear.gather [hbm4b:s7+s28], $0x2800, $0x38;
	[tilespmem:$0x1E800] =	vst v63  }
0xe3: {  	_ =	swait.ge [sflag:s11], $0x2800  }
0xe4: {  	[sflag:s11] =	ssyncset.done $0x0  }
0xe5: {  	[sflag:s11] =	ssyncadd.s32 $0xFFFFD800  }
0xe6: {  	[tilespmem:s14], [sflag:$0x2] =	stream.indirect.gather [hbm4b:s0+s13], $0x80, s10, s13, $0xb8;
	[tilespmem:$0x1E800] =	vst v63  }
0xe7: {  	s29 =	simm.s32 $0x14100  }
0xe8: {  	[tilespmem:s15], [sflag:$0x3] =	stream.indirect.gather [hbm4b:s0+s13], $0x80, s29, s13, $0xb8;
	[tilespmem:$0x1E800] =	vst v63  }
0xe9: {  	_ =	swait.ge [sflag:s16], $0x4000  }
0xea: {  	[sflag:s16] =	ssyncset.done $0x0  }
0xeb: {  	s31 =	simm.s32 $0x14080;
	[sflag:s16] =	ssyncadd.s32 $0xFFFFC000  }
0xec: {  	[spmem:s3] =	stream.indirect.scatter.add.f32 [tilespmem:s14], [sflag:$0x4], $0x80, s31, s13, $0xb8;
	[tilespmem:$0x1E800] =	vst v63  }
0xed: {  	_ =	swait.ge [sflag:s11], $0x4000  }
0xee: {  	[sflag:s11] =	ssyncset.done $0x0  }
0xef: {  	s28 =	simm.s32 $0x14200;
	[sflag:s11] =	ssyncadd.s32 $0xFFFFC000  }
0xf0: {  	[tilespmem:s14], [sflag:$0x2] =	stream.indirect.gather [hbm4b:s0+s13], $0x80, s28, s13, $0xb8;
	[tilespmem:$0x1E800] =	vst v63  }
0xf1: {  	_ =	swait.ge [sflag:s17], $0x4000  }
0xf2: {  	[sflag:s17] =	ssyncset.done $0x0  }
0xf3: {  	s29 =	simm.s32 $0x14180;
	[sflag:s17] =	ssyncadd.s32 $0xFFFFC000  }
0xf4: {  	[spmem:s3] =	stream.indirect.scatter.add.f32 [tilespmem:s15], [sflag:$0x4], $0x80, s29, s13, $0xb8;
	[tilespmem:$0x1E800] =	vst v63  }
0xf5: {  	_ =	swait.ge [sflag:s11], $0x4000  }
0xf6: {  	[sflag:s11] =	ssyncset.done $0x0  }
0xf7: {  	s31 =	simm.s32 $0x14300;
	[sflag:s11] =	ssyncadd.s32 $0xFFFFC000  }
0xf8: {  	[tilespmem:s15], [sflag:$0x3] =	stream.indirect.gather [hbm4b:s0+s13], $0x80, s31, s13, $0xb8;
	[tilespmem:$0x1E800] =	vst v63  }
0xf9: {  	_ =	swait.ge [sflag:s16], $0x4000  }
0xfa: {  	[sflag:s16] =	ssyncset.done $0x0  }
0xfb: {  	s28 =	simm.s32 $0x14280;
	[sflag:s16] =	ssyncadd.s32 $0xFFFFC000  }
0xfc: {  	[spmem:s3] =	stream.indirect.scatter.add.f32 [tilespmem:s14], [sflag:$0x4], $0x80, s28, s13, $0xb8;
	[tilespmem:$0x1E800] =	vst v63  }
0xfd: {  	_ =	swait.ge [sflag:s11], $0x4000  }
0xfe: {  	[sflag:s11] =	ssyncset.done $0x0  }
0xff: {  	s29 =	simm.s32 $0x14400;
	[sflag:s11] =	ssyncadd.s32 $0xFFFFC000  }
0x100: {  	[tilespmem:s14], [sflag:$0x2] =	stream.indirect.gather [hbm4b:s0+s13], $0x80, s29, s13, $0xb8;
	[tilespmem:$0x1E800] =	vst v63  }
0x101: {  	_ =	swait.ge [sflag:s17], $0x4000  }
0x102: {  	[sflag:s17] =	ssyncset.done $0x0  }
0x103: {  	s31 =	simm.s32 $0x14380;
	[sflag:s17] =	ssyncadd.s32 $0xFFFFC000  }
0x104: {  	[spmem:s3] =	stream.indirect.scatter.add.f32 [tilespmem:s15], [sflag:$0x4], $0x80, s31, s13, $0xb8;
	[tilespmem:$0x1E800] =	vst v63  }
0x105: {  	_ =	swait.ge [sflag:s11], $0x4000  }
0x106: {  	s30 =	simm.s32 $0x2000;
	s26 =	simm.s32 $0x400;
	[sflag:s11] =	ssyncset.done $0x0  }
.LBB2_6:
0x107: {  	s31 =	sadd.s32 $0x14100, s26  }
0x108: {  	[sflag:s11] =	ssyncadd.s32 $0xFFFFC000;
	s29 =	smov.u32 s30;
	s28 =	sadd.s32 $0x1000, s30  }
0x109: {  	[tilespmem:s15], [sflag:$0x3] =	stream.indirect.gather [hbm4b:s0+s13], $0x80, s31, s13, $0xb8;
	[tilespmem:$0x1E800] =	vst v63  }
0x10a: {  	p0 =	sne.s32 s30, $0x8000;
	_ =	swait.ge [sflag:s16], $0x4000  }
0x10b: {  	[sflag:s16] =	ssyncset.done $0x0  }
0x10c: {  	s30 =	sadd.s32 $0x14080, s26;
	[sflag:s16] =	ssyncadd.s32 $0xFFFFC000  }
0x10d: {  	[spmem:s3] =	stream.indirect.scatter.add.f32 [tilespmem:s14], [sflag:$0x4], $0x80, s30, s13, $0xb8;
	[tilespmem:$0x1E800] =	vst v63  }
0x10e: {  	_ =	swait.ge [sflag:s11], $0x4000  }
0x10f: {  	[sflag:s11] =	ssyncset.done $0x0  }
0x110: {  	s30 =	sadd.s32 $0x14200, s26;
	[sflag:s11] =	ssyncadd.s32 $0xFFFFC000  }
0x111: {  	[tilespmem:s14], [sflag:$0x2] =	stream.indirect.gather [hbm4b:s0+s13], $0x80, s30, s13, $0xb8;
	[tilespmem:$0x1E800] =	vst v63  }
0x112: {  	_ =	swait.ge [sflag:s17], $0x4000  }
0x113: {  	[sflag:s17] =	ssyncset.done $0x0  }
0x114: {  	s30 =	sadd.s32 $0x14180, s26;
	[sflag:s17] =	ssyncadd.s32 $0xFFFFC000  }
0x115: {  	[spmem:s3] =	stream.indirect.scatter.add.f32 [tilespmem:s15], [sflag:$0x4], $0x80, s30, s13, $0xb8;
	[tilespmem:$0x1E800] =	vst v63  }
0x116: {  	_ =	swait.ge [sflag:s11], $0x4000  }
0x117: {  	[sflag:s11] =	ssyncset.done $0x0  }
0x118: {  	s30 =	sadd.s32 $0x14300, s26;
	[sflag:s11] =	ssyncadd.s32 $0xFFFFC000  }
0x119: {  	[tilespmem:s15], [sflag:$0x3] =	stream.indirect.gather [hbm4b:s0+s13], $0x80, s30, s13, $0xb8;
	[tilespmem:$0x1E800] =	vst v63  }
0x11a: {  	_ =	swait.ge [sflag:s16], $0x4000  }
0x11b: {  	[sflag:s16] =	ssyncset.done $0x0  }
0x11c: {  	s30 =	sadd.s32 $0x14280, s26;
	[sflag:s16] =	ssyncadd.s32 $0xFFFFC000  }
0x11d: {  	[spmem:s3] =	stream.indirect.scatter.add.f32 [tilespmem:s14], [sflag:$0x4], $0x80, s30, s13, $0xb8;
	[tilespmem:$0x1E800] =	vst v63  }
0x11e: {  	_ =	swait.ge [sflag:s11], $0x4000  }
0x11f: {  	[sflag:s11] =	ssyncset.done $0x0  }
0x120: {  	s30 =	sadd.s32 $0x14400, s26;
	[sflag:s11] =	ssyncadd.s32 $0xFFFFC000  }
0x121: {  	[tilespmem:s14], [sflag:$0x2] =	stream.indirect.gather [hbm4b:s0+s13], $0x80, s30, s13, $0xb8;
	[tilespmem:$0x1E800] =	vst v63  }
0x122: {  	_ =	swait.ge [sflag:s17], $0x4000  }
.Ltmp2:
0x123: {  	[sflag:s17] =	ssyncset.done $0x0;
	(pc) =	sbr.rel @p0 .LBB2_6-.Ltmp2, $4  }
0x124: {  	s26 =	sadd.s32 $0x14380, s26;
	[sflag:s17] =	ssyncadd.s32 $0xFFFFC000  }
0x125: {  	[spmem:s3] =	stream.indirect.scatter.add.f32 [tilespmem:s15], [sflag:$0x4], $0x80, s26, s13, $0xb8;
	[tilespmem:$0x1E800] =	vst v63  }
0x126: {  	_ =	swait.ge [sflag:s11], $0x4000  }
0x127: {  	s30 =	smov.u32 s28;
	s26 =	sshra.s32 s29, $0x2;
	[sflag:s11] =	ssyncset.done $0x0  }
0x128: {  	s28 =	sadd.s32 $0x14100, s26;
	[sflag:s11] =	ssyncadd.s32 $0xFFFFC000  }
0x129: {  	[tilespmem:s15], [sflag:$0x3] =	stream.indirect.gather [hbm4b:s0+s13], $0x80, s28, s13, $0xb8;
	[tilespmem:$0x1E800] =	vst v63  }
0x12a: {  	_ =	swait.ge [sflag:s16], $0x4000  }
0x12b: {  	[sflag:s16] =	ssyncset.done $0x0  }
0x12c: {  	s29 =	sadd.s32 $0x14080, s26;
	[sflag:s16] =	ssyncadd.s32 $0xFFFFC000  }
0x12d: {  	[spmem:s3] =	stream.indirect.scatter.add.f32 [tilespmem:s14], [sflag:$0x4], $0x80, s29, s13, $0xb8;
	[tilespmem:$0x1E800] =	vst v63  }
0x12e: {  	_ =	swait.ge [sflag:s11], $0x4000  }
0x12f: {  	[sflag:s11] =	ssyncset.done $0x0  }
0x130: {  	s30 =	sadd.s32 $0x14200, s26;
	[sflag:s11] =	ssyncadd.s32 $0xFFFFC000  }
0x131: {  	[tilespmem:s14], [sflag:$0x2] =	stream.indirect.gather [hbm4b:s0+s13], $0x80, s30, s13, $0xb8;
	[tilespmem:$0x1E800] =	vst v63  }
0x132: {  	_ =	swait.ge [sflag:s17], $0x4000  }
0x133: {  	[sflag:s17] =	ssyncset.done $0x0  }
0x134: {  	s31 =	sadd.s32 $0x14180, s26;
	[sflag:s17] =	ssyncadd.s32 $0xFFFFC000  }
0x135: {  	[spmem:s3] =	stream.indirect.scatter.add.f32 [tilespmem:s15], [sflag:$0x4], $0x80, s31, s13, $0xb8;
	[tilespmem:$0x1E800] =	vst v63  }
0x136: {  	_ =	swait.ge [sflag:s11], $0x4000  }
0x137: {  	[sflag:s11] =	ssyncset.done $0x0  }
0x138: {  	s29 =	sadd.s32 $0x14300, s26;
	[sflag:s11] =	ssyncadd.s32 $0xFFFFC000  }
0x139: {  	[tilespmem:s15], [sflag:$0x3] =	stream.indirect.gather [hbm4b:s0+s13], $0x80, s29, s13, $0xb8;
	[tilespmem:$0x1E800] =	vst v63  }
0x13a: {  	_ =	swait.ge [sflag:s16], $0x4000  }
0x13b: {  	[sflag:s16] =	ssyncset.done $0x0  }
0x13c: {  	s30 =	sadd.s32 $0x14280, s26;
	[sflag:s16] =	ssyncadd.s32 $0xFFFFC000  }
0x13d: {  	[spmem:s3] =	stream.indirect.scatter.add.f32 [tilespmem:s14], [sflag:$0x4], $0x80, s30, s13, $0xb8;
	[tilespmem:$0x1E800] =	vst v63  }
0x13e: {  	_ =	swait.ge [sflag:s11], $0x4000  }
0x13f: {  	[sflag:s11] =	ssyncset.done $0x0  }
0x140: {  	s31 =	sadd.s32 $0x14400, s26;
	[sflag:s11] =	ssyncadd.s32 $0xFFFFC000  }
0x141: {  	[tilespmem:s14], [sflag:$0x2] =	stream.indirect.gather [hbm4b:s0+s13], $0x80, s31, s13, $0xb8;
	[tilespmem:$0x1E800] =	vst v63  }
0x142: {  	_ =	swait.ge [sflag:s17], $0x4000  }
0x143: {  	[sflag:s17] =	ssyncset.done $0x0  }
0x144: {  	s29 =	sadd.s32 $0x14380, s26;
	[sflag:s17] =	ssyncadd.s32 $0xFFFFC000  }
0x145: {  	[spmem:s3] =	stream.indirect.scatter.add.f32 [tilespmem:s15], [sflag:$0x4], $0x80, s29, s13, $0xb8;
	[tilespmem:$0x1E800] =	vst v63  }
0x146: {  	_ =	swait.ge [sflag:s11], $0x4000  }
0x147: {  	[sflag:s11] =	ssyncset.done $0x0  }
0x148: {  	[sflag:s11] =	ssyncadd.s32 $0xFFFFC000  }
0x149: {  	[tilespmem:s15], [sflag:$0x3] =	stream.indirect.gather [hbm4b:s0+s13], $0x80, s18, s13, $0xb8;
	[tilespmem:$0x1E800] =	vst v63  }
0x14a: {  	_ =	swait.ge [sflag:s16], $0x4000  }
0x14b: {  	[sflag:s16] =	ssyncset.done $0x0  }
0x14c: {  	[sflag:s16] =	ssyncadd.s32 $0xFFFFC000  }
0x14d: {  	[spmem:s3] =	stream.indirect.scatter.add.f32 [tilespmem:s14], [sflag:$0x4], $0x80, s19, s13, $0xb8;
	[tilespmem:$0x1E800] =	vst v63  }
0x14e: {  	_ =	swait.ge [sflag:s11], $0x4000  }
0x14f: {  	[sflag:s11] =	ssyncset.done $0x0  }
0x150: {  	[sflag:s11] =	ssyncadd.s32 $0xFFFFC000  }
0x151: {  	[tilespmem:s14], [sflag:$0x2] =	stream.indirect.gather [hbm4b:s0+s13], $0x80, s20, s13, $0xb8;
	[tilespmem:$0x1E800] =	vst v63  }
0x152: {  	_ =	swait.ge [sflag:s17], $0x4000  }
0x153: {  	[sflag:s17] =	ssyncset.done $0x0  }
0x154: {  	[sflag:s17] =	ssyncadd.s32 $0xFFFFC000  }
0x155: {  	[spmem:s3] =	stream.indirect.scatter.add.f32 [tilespmem:s15], [sflag:$0x4], $0x80, s21, s13, $0xb8;
	[tilespmem:$0x1E800] =	vst v63  }
0x156: {  	_ =	swait.ge [sflag:s11], $0x4000  }
0x157: {  	[sflag:s11] =	ssyncset.done $0x0  }
0x158: {  	[sflag:s11] =	ssyncadd.s32 $0xFFFFC000  }
0x159: {  	[tilespmem:s15], [sflag:$0x3] =	stream.indirect.gather [hbm4b:s0+s13], $0x80, s22, s13, $0xb8;
	[tilespmem:$0x1E800] =	vst v63  }
0x15a: {  	_ =	swait.ge [sflag:s16], $0x4000  }
0x15b: {  	[sflag:s16] =	ssyncset.done $0x0  }
0x15c: {  	[sflag:s16] =	ssyncadd.s32 $0xFFFFC000  }
0x15d: {  	[spmem:s3] =	stream.indirect.scatter.add.f32 [tilespmem:s14], [sflag:$0x4], $0x80, s23, s13, $0xb8;
	[tilespmem:$0x1E800] =	vst v63  }
0x15e: {  	_ =	swait.ge [sflag:s11], $0x4000  }
0x15f: {  	[sflag:s11] =	ssyncset.done $0x0  }
0x160: {  	[sflag:s11] =	ssyncadd.s32 $0xFFFFC000  }
0x161: {  	_ =	swait.ge [sflag:s17], $0x4000  }
0x162: {  	[sflag:s17] =	ssyncset.done $0x0  }
0x163: {  	[sflag:s17] =	ssyncadd.s32 $0xFFFFC000  }
0x164: {  	[spmem:s3] =	stream.indirect.scatter.add.f32 [tilespmem:s15], [sflag:$0x4], $0x80, s24, s13, $0xb8;
	[tilespmem:$0x1E800] =	vst v63  }
0x165: {  	_ =	swait.ge [sflag:s11], $0x4000  }
0x166: {  	s25 =	sadd.s32 $0x1, s25;
	s30 =	sshll.u32 s2, $0x6;
	[sflag:s11] =	ssyncset.done $0x0  }
0x167: {  	p0 =	sne.s32 s25, s9;
	s26 =	sor.u32 $0x1C04, s30;
	[sflag:s11] =	ssyncadd.s32 $0xFFFFC000  }
.Ltmp3:
0x168: {  	s31 =	sshrl.u32 s6, $0x3;
	[bflag:$0x0] =	sbarrier.arrive $0xFFFF;
	(pc) =	sbr.rel @p0 .LBB2_1-.Ltmp3, $4  }
0x169: {  	[hbm:s8], [sflag:s26] =	dma.local [spmem:s31], $0x2780  }
0x16a: {  	_ =	swait.ge [sflag:s11], $0x2780  }
0x16b: {  	[sflag:s11] =	ssyncset.done $0x0  }
0x16c: {  	[sflag:s11] =	ssyncadd.s32 $0xFFFFD880  }
0x16d: {  	_ =	sfence.sel $0x180000  }
0x16e: {  	[bflag:$0x0] =	sbarrier.arrive $0xFFFF  }
0x16f: {  	p0 =	sne.s32 s2, $0x0;
	_ =	strace $0x9000004A  }
0x170: {  	s0 =	sadd.s32 @!p0 $0x100000, s1;
	[bflag:$0x2] =	sbarrier.arrive $0xFFFF  }
0x171: {  	[sflag:s0] =	ssyncadd.tile.s32 @!p0 $0x1;
	_ =	shalt  }
.Lfunc_end2:
_tile_overlayer_lowered:
.L_overlay_start_2:
0x172: {  	(tag) =	ssettag $0x2  }
0x173: {  	s0 =	rddreg [dreg:$0x0];
	s2 =	stileid.u32  }
0x174: {  	s1 =	rddreg [dreg:$0x1];
	p0 =	sne.s32 s2, $0x0  }
0x175: {  	s3 =	rddreg [dreg:$0x2];
	[bflag:$0x3] =	sbarrier.arrive $0xFFFF;
	s2 =	simm.s32 @!p0 $0x1C04  }
0x176: {  	[timem:s3], [sflag:s2] =	dma.local @!p0 [hbm:s0], s1  }
0x177: {  	s0 =	simm.s32 @!p0 $0x4  }
0x178: {  	_ =	swait.ge @!p0 [sflag:s0], s1  }
0x179: {  	s1 =	ssub.s32 @!p0 $0x0, s1;
	[sflag:s0] =	ssyncset.done @!p0 $0x0  }
0x17a: {  	[sflag:s0] =	ssyncadd.s32 @!p0 s1  }
0x17b: {  	[bflag:$0x3] =	sbarrier.arrive $0xFFFF  }
0x17c: {  	_ =	shalt  }

</sc_bundles>
